<compile_context>
chip_gen: v7x
topology: tpu7x:2x2x1
jax: 0.10.2.dev20260603
libtpu: 0.0.44.dev20260713+nightly
codegen_flags: <defaults>
</compile_context>

<pallas_src>
import jax
import jax.numpy as jnp
from jax import lax
from jax.experimental import pallas as pl
from jax.experimental.pallas import tpu as pltpu
from jax.experimental.pallas import tpu_sc as plsc

B, N, S, D = 8, 512, 256, 64
NC, NS, L = 2, 16, 16
NW = NC * NS
ROWS_PER_W = D // NW
HP = N // 2

_MESH = plsc.VectorSubcoreMesh(
    core_axis_name="c", subcore_axis_name="s",
    num_cores=NC, num_subcores=NS,
)


def _sc_lookup_body(time_hbm, space_hbm, tt_hbm, st_hbm,
                    tchunk, schunk, rowbuf_t, rowbuf_s):
    wid = lax.axis_index("s") * NC + lax.axis_index("c")
    pltpu.sync_copy(time_hbm.at[pl.ds(0, S)], tchunk)
    pltpu.sync_copy(space_hbm, schunk)
    lane = lax.iota(jnp.int32, 16)
    for r in range(ROWS_PER_W):
        d = wid * ROWS_PER_W + r
        dvec = jnp.full((L,), d, jnp.int32)
        for i in range(S // L):
            rowbuf_t[pl.ds(i * L, L)] = plsc.load_gather(tchunk, [lane + i * L, dvec])
        pltpu.sync_copy(rowbuf_t, tt_hbm.at[d])
        for i in range(N // L):
            rowbuf_s[pl.ds(i * L, L)] = plsc.load_gather(schunk, [lane + i * L, dvec])
        pltpu.sync_copy(rowbuf_s, st_hbm.at[d])


_sc_lookup = pl.kernel(
    _sc_lookup_body,
    out_type=(
        jax.ShapeDtypeStruct((D, S), jnp.float32),
        jax.ShapeDtypeStruct((D, N), jnp.float32),
    ),
    mesh=_MESH,
    scratch_types=[
        pltpu.VMEM((S, D), jnp.float32),
        pltpu.VMEM((N, D), jnp.float32),
        pltpu.VMEM((S,), jnp.float32),
        pltpu.VMEM((N,), jnp.float32),
    ],
    compiler_params=pltpu.CompilerParams(needs_layout_passes=False),
)


def _sc_planes_body(tt_hbm, st_hbm, out_hbm, colt, cols, hplane, sem):
    wid = lax.axis_index("s") * NC + lax.axis_index("c")
    for r in range(ROWS_PER_W):
        d = wid * ROWS_PER_W + r
        pltpu.sync_copy(tt_hbm.at[d], colt)
        pltpu.sync_copy(st_hbm.at[d], cols)
        for h in range(2):
            def row_body(n, carry, h=h):
                splat = plsc.load_gather(cols, [jnp.full((L,), h * HP, jnp.int32) + n])
                for i in range(S // L):
                    hplane[n, pl.ds(i * L, L)] = colt[pl.ds(i * L, L)] + splat
                return carry
            lax.fori_loop(0, HP, row_body, 0)
            copies = [
                pltpu.async_copy(hplane, out_hbm.at[b, d, pl.ds(h * HP, HP)], sem)
                for b in range(B)
            ]
            for c in copies:
                c.wait()


_sc_planes = pl.kernel(
    _sc_planes_body,
    out_type=jax.ShapeDtypeStruct((B, D, N, S), jnp.float32),
    mesh=_MESH,
    scratch_types=[
        pltpu.VMEM((S,), jnp.float32),
        pltpu.VMEM((N,), jnp.float32),
        pltpu.VMEM((HP, S), jnp.float32),
        pltpu.SemaphoreType.DMA,
    ],
    compiler_params=pltpu.CompilerParams(needs_layout_passes=False),
)


def kernel(input_ids, time_table, space_table):
    del input_ids
    tt, st = _sc_lookup(time_table, space_table)
    return _sc_planes(tt, st)

# --- scband reference (transcript-rebuilt; emitter-appended) ---
"""Pipeline reference for scband-bertspace-time-embedding-51951924412555 (READ-ONLY COPY).

The authoritative reference and input builder live on the scoring server;
editing this copy changes nothing except your own understanding.
"""

import jax, jax.numpy as jnp
import numpy as np

B, N, S, D = 8, 512, 256, 64
MAX_POS, NUM_NODES = 512, 512

def setup_inputs(seed: int = 0):
    key = jax.random.key(seed)
    k1, k2, k3 = jax.random.split(key, 3)
    input_ids = jax.random.randint(k1, (B, N, S), 0, 512, dtype=jnp.int32)
    time_table = jax.random.normal(k2, (MAX_POS, D), dtype=jnp.float32)
    space_table = jax.random.normal(k3, (NUM_NODES, D), dtype=jnp.float32)
    return {"input_ids": input_ids, "time_table": time_table, "space_table": space_table}

def reference(input_ids, time_table, space_table):
    batch_size = input_ids.shape[0]
    seq_len = input_ids.shape[-1]
    n_nodes = input_ids.shape[-2]
    # time embeddings: gather positions 0..seq_len-1, expand over batch
    position_ids = jnp.arange(seq_len, dtype=jnp.int32)
    time_emb = jnp.take(time_table, position_ids, axis=0)  # [S, D]
    time_emb = jnp.broadcast_to(time_emb[None, :, :], (batch_size, seq_len, time_emb.shape[-1]))
    # space embeddings: gather nodes 0..n_nodes-1, expand over batch and seq
    node_ids = jnp.arange(n_nodes, dtype=jnp.int32)
    space_emb = jnp.take(space_table, node_ids, axis=0)  # [N, D]
    space_emb = jnp.broadcast_to(space_emb[None, None, :, :], (batch_size, seq_len, n_nodes, space_emb.shape[-1]))
    # sum with broadcast: [B, S, 1, D] + [B, S, N, D] -> [B, S, N, D]
    st = time_emb[:, :, None, :] + space_emb
    # torch transpose(1, 3): swap dims 1 and 3 -> [B, D, N, S]
    return jnp.transpose(st, (0, 3, 2, 1))

if __name__ == "__main__":
    import jax
    _d = setup_inputs()
    print(jax.jit(kernel)(*tuple(_d.values())))

</pallas_src>

<mosaic_0001>
#map = affine_map<(d0, d1) -> (0, 0)>
module attributes {stable_mosaic.version = 14 : i64} {
  func.func @_sc_lookup_body(%arg0: i32, %arg1: i32, %arg2: memref<512x64xf32, #tpu.memory_space<hbm>>, %arg3: memref<512x64xf32, #tpu.memory_space<hbm>>, %arg4: memref<64x256xf32, #tpu.memory_space<hbm>>, %arg5: memref<64x512xf32, #tpu.memory_space<hbm>>, %arg6: memref<256x64xf32, #tpu.memory_space<vmem>>, %arg7: memref<512x64xf32, #tpu.memory_space<vmem>>, %arg8: memref<256xf32, #tpu.memory_space<vmem>>, %arg9: memref<512xf32, #tpu.memory_space<vmem>>) attributes {dimension_semantics = [#tpu.dimension_semantics<core_parallel>, #tpu.dimension_semantics<subcore_parallel>], iteration_bounds = array<i64: 2, 16>, scalar_prefetch = 0 : i64, scratch_operands = 4 : i64, tpu.core_type = #tpu.core_type<sc_vector_subcore>, window_params = [{transform_indices = #map}, {transform_indices = #map}, {transform_indices = #map}, {transform_indices = #map}]} {
    %mul3A = arith.constant 2 : i32
    %mul3A_0 = arith.muli %arg1, %mul3A : i32
    %add3A = arith.addi %mul3A_0, %arg0 : i32
    "tpu.region"() ({
      %run_scoped3A = tpu.sem_alloc : memref<!tpu.dma_semaphore, #tpu.memory_space<semaphore_mem>>
      %dma_start3A = arith.constant 0 : i32
      %dma_start3A_584 = arith.constant 0 : i32
      %dma_start3A_585 = tpu.memref_slice %arg2[%dma_start3A, %dma_start3A_584] : memref<512x64xf32, #tpu.memory_space<hbm>> -> memref<256x64xf32, #tpu.memory_space<hbm>>
      %dma_start3A_586 = arith.constant 0 : i32
      %dma_start3A_587 = arith.constant 0 : i32
      %dma_start3A_588 = tpu.memref_slice %arg2[%dma_start3A_586, %dma_start3A_587] : memref<512x64xf32, #tpu.memory_space<hbm>> -> memref<256x64xf32, #tpu.memory_space<hbm>>
      tpu.enqueue_dma source(%dma_start3A_588 : memref<256x64xf32, #tpu.memory_space<hbm>>) target(%arg6 : memref<256x64xf32, #tpu.memory_space<vmem>>) target_semaphore(%run_scoped3A : memref<!tpu.dma_semaphore, #tpu.memory_space<semaphore_mem>>)
      %dma_wait3A = arith.constant 0 : i32
      %dma_wait3A_589 = arith.constant 0 : i32
      %dma_wait3A_590 = tpu.memref_slice %arg2[%dma_wait3A, %dma_wait3A_589] : memref<512x64xf32, #tpu.memory_space<hbm>> -> memref<256x64xf32, #tpu.memory_space<hbm>>
      %dma_wait3A_591 = arith.constant 0 : i32
      %dma_wait3A_592 = arith.constant 0 : i32
      %dma_wait3A_593 = tpu.memref_slice %arg2[%dma_wait3A_591, %dma_wait3A_592] : memref<512x64xf32, #tpu.memory_space<hbm>> -> memref<256x64xf32, #tpu.memory_space<hbm>>
      tpu.wait_dma2 semaphore(%run_scoped3A : memref<!tpu.dma_semaphore, #tpu.memory_space<semaphore_mem>>) src(%dma_wait3A_593 : memref<256x64xf32, #tpu.memory_space<hbm>>) dst(%arg6 : memref<256x64xf32, #tpu.memory_space<vmem>>)
      tpu.yield
    }) : () -> ()
    "tpu.region"() ({
      %run_scoped3A = tpu.sem_alloc : memref<!tpu.dma_semaphore, #tpu.memory_space<semaphore_mem>>
      tpu.enqueue_dma source(%arg3 : memref<512x64xf32, #tpu.memory_space<hbm>>) target(%arg7 : memref<512x64xf32, #tpu.memory_space<vmem>>) target_semaphore(%run_scoped3A : memref<!tpu.dma_semaphore, #tpu.memory_space<semaphore_mem>>)
      tpu.wait_dma2 semaphore(%run_scoped3A : memref<!tpu.dma_semaphore, #tpu.memory_space<semaphore_mem>>) src(%arg3 : memref<512x64xf32, #tpu.memory_space<hbm>>) dst(%arg7 : memref<512x64xf32, #tpu.memory_space<vmem>>)
      tpu.yield
    }) : () -> ()
    %iota3A = tpu.iota {dimensions = array<i32: 0>} : vector<16xi32>
    %mul3A_1 = arith.constant 2 : i32
    %mul3A_2 = arith.muli %add3A, %mul3A_1 : i32
    %add3A_3 = arith.constant 0 : i32
    %add3A_4 = arith.addi %mul3A_2, %add3A_3 : i32
    %broadcast_in_dim3A = vector.broadcast %add3A_4 : i32 to vector<16xi32>
    %add3A_5 = arith.constant 0 : i32
    %add3A_6 = vector.broadcast %add3A_5 : i32 to vector<16xi32>
    %add3A_7 = arith.addi %iota3A, %add3A_6 : vector<16xi32>
    %gather3A = tpu.vector_load_idx %arg6[%add3A_7, %broadcast_in_dim3A] : memref<256x64xf32, #tpu.memory_space<vmem>>[vector<16xi32>, vector<16xi32>], vector<16xf32>,
    %swap3A = arith.constant 0 : index
    %swap3A_8 = tpu.vector_load %arg8[%swap3A] {strides = array<i32>} : memref<256xf32, #tpu.memory_space<vmem>>, vector<16xf32>,
    tpu.vector_store %arg8[%swap3A], %gather3A {strides = array<i32>} : memref<256xf32, #tpu.memory_space<vmem>>, vector<16xf32>,
    %add3A_9 = arith.constant 16 : i32
    %add3A_10 = vector.broadcast %add3A_9 : i32 to vector<16xi32>
    %add3A_11 = arith.addi %iota3A, %add3A_10 : vector<16xi32>
    %gather3A_12 = tpu.vector_load_idx %arg6[%add3A_11, %broadcast_in_dim3A] : memref<256x64xf32, #tpu.memory_space<vmem>>[vector<16xi32>, vector<16xi32>], vector<16xf32>,
    %swap3A_13 = arith.constant 16 : index
    %swap3A_14 = tpu.vector_load %arg8[%swap3A_13] {strides = array<i32>} : memref<256xf32, #tpu.memory_space<vmem>>, vector<16xf32>,
    tpu.vector_store %arg8[%swap3A_13], %gather3A_12 {strides = array<i32>} : memref<256xf32, #tpu.memory_space<vmem>>, vector<16xf32>,
    %add3A_15 = arith.constant 32 : i32
    %add3A_16 = vector.broadcast %add3A_15 : i32 to vector<16xi32>
    %add3A_17 = arith.addi %iota3A, %add3A_16 : vector<16xi32>
    %gather3A_18 = tpu.vector_load_idx %arg6[%add3A_17, %broadcast_in_dim3A] : memref<256x64xf32, #tpu.memory_space<vmem>>[vector<16xi32>, vector<16xi32>], vector<16xf32>,
    %swap3A_19 = arith.constant 32 : index
    %swap3A_20 = tpu.vector_load %arg8[%swap3A_19] {strides = array<i32>} : memref<256xf32, #tpu.memory_space<vmem>>, vector<16xf32>,
    tpu.vector_store %arg8[%swap3A_19], %gather3A_18 {strides = array<i32>} : memref<256xf32, #tpu.memory_space<vmem>>, vector<16xf32>,
    %add3A_21 = arith.constant 48 : i32
    %add3A_22 = vector.broadcast %add3A_21 : i32 to vector<16xi32>
    %add3A_23 = arith.addi %iota3A, %add3A_22 : vector<16xi32>
    %gather3A_24 = tpu.vector_load_idx %arg6[%add3A_23, %broadcast_in_dim3A] : memref<256x64xf32, #tpu.memory_space<vmem>>[vector<16xi32>, vector<16xi32>], vector<16xf32>,
    %swap3A_25 = arith.constant 48 : index
    %swap3A_26 = tpu.vector_load %arg8[%swap3A_25] {strides = array<i32>} : memref<256xf32, #tpu.memory_space<vmem>>, vector<16xf32>,
    tpu.vector_store %arg8[%swap3A_25], %gather3A_24 {strides = array<i32>} : memref<256xf32, #tpu.memory_space<vmem>>, vector<16xf32>,
    %add3A_27 = arith.constant 64 : i32
    %add3A_28 = vector.broadcast %add3A_27 : i32 to vector<16xi32>
    %add3A_29 = arith.addi %iota3A, %add3A_28 : vector<16xi32>
    %gather3A_30 = tpu.vector_load_idx %arg6[%add3A_29, %broadcast_in_dim3A] : memref<256x64xf32, #tpu.memory_space<vmem>>[vector<16xi32>, vector<16xi32>], vector<16xf32>,
    %swap3A_31 = arith.constant 64 : index
    %swap3A_32 = tpu.vector_load %arg8[%swap3A_31] {strides = array<i32>} : memref<256xf32, #tpu.memory_space<vmem>>, vector<16xf32>,
    tpu.vector_store %arg8[%swap3A_31], %gather3A_30 {strides = array<i32>} : memref<256xf32, #tpu.memory_space<vmem>>, vector<16xf32>,
    %add3A_33 = arith.constant 80 : i32
    %add3A_34 = vector.broadcast %add3A_33 : i32 to vector<16xi32>
    %add3A_35 = arith.addi %iota3A, %add3A_34 : vector<16xi32>
    %gather3A_36 = tpu.vector_load_idx %arg6[%add3A_35, %broadcast_in_dim3A] : memref<256x64xf32, #tpu.memory_space<vmem>>[vector<16xi32>, vector<16xi32>], vector<16xf32>,
    %swap3A_37 = arith.constant 80 : index
    %swap3A_38 = tpu.vector_load %arg8[%swap3A_37] {strides = array<i32>} : memref<256xf32, #tpu.memory_space<vmem>>, vector<16xf32>,
    tpu.vector_store %arg8[%swap3A_37], %gather3A_36 {strides = array<i32>} : memref<256xf32, #tpu.memory_space<vmem>>, vector<16xf32>,
    %add3A_39 = arith.constant 96 : i32
    %add3A_40 = vector.broadcast %add3A_39 : i32 to vector<16xi32>
    %add3A_41 = arith.addi %iota3A, %add3A_40 : vector<16xi32>
    %gather3A_42 = tpu.vector_load_idx %arg6[%add3A_41, %broadcast_in_dim3A] : memref<256x64xf32, #tpu.memory_space<vmem>>[vector<16xi32>, vector<16xi32>], vector<16xf32>,
    %swap3A_43 = arith.constant 96 : index
    %swap3A_44 = tpu.vector_load %arg8[%swap3A_43] {strides = array<i32>} : memref<256xf32, #tpu.memory_space<vmem>>, vector<16xf32>,
    tpu.vector_store %arg8[%swap3A_43], %gather3A_42 {strides = array<i32>} : memref<256xf32, #tpu.memory_space<vmem>>, vector<16xf32>,
    %add3A_45 = arith.constant 112 : i32
    %add3A_46 = vector.broadcast %add3A_45 : i32 to vector<16xi32>
    %add3A_47 = arith.addi %iota3A, %add3A_46 : vector<16xi32>
    %gather3A_48 = tpu.vector_load_idx %arg6[%add3A_47, %broadcast_in_dim3A] : memref<256x64xf32, #tpu.memory_space<vmem>>[vector<16xi32>, vector<16xi32>], vector<16xf32>,
    %swap3A_49 = arith.constant 112 : index
    %swap3A_50 = tpu.vector_load %arg8[%swap3A_49] {strides = array<i32>} : memref<256xf32, #tpu.memory_space<vmem>>, vector<16xf32>,
    tpu.vector_store %arg8[%swap3A_49], %gather3A_48 {strides = array<i32>} : memref<256xf32, #tpu.memory_space<vmem>>, vector<16xf32>,
    %add3A_51 = arith.constant 128 : i32
    %add3A_52 = vector.broadcast %add3A_51 : i32 to vector<16xi32>
    %add3A_53 = arith.addi %iota3A, %add3A_52 : vector<16xi32>
    %gather3A_54 = tpu.vector_load_idx %arg6[%add3A_53, %broadcast_in_dim3A] : memref<256x64xf32, #tpu.memory_space<vmem>>[vector<16xi32>, vector<16xi32>], vector<16xf32>,
    %swap3A_55 = arith.constant 128 : index
    %swap3A_56 = tpu.vector_load %arg8[%swap3A_55] {strides = array<i32>} : memref<256xf32, #tpu.memory_space<vmem>>, vector<16xf32>,
    tpu.vector_store %arg8[%swap3A_55], %gather3A_54 {strides = array<i32>} : memref<256xf32, #tpu.memory_space<vmem>>, vector<16xf32>,
    %add3A_57 = arith.constant 144 : i32
    %add3A_58 = vector.broadcast %add3A_57 : i32 to vector<16xi32>
    %add3A_59 = arith.addi %iota3A, %add3A_58 : vector<16xi32>
    %gather3A_60 = tpu.vector_load_idx %arg6[%add3A_59, %broadcast_in_dim3A] : memref<256x64xf32, #tpu.memory_space<vmem>>[vector<16xi32>, vector<16xi32>], vector<16xf32>,
    %swap3A_61 = arith.constant 144 : index
    %swap3A_62 = tpu.vector_load %arg8[%swap3A_61] {strides = array<i32>} : memref<256xf32, #tpu.memory_space<vmem>>, vector<16xf32>,
    tpu.vector_store %arg8[%swap3A_61], %gather3A_60 {strides = array<i32>} : memref<256xf32, #tpu.memory_space<vmem>>, vector<16xf32>,
    %add3A_63 = arith.constant 160 : i32
    %add3A_64 = vector.broadcast %add3A_63 : i32 to vector<16xi32>
    %add3A_65 = arith.addi %iota3A, %add3A_64 : vector<16xi32>
    %gather3A_66 = tpu.vector_load_idx %arg6[%add3A_65, %broadcast_in_dim3A] : memref<256x64xf32, #tpu.memory_space<vmem>>[vector<16xi32>, vector<16xi32>], vector<16xf32>,
    %swap3A_67 = arith.constant 160 : index
    %swap3A_68 = tpu.vector_load %arg8[%swap3A_67] {strides = array<i32>} : memref<256xf32, #tpu.memory_space<vmem>>, vector<16xf32>,
    tpu.vector_store %arg8[%swap3A_67], %gather3A_66 {strides = array<i32>} : memref<256xf32, #tpu.memory_space<vmem>>, vector<16xf32>,
    %add3A_69 = arith.constant 176 : i32
    %add3A_70 = vector.broadcast %add3A_69 : i32 to vector<16xi32>
    %add3A_71 = arith.addi %iota3A, %add3A_70 : vector<16xi32>
    %gather3A_72 = tpu.vector_load_idx %arg6[%add3A_71, %broadcast_in_dim3A] : memref<256x64xf32, #tpu.memory_space<vmem>>[vector<16xi32>, vector<16xi32>], vector<16xf32>,
    %swap3A_73 = arith.constant 176 : index
    %swap3A_74 = tpu.vector_load %arg8[%swap3A_73] {strides = array<i32>} : memref<256xf32, #tpu.memory_space<vmem>>, vector<16xf32>,
    tpu.vector_store %arg8[%swap3A_73], %gather3A_72 {strides = array<i32>} : memref<256xf32, #tpu.memory_space<vmem>>, vector<16xf32>,
    %add3A_75 = arith.constant 192 : i32
    %add3A_76 = vector.broadcast %add3A_75 : i32 to vector<16xi32>
    %add3A_77 = arith.addi %iota3A, %add3A_76 : vector<16xi32>
    %gather3A_78 = tpu.vector_load_idx %arg6[%add3A_77, %broadcast_in_dim3A] : memref<256x64xf32, #tpu.memory_space<vmem>>[vector<16xi32>, vector<16xi32>], vector<16xf32>,
    %swap3A_79 = arith.constant 192 : index
    %swap3A_80 = tpu.vector_load %arg8[%swap3A_79] {strides = array<i32>} : memref<256xf32, #tpu.memory_space<vmem>>, vector<16xf32>,
    tpu.vector_store %arg8[%swap3A_79], %gather3A_78 {strides = array<i32>} : memref<256xf32, #tpu.memory_space<vmem>>, vector<16xf32>,
    %add3A_81 = arith.constant 208 : i32
    %add3A_82 = vector.broadcast %add3A_81 : i32 to vector<16xi32>
    %add3A_83 = arith.addi %iota3A, %add3A_82 : vector<16xi32>
    %gather3A_84 = tpu.vector_load_idx %arg6[%add3A_83, %broadcast_in_dim3A] : memref<256x64xf32, #tpu.memory_space<vmem>>[vector<16xi32>, vector<16xi32>], vector<16xf32>,
    %swap3A_85 = arith.constant 208 : index
    %swap3A_86 = tpu.vector_load %arg8[%swap3A_85] {strides = array<i32>} : memref<256xf32, #tpu.memory_space<vmem>>, vector<16xf32>,
    tpu.vector_store %arg8[%swap3A_85], %gather3A_84 {strides = array<i32>} : memref<256xf32, #tpu.memory_space<vmem>>, vector<16xf32>,
    %add3A_87 = arith.constant 224 : i32
    %add3A_88 = vector.broadcast %add3A_87 : i32 to vector<16xi32>
    %add3A_89 = arith.addi %iota3A, %add3A_88 : vector<16xi32>
    %gather3A_90 = tpu.vector_load_idx %arg6[%add3A_89, %broadcast_in_dim3A] : memref<256x64xf32, #tpu.memory_space<vmem>>[vector<16xi32>, vector<16xi32>], vector<16xf32>,
    %swap3A_91 = arith.constant 224 : index
    %swap3A_92 = tpu.vector_load %arg8[%swap3A_91] {strides = array<i32>} : memref<256xf32, #tpu.memory_space<vmem>>, vector<16xf32>,
    tpu.vector_store %arg8[%swap3A_91], %gather3A_90 {strides = array<i32>} : memref<256xf32, #tpu.memory_space<vmem>>, vector<16xf32>,
    %add3A_93 = arith.constant 240 : i32
    %add3A_94 = vector.broadcast %add3A_93 : i32 to vector<16xi32>
    %add3A_95 = arith.addi %iota3A, %add3A_94 : vector<16xi32>
    %gather3A_96 = tpu.vector_load_idx %arg6[%add3A_95, %broadcast_in_dim3A] : memref<256x64xf32, #tpu.memory_space<vmem>>[vector<16xi32>, vector<16xi32>], vector<16xf32>,
    %swap3A_97 = arith.constant 240 : index
    %swap3A_98 = tpu.vector_load %arg8[%swap3A_97] {strides = array<i32>} : memref<256xf32, #tpu.memory_space<vmem>>, vector<16xf32>,
    tpu.vector_store %arg8[%swap3A_97], %gather3A_96 {strides = array<i32>} : memref<256xf32, #tpu.memory_space<vmem>>, vector<16xf32>,
    "tpu.region"() ({
      %run_scoped3A = tpu.sem_alloc : memref<!tpu.dma_semaphore, #tpu.memory_space<semaphore_mem>>
      %dma_start3A = arith.constant 0 : i32
      %dma_start3A_584 = tpu.memref_slice %arg4[%add3A_4, %dma_start3A] : memref<64x256xf32, #tpu.memory_space<hbm>> -> memref<1x256xf32, #tpu.memory_space<hbm>>
      %dma_start3A_585 = tpu.memref_squeeze %dma_start3A_584 : memref<1x256xf32, #tpu.memory_space<hbm>> -> memref<256xf32, #tpu.memory_space<hbm>>
      %dma_start3A_586 = arith.constant 0 : i32
      %dma_start3A_587 = tpu.memref_slice %arg4[%add3A_4, %dma_start3A_586] : memref<64x256xf32, #tpu.memory_space<hbm>> -> memref<1x256xf32, #tpu.memory_space<hbm>>
      %dma_start3A_588 = tpu.memref_squeeze %dma_start3A_587 : memref<1x256xf32, #tpu.memory_space<hbm>> -> memref<256xf32, #tpu.memory_space<hbm>>
      tpu.enqueue_dma source(%arg8 : memref<256xf32, #tpu.memory_space<vmem>>) target(%dma_start3A_588 : memref<256xf32, #tpu.memory_space<hbm>>) target_semaphore(%run_scoped3A : memref<!tpu.dma_semaphore, #tpu.memory_space<semaphore_mem>>)
      %dma_wait3A = arith.constant 0 : i32
      %dma_wait3A_589 = tpu.memref_slice %arg4[%add3A_4, %dma_wait3A] : memref<64x256xf32, #tpu.memory_space<hbm>> -> memref<1x256xf32, #tpu.memory_space<hbm>>
      %dma_wait3A_590 = tpu.memref_squeeze %dma_wait3A_589 : memref<1x256xf32, #tpu.memory_space<hbm>> -> memref<256xf32, #tpu.memory_space<hbm>>
      %dma_wait3A_591 = arith.constant 0 : i32
      %dma_wait3A_592 = tpu.memref_slice %arg4[%add3A_4, %dma_wait3A_591] : memref<64x256xf32, #tpu.memory_space<hbm>> -> memref<1x256xf32, #tpu.memory_space<hbm>>
      %dma_wait3A_593 = tpu.memref_squeeze %dma_wait3A_592 : memref<1x256xf32, #tpu.memory_space<hbm>> -> memref<256xf32, #tpu.memory_space<hbm>>
      tpu.wait_dma2 semaphore(%run_scoped3A : memref<!tpu.dma_semaphore, #tpu.memory_space<semaphore_mem>>) src(%arg8 : memref<256xf32, #tpu.memory_space<vmem>>) dst(%dma_wait3A_593 : memref<256xf32, #tpu.memory_space<hbm>>)
      tpu.yield
    }) : () -> ()
    %add3A_99 = arith.constant 0 : i32
    %add3A_100 = vector.broadcast %add3A_99 : i32 to vector<16xi32>
    %add3A_101 = arith.addi %iota3A, %add3A_100 : vector<16xi32>
    %gather3A_102 = tpu.vector_load_idx %arg7[%add3A_101, %broadcast_in_dim3A] : memref<512x64xf32, #tpu.memory_space<vmem>>[vector<16xi32>, vector<16xi32>], vector<16xf32>,
    %swap3A_103 = arith.constant 0 : index
    %swap3A_104 = tpu.vector_load %arg9[%swap3A_103] {strides = array<i32>} : memref<512xf32, #tpu.memory_space<vmem>>, vector<16xf32>,
    tpu.vector_store %arg9[%swap3A_103], %gather3A_102 {strides = array<i32>} : memref<512xf32, #tpu.memory_space<vmem>>, vector<16xf32>,
    %add3A_105 = arith.constant 16 : i32
    %add3A_106 = vector.broadcast %add3A_105 : i32 to vector<16xi32>
    %add3A_107 = arith.addi %iota3A, %add3A_106 : vector<16xi32>
    %gather3A_108 = tpu.vector_load_idx %arg7[%add3A_107, %broadcast_in_dim3A] : memref<512x64xf32, #tpu.memory_space<vmem>>[vector<16xi32>, vector<16xi32>], vector<16xf32>,
    %swap3A_109 = arith.constant 16 : index
    %swap3A_110 = tpu.vector_load %arg9[%swap3A_109] {strides = array<i32>} : memref<512xf32, #tpu.memory_space<vmem>>, vector<16xf32>,
    tpu.vector_store %arg9[%swap3A_109], %gather3A_108 {strides = array<i32>} : memref<512xf32, #tpu.memory_space<vmem>>, vector<16xf32>,
    %add3A_111 = arith.constant 32 : i32
    %add3A_112 = vector.broadcast %add3A_111 : i32 to vector<16xi32>
    %add3A_113 = arith.addi %iota3A, %add3A_112 : vector<16xi32>
    %gather3A_114 = tpu.vector_load_idx %arg7[%add3A_113, %broadcast_in_dim3A] : memref<512x64xf32, #tpu.memory_space<vmem>>[vector<16xi32>, vector<16xi32>], vector<16xf32>,
    %swap3A_115 = arith.constant 32 : index
    %swap3A_116 = tpu.vector_load %arg9[%swap3A_115] {strides = array<i32>} : memref<512xf32, #tpu.memory_space<vmem>>, vector<16xf32>,
    tpu.vector_store %arg9[%swap3A_115], %gather3A_114 {strides = array<i32>} : memref<512xf32, #tpu.memory_space<vmem>>, vector<16xf32>,
    %add3A_117 = arith.constant 48 : i32
    %add3A_118 = vector.broadcast %add3A_117 : i32 to vector<16xi32>
    %add3A_119 = arith.addi %iota3A, %add3A_118 : vector<16xi32>
    %gather3A_120 = tpu.vector_load_idx %arg7[%add3A_119, %broadcast_in_dim3A] : memref<512x64xf32, #tpu.memory_space<vmem>>[vector<16xi32>, vector<16xi32>], vector<16xf32>,
    %swap3A_121 = arith.constant 48 : index
    %swap3A_122 = tpu.vector_load %arg9[%swap3A_121] {strides = array<i32>} : memref<512xf32, #tpu.memory_space<vmem>>, vector<16xf32>,
    tpu.vector_store %arg9[%swap3A_121], %gather3A_120 {strides = array<i32>} : memref<512xf32, #tpu.memory_space<vmem>>, vector<16xf32>,
    %add3A_123 = arith.constant 64 : i32
    %add3A_124 = vector.broadcast %add3A_123 : i32 to vector<16xi32>
    %add3A_125 = arith.addi %iota3A, %add3A_124 : vector<16xi32>
    %gather3A_126 = tpu.vector_load_idx %arg7[%add3A_125, %broadcast_in_dim3A] : memref<512x64xf32, #tpu.memory_space<vmem>>[vector<16xi32>, vector<16xi32>], vector<16xf32>,
    %swap3A_127 = arith.constant 64 : index
    %swap3A_128 = tpu.vector_load %arg9[%swap3A_127] {strides = array<i32>} : memref<512xf32, #tpu.memory_space<vmem>>, vector<16xf32>,
    tpu.vector_store %arg9[%swap3A_127], %gather3A_126 {strides = array<i32>} : memref<512xf32, #tpu.memory_space<vmem>>, vector<16xf32>,
    %add3A_129 = arith.constant 80 : i32
    %add3A_130 = vector.broadcast %add3A_129 : i32 to vector<16xi32>
    %add3A_131 = arith.addi %iota3A, %add3A_130 : vector<16xi32>
    %gather3A_132 = tpu.vector_load_idx %arg7[%add3A_131, %broadcast_in_dim3A] : memref<512x64xf32, #tpu.memory_space<vmem>>[vector<16xi32>, vector<16xi32>], vector<16xf32>,
    %swap3A_133 = arith.constant 80 : index
    %swap3A_134 = tpu.vector_load %arg9[%swap3A_133] {strides = array<i32>} : memref<512xf32, #tpu.memory_space<vmem>>, vector<16xf32>,
    tpu.vector_store %arg9[%swap3A_133], %gather3A_132 {strides = array<i32>} : memref<512xf32, #tpu.memory_space<vmem>>, vector<16xf32>,
    %add3A_135 = arith.constant 96 : i32
    %add3A_136 = vector.broadcast %add3A_135 : i32 to vector<16xi32>
    %add3A_137 = arith.addi %iota3A, %add3A_136 : vector<16xi32>
    %gather3A_138 = tpu.vector_load_idx %arg7[%add3A_137, %broadcast_in_dim3A] : memref<512x64xf32, #tpu.memory_space<vmem>>[vector<16xi32>, vector<16xi32>], vector<16xf32>,
    %swap3A_139 = arith.constant 96 : index
    %swap3A_140 = tpu.vector_load %arg9[%swap3A_139] {strides = array<i32>} : memref<512xf32, #tpu.memory_space<vmem>>, vector<16xf32>,
    tpu.vector_store %arg9[%swap3A_139], %gather3A_138 {strides = array<i32>} : memref<512xf32, #tpu.memory_space<vmem>>, vector<16xf32>,
    %add3A_141 = arith.constant 112 : i32
    %add3A_142 = vector.broadcast %add3A_141 : i32 to vector<16xi32>
    %add3A_143 = arith.addi %iota3A, %add3A_142 : vector<16xi32>
    %gather3A_144 = tpu.vector_load_idx %arg7[%add3A_143, %broadcast_in_dim3A] : memref<512x64xf32, #tpu.memory_space<vmem>>[vector<16xi32>, vector<16xi32>], vector<16xf32>,
    %swap3A_145 = arith.constant 112 : index
    %swap3A_146 = tpu.vector_load %arg9[%swap3A_145] {strides = array<i32>} : memref<512xf32, #tpu.memory_space<vmem>>, vector<16xf32>,
    tpu.vector_store %arg9[%swap3A_145], %gather3A_144 {strides = array<i32>} : memref<512xf32, #tpu.memory_space<vmem>>, vector<16xf32>,
    %add3A_147 = arith.constant 128 : i32
    %add3A_148 = vector.broadcast %add3A_147 : i32 to vector<16xi32>
    %add3A_149 = arith.addi %iota3A, %add3A_148 : vector<16xi32>
    %gather3A_150 = tpu.vector_load_idx %arg7[%add3A_149, %broadcast_in_dim3A] : memref<512x64xf32, #tpu.memory_space<vmem>>[vector<16xi32>, vector<16xi32>], vector<16xf32>,
    %swap3A_151 = arith.constant 128 : index
    %swap3A_152 = tpu.vector_load %arg9[%swap3A_151] {strides = array<i32>} : memref<512xf32, #tpu.memory_space<vmem>>, vector<16xf32>,
    tpu.vector_store %arg9[%swap3A_151], %gather3A_150 {strides = array<i32>} : memref<512xf32, #tpu.memory_space<vmem>>, vector<16xf32>,
    %add3A_153 = arith.constant 144 : i32
    %add3A_154 = vector.broadcast %add3A_153 : i32 to vector<16xi32>
    %add3A_155 = arith.addi %iota3A, %add3A_154 : vector<16xi32>
    %gather3A_156 = tpu.vector_load_idx %arg7[%add3A_155, %broadcast_in_dim3A] : memref<512x64xf32, #tpu.memory_space<vmem>>[vector<16xi32>, vector<16xi32>], vector<16xf32>,
    %swap3A_157 = arith.constant 144 : index
    %swap3A_158 = tpu.vector_load %arg9[%swap3A_157] {strides = array<i32>} : memref<512xf32, #tpu.memory_space<vmem>>, vector<16xf32>,
    tpu.vector_store %arg9[%swap3A_157], %gather3A_156 {strides = array<i32>} : memref<512xf32, #tpu.memory_space<vmem>>, vector<16xf32>,
    %add3A_159 = arith.constant 160 : i32
    %add3A_160 = vector.broadcast %add3A_159 : i32 to vector<16xi32>
    %add3A_161 = arith.addi %iota3A, %add3A_160 : vector<16xi32>
    %gather3A_162 = tpu.vector_load_idx %arg7[%add3A_161, %broadcast_in_dim3A] : memref<512x64xf32, #tpu.memory_space<vmem>>[vector<16xi32>, vector<16xi32>], vector<16xf32>,
    %swap3A_163 = arith.constant 160 : index
    %swap3A_164 = tpu.vector_load %arg9[%swap3A_163] {strides = array<i32>} : memref<512xf32, #tpu.memory_space<vmem>>, vector<16xf32>,
    tpu.vector_store %arg9[%swap3A_163], %gather3A_162 {strides = array<i32>} : memref<512xf32, #tpu.memory_space<vmem>>, vector<16xf32>,
    %add3A_165 = arith.constant 176 : i32
    %add3A_166 = vector.broadcast %add3A_165 : i32 to vector<16xi32>
    %add3A_167 = arith.addi %iota3A, %add3A_166 : vector<16xi32>
    %gather3A_168 = tpu.vector_load_idx %arg7[%add3A_167, %broadcast_in_dim3A] : memref<512x64xf32, #tpu.memory_space<vmem>>[vector<16xi32>, vector<16xi32>], vector<16xf32>,
    %swap3A_169 = arith.constant 176 : index
    %swap3A_170 = tpu.vector_load %arg9[%swap3A_169] {strides = array<i32>} : memref<512xf32, #tpu.memory_space<vmem>>, vector<16xf32>,
    tpu.vector_store %arg9[%swap3A_169], %gather3A_168 {strides = array<i32>} : memref<512xf32, #tpu.memory_space<vmem>>, vector<16xf32>,
    %add3A_171 = arith.constant 192 : i32
    %add3A_172 = vector.broadcast %add3A_171 : i32 to vector<16xi32>
    %add3A_173 = arith.addi %iota3A, %add3A_172 : vector<16xi32>
    %gather3A_174 = tpu.vector_load_idx %arg7[%add3A_173, %broadcast_in_dim3A] : memref<512x64xf32, #tpu.memory_space<vmem>>[vector<16xi32>, vector<16xi32>], vector<16xf32>,
    %swap3A_175 = arith.constant 192 : index
    %swap3A_176 = tpu.vector_load %arg9[%swap3A_175] {strides = array<i32>} : memref<512xf32, #tpu.memory_space<vmem>>, vector<16xf32>,
    tpu.vector_store %arg9[%swap3A_175], %gather3A_174 {strides = array<i32>} : memref<512xf32, #tpu.memory_space<vmem>>, vector<16xf32>,
    %add3A_177 = arith.constant 208 : i32
    %add3A_178 = vector.broadcast %add3A_177 : i32 to vector<16xi32>
    %add3A_179 = arith.addi %iota3A, %add3A_178 : vector<16xi32>
    %gather3A_180 = tpu.vector_load_idx %arg7[%add3A_179, %broadcast_in_dim3A] : memref<512x64xf32, #tpu.memory_space<vmem>>[vector<16xi32>, vector<16xi32>], vector<16xf32>,
    %swap3A_181 = arith.constant 208 : index
    %swap3A_182 = tpu.vector_load %arg9[%swap3A_181] {strides = array<i32>} : memref<512xf32, #tpu.memory_space<vmem>>, vector<16xf32>,
    tpu.vector_store %arg9[%swap3A_181], %gather3A_180 {strides = array<i32>} : memref<512xf32, #tpu.memory_space<vmem>>, vector<16xf32>,
    %add3A_183 = arith.constant 224 : i32
    %add3A_184 = vector.broadcast %add3A_183 : i32 to vector<16xi32>
    %add3A_185 = arith.addi %iota3A, %add3A_184 : vector<16xi32>
    %gather3A_186 = tpu.vector_load_idx %arg7[%add3A_185, %broadcast_in_dim3A] : memref<512x64xf32, #tpu.memory_space<vmem>>[vector<16xi32>, vector<16xi32>], vector<16xf32>,
    %swap3A_187 = arith.constant 224 : index
    %swap3A_188 = tpu.vector_load %arg9[%swap3A_187] {strides = array<i32>} : memref<512xf32, #tpu.memory_space<vmem>>, vector<16xf32>,
    tpu.vector_store %arg9[%swap3A_187], %gather3A_186 {strides = array<i32>} : memref<512xf32, #tpu.memory_space<vmem>>, vector<16xf32>,
    %add3A_189 = arith.constant 240 : i32
    %add3A_190 = vector.broadcast %add3A_189 : i32 to vector<16xi32>
    %add3A_191 = arith.addi %iota3A, %add3A_190 : vector<16xi32>
    %gather3A_192 = tpu.vector_load_idx %arg7[%add3A_191, %broadcast_in_dim3A] : memref<512x64xf32, #tpu.memory_space<vmem>>[vector<16xi32>, vector<16xi32>], vector<16xf32>,
    %swap3A_193 = arith.constant 240 : index
    %swap3A_194 = tpu.vector_load %arg9[%swap3A_193] {strides = array<i32>} : memref<512xf32, #tpu.memory_space<vmem>>, vector<16xf32>,
    tpu.vector_store %arg9[%swap3A_193], %gather3A_192 {strides = array<i32>} : memref<512xf32, #tpu.memory_space<vmem>>, vector<16xf32>,
    %add3A_195 = arith.constant 256 : i32
    %add3A_196 = vector.broadcast %add3A_195 : i32 to vector<16xi32>
    %add3A_197 = arith.addi %iota3A, %add3A_196 : vector<16xi32>
    %gather3A_198 = tpu.vector_load_idx %arg7[%add3A_197, %broadcast_in_dim3A] : memref<512x64xf32, #tpu.memory_space<vmem>>[vector<16xi32>, vector<16xi32>], vector<16xf32>,
    %swap3A_199 = arith.constant 256 : index
    %swap3A_200 = tpu.vector_load %arg9[%swap3A_199] {strides = array<i32>} : memref<512xf32, #tpu.memory_space<vmem>>, vector<16xf32>,
    tpu.vector_store %arg9[%swap3A_199], %gather3A_198 {strides = array<i32>} : memref<512xf32, #tpu.memory_space<vmem>>, vector<16xf32>,
    %add3A_201 = arith.constant 272 : i32
    %add3A_202 = vector.broadcast %add3A_201 : i32 to vector<16xi32>
    %add3A_203 = arith.addi %iota3A, %add3A_202 : vector<16xi32>
    %gather3A_204 = tpu.vector_load_idx %arg7[%add3A_203, %broadcast_in_dim3A] : memref<512x64xf32, #tpu.memory_space<vmem>>[vector<16xi32>, vector<16xi32>], vector<16xf32>,
    %swap3A_205 = arith.constant 272 : index
    %swap3A_206 = tpu.vector_load %arg9[%swap3A_205] {strides = array<i32>} : memref<512xf32, #tpu.memory_space<vmem>>, vector<16xf32>,
    tpu.vector_store %arg9[%swap3A_205], %gather3A_204 {strides = array<i32>} : memref<512xf32, #tpu.memory_space<vmem>>, vector<16xf32>,
    %add3A_207 = arith.constant 288 : i32
    %add3A_208 = vector.broadcast %add3A_207 : i32 to vector<16xi32>
    %add3A_209 = arith.addi %iota3A, %add3A_208 : vector<16xi32>
    %gather3A_210 = tpu.vector_load_idx %arg7[%add3A_209, %broadcast_in_dim3A] : memref<512x64xf32, #tpu.memory_space<vmem>>[vector<16xi32>, vector<16xi32>], vector<16xf32>,
    %swap3A_211 = arith.constant 288 : index
    %swap3A_212 = tpu.vector_load %arg9[%swap3A_211] {strides = array<i32>} : memref<512xf32, #tpu.memory_space<vmem>>, vector<16xf32>,
    tpu.vector_store %arg9[%swap3A_211], %gather3A_210 {strides = array<i32>} : memref<512xf32, #tpu.memory_space<vmem>>, vector<16xf32>,
    %add3A_213 = arith.constant 304 : i32
    %add3A_214 = vector.broadcast %add3A_213 : i32 to vector<16xi32>
    %add3A_215 = arith.addi %iota3A, %add3A_214 : vector<16xi32>
    %gather3A_216 = tpu.vector_load_idx %arg7[%add3A_215, %broadcast_in_dim3A] : memref<512x64xf32, #tpu.memory_space<vmem>>[vector<16xi32>, vector<16xi32>], vector<16xf32>,
    %swap3A_217 = arith.constant 304 : index
    %swap3A_218 = tpu.vector_load %arg9[%swap3A_217] {strides = array<i32>} : memref<512xf32, #tpu.memory_space<vmem>>, vector<16xf32>,
    tpu.vector_store %arg9[%swap3A_217], %gather3A_216 {strides = array<i32>} : memref<512xf32, #tpu.memory_space<vmem>>, vector<16xf32>,
    %add3A_219 = arith.constant 320 : i32
    %add3A_220 = vector.broadcast %add3A_219 : i32 to vector<16xi32>
    %add3A_221 = arith.addi %iota3A, %add3A_220 : vector<16xi32>
    %gather3A_222 = tpu.vector_load_idx %arg7[%add3A_221, %broadcast_in_dim3A] : memref<512x64xf32, #tpu.memory_space<vmem>>[vector<16xi32>, vector<16xi32>], vector<16xf32>,
    %swap3A_223 = arith.constant 320 : index
    %swap3A_224 = tpu.vector_load %arg9[%swap3A_223] {strides = array<i32>} : memref<512xf32, #tpu.memory_space<vmem>>, vector<16xf32>,
    tpu.vector_store %arg9[%swap3A_223], %gather3A_222 {strides = array<i32>} : memref<512xf32, #tpu.memory_space<vmem>>, vector<16xf32>,
    %add3A_225 = arith.constant 336 : i32
    %add3A_226 = vector.broadcast %add3A_225 : i32 to vector<16xi32>
    %add3A_227 = arith.addi %iota3A, %add3A_226 : vector<16xi32>
    %gather3A_228 = tpu.vector_load_idx %arg7[%add3A_227, %broadcast_in_dim3A] : memref<512x64xf32, #tpu.memory_space<vmem>>[vector<16xi32>, vector<16xi32>], vector<16xf32>,
    %swap3A_229 = arith.constant 336 : index
    %swap3A_230 = tpu.vector_load %arg9[%swap3A_229] {strides = array<i32>} : memref<512xf32, #tpu.memory_space<vmem>>, vector<16xf32>,
    tpu.vector_store %arg9[%swap3A_229], %gather3A_228 {strides = array<i32>} : memref<512xf32, #tpu.memory_space<vmem>>, vector<16xf32>,
    %add3A_231 = arith.constant 352 : i32
    %add3A_232 = vector.broadcast %add3A_231 : i32 to vector<16xi32>
    %add3A_233 = arith.addi %iota3A, %add3A_232 : vector<16xi32>
    %gather3A_234 = tpu.vector_load_idx %arg7[%add3A_233, %broadcast_in_dim3A] : memref<512x64xf32, #tpu.memory_space<vmem>>[vector<16xi32>, vector<16xi32>], vector<16xf32>,
    %swap3A_235 = arith.constant 352 : index
    %swap3A_236 = tpu.vector_load %arg9[%swap3A_235] {strides = array<i32>} : memref<512xf32, #tpu.memory_space<vmem>>, vector<16xf32>,
    tpu.vector_store %arg9[%swap3A_235], %gather3A_234 {strides = array<i32>} : memref<512xf32, #tpu.memory_space<vmem>>, vector<16xf32>,
    %add3A_237 = arith.constant 368 : i32
    %add3A_238 = vector.broadcast %add3A_237 : i32 to vector<16xi32>
    %add3A_239 = arith.addi %iota3A, %add3A_238 : vector<16xi32>
    %gather3A_240 = tpu.vector_load_idx %arg7[%add3A_239, %broadcast_in_dim3A] : memref<512x64xf32, #tpu.memory_space<vmem>>[vector<16xi32>, vector<16xi32>], vector<16xf32>,
    %swap3A_241 = arith.constant 368 : index
    %swap3A_242 = tpu.vector_load %arg9[%swap3A_241] {strides = array<i32>} : memref<512xf32, #tpu.memory_space<vmem>>, vector<16xf32>,
    tpu.vector_store %arg9[%swap3A_241], %gather3A_240 {strides = array<i32>} : memref<512xf32, #tpu.memory_space<vmem>>, vector<16xf32>,
    %add3A_243 = arith.constant 384 : i32
    %add3A_244 = vector.broadcast %add3A_243 : i32 to vector<16xi32>
    %add3A_245 = arith.addi %iota3A, %add3A_244 : vector<16xi32>
    %gather3A_246 = tpu.vector_load_idx %arg7[%add3A_245, %broadcast_in_dim3A] : memref<512x64xf32, #tpu.memory_space<vmem>>[vector<16xi32>, vector<16xi32>], vector<16xf32>,
    %swap3A_247 = arith.constant 384 : index
    %swap3A_248 = tpu.vector_load %arg9[%swap3A_247] {strides = array<i32>} : memref<512xf32, #tpu.memory_space<vmem>>, vector<16xf32>,
    tpu.vector_store %arg9[%swap3A_247], %gather3A_246 {strides = array<i32>} : memref<512xf32, #tpu.memory_space<vmem>>, vector<16xf32>,
    %add3A_249 = arith.constant 400 : i32
    %add3A_250 = vector.broadcast %add3A_249 : i32 to vector<16xi32>
    %add3A_251 = arith.addi %iota3A, %add3A_250 : vector<16xi32>
    %gather3A_252 = tpu.vector_load_idx %arg7[%add3A_251, %broadcast_in_dim3A] : memref<512x64xf32, #tpu.memory_space<vmem>>[vector<16xi32>, vector<16xi32>], vector<16xf32>,
    %swap3A_253 = arith.constant 400 : index
    %swap3A_254 = tpu.vector_load %arg9[%swap3A_253] {strides = array<i32>} : memref<512xf32, #tpu.memory_space<vmem>>, vector<16xf32>,
    tpu.vector_store %arg9[%swap3A_253], %gather3A_252 {strides = array<i32>} : memref<512xf32, #tpu.memory_space<vmem>>, vector<16xf32>,
    %add3A_255 = arith.constant 416 : i32
    %add3A_256 = vector.broadcast %add3A_255 : i32 to vector<16xi32>
    %add3A_257 = arith.addi %iota3A, %add3A_256 : vector<16xi32>
    %gather3A_258 = tpu.vector_load_idx %arg7[%add3A_257, %broadcast_in_dim3A] : memref<512x64xf32, #tpu.memory_space<vmem>>[vector<16xi32>, vector<16xi32>], vector<16xf32>,
    %swap3A_259 = arith.constant 416 : index
    %swap3A_260 = tpu.vector_load %arg9[%swap3A_259] {strides = array<i32>} : memref<512xf32, #tpu.memory_space<vmem>>, vector<16xf32>,
    tpu.vector_store %arg9[%swap3A_259], %gather3A_258 {strides = array<i32>} : memref<512xf32, #tpu.memory_space<vmem>>, vector<16xf32>,
    %add3A_261 = arith.constant 432 : i32
    %add3A_262 = vector.broadcast %add3A_261 : i32 to vector<16xi32>
    %add3A_263 = arith.addi %iota3A, %add3A_262 : vector<16xi32>
    %gather3A_264 = tpu.vector_load_idx %arg7[%add3A_263, %broadcast_in_dim3A] : memref<512x64xf32, #tpu.memory_space<vmem>>[vector<16xi32>, vector<16xi32>], vector<16xf32>,
    %swap3A_265 = arith.constant 432 : index
    %swap3A_266 = tpu.vector_load %arg9[%swap3A_265] {strides = array<i32>} : memref<512xf32, #tpu.memory_space<vmem>>, vector<16xf32>,
    tpu.vector_store %arg9[%swap3A_265], %gather3A_264 {strides = array<i32>} : memref<512xf32, #tpu.memory_space<vmem>>, vector<16xf32>,
    %add3A_267 = arith.constant 448 : i32
    %add3A_268 = vector.broadcast %add3A_267 : i32 to vector<16xi32>
    %add3A_269 = arith.addi %iota3A, %add3A_268 : vector<16xi32>
    %gather3A_270 = tpu.vector_load_idx %arg7[%add3A_269, %broadcast_in_dim3A] : memref<512x64xf32, #tpu.memory_space<vmem>>[vector<16xi32>, vector<16xi32>], vector<16xf32>,
    %swap3A_271 = arith.constant 448 : index
    %swap3A_272 = tpu.vector_load %arg9[%swap3A_271] {strides = array<i32>} : memref<512xf32, #tpu.memory_space<vmem>>, vector<16xf32>,
    tpu.vector_store %arg9[%swap3A_271], %gather3A_270 {strides = array<i32>} : memref<512xf32, #tpu.memory_space<vmem>>, vector<16xf32>,
    %add3A_273 = arith.constant 464 : i32
    %add3A_274 = vector.broadcast %add3A_273 : i32 to vector<16xi32>
    %add3A_275 = arith.addi %iota3A, %add3A_274 : vector<16xi32>
    %gather3A_276 = tpu.vector_load_idx %arg7[%add3A_275, %broadcast_in_dim3A] : memref<512x64xf32, #tpu.memory_space<vmem>>[vector<16xi32>, vector<16xi32>], vector<16xf32>,
    %swap3A_277 = arith.constant 464 : index
    %swap3A_278 = tpu.vector_load %arg9[%swap3A_277] {strides = array<i32>} : memref<512xf32, #tpu.memory_space<vmem>>, vector<16xf32>,
    tpu.vector_store %arg9[%swap3A_277], %gather3A_276 {strides = array<i32>} : memref<512xf32, #tpu.memory_space<vmem>>, vector<16xf32>,
    %add3A_279 = arith.constant 480 : i32
    %add3A_280 = vector.broadcast %add3A_279 : i32 to vector<16xi32>
    %add3A_281 = arith.addi %iota3A, %add3A_280 : vector<16xi32>
    %gather3A_282 = tpu.vector_load_idx %arg7[%add3A_281, %broadcast_in_dim3A] : memref<512x64xf32, #tpu.memory_space<vmem>>[vector<16xi32>, vector<16xi32>], vector<16xf32>,
    %swap3A_283 = arith.constant 480 : index
    %swap3A_284 = tpu.vector_load %arg9[%swap3A_283] {strides = array<i32>} : memref<512xf32, #tpu.memory_space<vmem>>, vector<16xf32>,
    tpu.vector_store %arg9[%swap3A_283], %gather3A_282 {strides = array<i32>} : memref<512xf32, #tpu.memory_space<vmem>>, vector<16xf32>,
    %add3A_285 = arith.constant 496 : i32
    %add3A_286 = vector.broadcast %add3A_285 : i32 to vector<16xi32>
    %add3A_287 = arith.addi %iota3A, %add3A_286 : vector<16xi32>
    %gather3A_288 = tpu.vector_load_idx %arg7[%add3A_287, %broadcast_in_dim3A] : memref<512x64xf32, #tpu.memory_space<vmem>>[vector<16xi32>, vector<16xi32>], vector<16xf32>,
    %swap3A_289 = arith.constant 496 : index
    %swap3A_290 = tpu.vector_load %arg9[%swap3A_289] {strides = array<i32>} : memref<512xf32, #tpu.memory_space<vmem>>, vector<16xf32>,
    tpu.vector_store %arg9[%swap3A_289], %gather3A_288 {strides = array<i32>} : memref<512xf32, #tpu.memory_space<vmem>>, vector<16xf32>,
    "tpu.region"() ({
      %run_scoped3A = tpu.sem_alloc : memref<!tpu.dma_semaphore, #tpu.memory_space<semaphore_mem>>
      %dma_start3A = arith.constant 0 : i32
      %dma_start3A_584 = tpu.memref_slice %arg5[%add3A_4, %dma_start3A] : memref<64x512xf32, #tpu.memory_space<hbm>> -> memref<1x512xf32, #tpu.memory_space<hbm>>
      %dma_start3A_585 = tpu.memref_squeeze %dma_start3A_584 : memref<1x512xf32, #tpu.memory_space<hbm>> -> memref<512xf32, #tpu.memory_space<hbm>>
      %dma_start3A_586 = arith.constant 0 : i32
      %dma_start3A_587 = tpu.memref_slice %arg5[%add3A_4, %dma_start3A_586] : memref<64x512xf32, #tpu.memory_space<hbm>> -> memref<1x512xf32, #tpu.memory_space<hbm>>
      %dma_start3A_588 = tpu.memref_squeeze %dma_start3A_587 : memref<1x512xf32, #tpu.memory_space<hbm>> -> memref<512xf32, #tpu.memory_space<hbm>>
      tpu.enqueue_dma source(%arg9 : memref<512xf32, #tpu.memory_space<vmem>>) target(%dma_start3A_588 : memref<512xf32, #tpu.memory_space<hbm>>) target_semaphore(%run_scoped3A : memref<!tpu.dma_semaphore, #tpu.memory_space<semaphore_mem>>)
      %dma_wait3A = arith.constant 0 : i32
      %dma_wait3A_589 = tpu.memref_slice %arg5[%add3A_4, %dma_wait3A] : memref<64x512xf32, #tpu.memory_space<hbm>> -> memref<1x512xf32, #tpu.memory_space<hbm>>
      %dma_wait3A_590 = tpu.memref_squeeze %dma_wait3A_589 : memref<1x512xf32, #tpu.memory_space<hbm>> -> memref<512xf32, #tpu.memory_space<hbm>>
      %dma_wait3A_591 = arith.constant 0 : i32
      %dma_wait3A_592 = tpu.memref_slice %arg5[%add3A_4, %dma_wait3A_591] : memref<64x512xf32, #tpu.memory_space<hbm>> -> memref<1x512xf32, #tpu.memory_space<hbm>>
      %dma_wait3A_593 = tpu.memref_squeeze %dma_wait3A_592 : memref<1x512xf32, #tpu.memory_space<hbm>> -> memref<512xf32, #tpu.memory_space<hbm>>
      tpu.wait_dma2 semaphore(%run_scoped3A : memref<!tpu.dma_semaphore, #tpu.memory_space<semaphore_mem>>) src(%arg9 : memref<512xf32, #tpu.memory_space<vmem>>) dst(%dma_wait3A_593 : memref<512xf32, #tpu.memory_space<hbm>>)
      tpu.yield
    }) : () -> ()
    %mul3A_291 = arith.constant 2 : i32
    %mul3A_292 = arith.muli %add3A, %mul3A_291 : i32
    %add3A_293 = arith.constant 1 : i32
    %add3A_294 = arith.addi %mul3A_292, %add3A_293 : i32
    %broadcast_in_dim3A_295 = vector.broadcast %add3A_294 : i32 to vector<16xi32>
    %add3A_296 = arith.constant 0 : i32
    %add3A_297 = vector.broadcast %add3A_296 : i32 to vector<16xi32>
    %add3A_298 = arith.addi %iota3A, %add3A_297 : vector<16xi32>
    %gather3A_299 = tpu.vector_load_idx %arg6[%add3A_298, %broadcast_in_dim3A_295] : memref<256x64xf32, #tpu.memory_space<vmem>>[vector<16xi32>, vector<16xi32>], vector<16xf32>,
    %swap3A_300 = arith.constant 0 : index
    %swap3A_301 = tpu.vector_load %arg8[%swap3A_300] {strides = array<i32>} : memref<256xf32, #tpu.memory_space<vmem>>, vector<16xf32>,
    tpu.vector_store %arg8[%swap3A_300], %gather3A_299 {strides = array<i32>} : memref<256xf32, #tpu.memory_space<vmem>>, vector<16xf32>,
    %add3A_302 = arith.constant 16 : i32
    %add3A_303 = vector.broadcast %add3A_302 : i32 to vector<16xi32>
    %add3A_304 = arith.addi %iota3A, %add3A_303 : vector<16xi32>
    %gather3A_305 = tpu.vector_load_idx %arg6[%add3A_304, %broadcast_in_dim3A_295] : memref<256x64xf32, #tpu.memory_space<vmem>>[vector<16xi32>, vector<16xi32>], vector<16xf32>,
    %swap3A_306 = arith.constant 16 : index
    %swap3A_307 = tpu.vector_load %arg8[%swap3A_306] {strides = array<i32>} : memref<256xf32, #tpu.memory_space<vmem>>, vector<16xf32>,
    tpu.vector_store %arg8[%swap3A_306], %gather3A_305 {strides = array<i32>} : memref<256xf32, #tpu.memory_space<vmem>>, vector<16xf32>,
    %add3A_308 = arith.constant 32 : i32
    %add3A_309 = vector.broadcast %add3A_308 : i32 to vector<16xi32>
    %add3A_310 = arith.addi %iota3A, %add3A_309 : vector<16xi32>
    %gather3A_311 = tpu.vector_load_idx %arg6[%add3A_310, %broadcast_in_dim3A_295] : memref<256x64xf32, #tpu.memory_space<vmem>>[vector<16xi32>, vector<16xi32>], vector<16xf32>,
    %swap3A_312 = arith.constant 32 : index
    %swap3A_313 = tpu.vector_load %arg8[%swap3A_312] {strides = array<i32>} : memref<256xf32, #tpu.memory_space<vmem>>, vector<16xf32>,
    tpu.vector_store %arg8[%swap3A_312], %gather3A_311 {strides = array<i32>} : memref<256xf32, #tpu.memory_space<vmem>>, vector<16xf32>,
    %add3A_314 = arith.constant 48 : i32
    %add3A_315 = vector.broadcast %add3A_314 : i32 to vector<16xi32>
    %add3A_316 = arith.addi %iota3A, %add3A_315 : vector<16xi32>
    %gather3A_317 = tpu.vector_load_idx %arg6[%add3A_316, %broadcast_in_dim3A_295] : memref<256x64xf32, #tpu.memory_space<vmem>>[vector<16xi32>, vector<16xi32>], vector<16xf32>,
    %swap3A_318 = arith.constant 48 : index
    %swap3A_319 = tpu.vector_load %arg8[%swap3A_318] {strides = array<i32>} : memref<256xf32, #tpu.memory_space<vmem>>, vector<16xf32>,
    tpu.vector_store %arg8[%swap3A_318], %gather3A_317 {strides = array<i32>} : memref<256xf32, #tpu.memory_space<vmem>>, vector<16xf32>,
    %add3A_320 = arith.constant 64 : i32
    %add3A_321 = vector.broadcast %add3A_320 : i32 to vector<16xi32>
    %add3A_322 = arith.addi %iota3A, %add3A_321 : vector<16xi32>
    %gather3A_323 = tpu.vector_load_idx %arg6[%add3A_322, %broadcast_in_dim3A_295] : memref<256x64xf32, #tpu.memory_space<vmem>>[vector<16xi32>, vector<16xi32>], vector<16xf32>,
    %swap3A_324 = arith.constant 64 : index
    %swap3A_325 = tpu.vector_load %arg8[%swap3A_324] {strides = array<i32>} : memref<256xf32, #tpu.memory_space<vmem>>, vector<16xf32>,
    tpu.vector_store %arg8[%swap3A_324], %gather3A_323 {strides = array<i32>} : memref<256xf32, #tpu.memory_space<vmem>>, vector<16xf32>,
    %add3A_326 = arith.constant 80 : i32
    %add3A_327 = vector.broadcast %add3A_326 : i32 to vector<16xi32>
    %add3A_328 = arith.addi %iota3A, %add3A_327 : vector<16xi32>
    %gather3A_329 = tpu.vector_load_idx %arg6[%add3A_328, %broadcast_in_dim3A_295] : memref<256x64xf32, #tpu.memory_space<vmem>>[vector<16xi32>, vector<16xi32>], vector<16xf32>,
    %swap3A_330 = arith.constant 80 : index
    %swap3A_331 = tpu.vector_load %arg8[%swap3A_330] {strides = array<i32>} : memref<256xf32, #tpu.memory_space<vmem>>, vector<16xf32>,
    tpu.vector_store %arg8[%swap3A_330], %gather3A_329 {strides = array<i32>} : memref<256xf32, #tpu.memory_space<vmem>>, vector<16xf32>,
    %add3A_332 = arith.constant 96 : i32
    %add3A_333 = vector.broadcast %add3A_332 : i32 to vector<16xi32>
    %add3A_334 = arith.addi %iota3A, %add3A_333 : vector<16xi32>
    %gather3A_335 = tpu.vector_load_idx %arg6[%add3A_334, %broadcast_in_dim3A_295] : memref<256x64xf32, #tpu.memory_space<vmem>>[vector<16xi32>, vector<16xi32>], vector<16xf32>,
    %swap3A_336 = arith.constant 96 : index
    %swap3A_337 = tpu.vector_load %arg8[%swap3A_336] {strides = array<i32>} : memref<256xf32, #tpu.memory_space<vmem>>, vector<16xf32>,
    tpu.vector_store %arg8[%swap3A_336], %gather3A_335 {strides = array<i32>} : memref<256xf32, #tpu.memory_space<vmem>>, vector<16xf32>,
    %add3A_338 = arith.constant 112 : i32
    %add3A_339 = vector.broadcast %add3A_338 : i32 to vector<16xi32>
    %add3A_340 = arith.addi %iota3A, %add3A_339 : vector<16xi32>
    %gather3A_341 = tpu.vector_load_idx %arg6[%add3A_340, %broadcast_in_dim3A_295] : memref<256x64xf32, #tpu.memory_space<vmem>>[vector<16xi32>, vector<16xi32>], vector<16xf32>,
    %swap3A_342 = arith.constant 112 : index
    %swap3A_343 = tpu.vector_load %arg8[%swap3A_342] {strides = array<i32>} : memref<256xf32, #tpu.memory_space<vmem>>, vector<16xf32>,
    tpu.vector_store %arg8[%swap3A_342], %gather3A_341 {strides = array<i32>} : memref<256xf32, #tpu.memory_space<vmem>>, vector<16xf32>,
    %add3A_344 = arith.constant 128 : i32
    %add3A_345 = vector.broadcast %add3A_344 : i32 to vector<16xi32>
    %add3A_346 = arith.addi %iota3A, %add3A_345 : vector<16xi32>
    %gather3A_347 = tpu.vector_load_idx %arg6[%add3A_346, %broadcast_in_dim3A_295] : memref<256x64xf32, #tpu.memory_space<vmem>>[vector<16xi32>, vector<16xi32>], vector<16xf32>,
    %swap3A_348 = arith.constant 128 : index
    %swap3A_349 = tpu.vector_load %arg8[%swap3A_348] {strides = array<i32>} : memref<256xf32, #tpu.memory_space<vmem>>, vector<16xf32>,
    tpu.vector_store %arg8[%swap3A_348], %gather3A_347 {strides = array<i32>} : memref<256xf32, #tpu.memory_space<vmem>>, vector<16xf32>,
    %add3A_350 = arith.constant 144 : i32
    %add3A_351 = vector.broadcast %add3A_350 : i32 to vector<16xi32>
    %add3A_352 = arith.addi %iota3A, %add3A_351 : vector<16xi32>
    %gather3A_353 = tpu.vector_load_idx %arg6[%add3A_352, %broadcast_in_dim3A_295] : memref<256x64xf32, #tpu.memory_space<vmem>>[vector<16xi32>, vector<16xi32>], vector<16xf32>,
    %swap3A_354 = arith.constant 144 : index
    %swap3A_355 = tpu.vector_load %arg8[%swap3A_354] {strides = array<i32>} : memref<256xf32, #tpu.memory_space<vmem>>, vector<16xf32>,
    tpu.vector_store %arg8[%swap3A_354], %gather3A_353 {strides = array<i32>} : memref<256xf32, #tpu.memory_space<vmem>>, vector<16xf32>,
    %add3A_356 = arith.constant 160 : i32
    %add3A_357 = vector.broadcast %add3A_356 : i32 to vector<16xi32>
    %add3A_358 = arith.addi %iota3A, %add3A_357 : vector<16xi32>
    %gather3A_359 = tpu.vector_load_idx %arg6[%add3A_358, %broadcast_in_dim3A_295] : memref<256x64xf32, #tpu.memory_space<vmem>>[vector<16xi32>, vector<16xi32>], vector<16xf32>,
    %swap3A_360 = arith.constant 160 : index
    %swap3A_361 = tpu.vector_load %arg8[%swap3A_360] {strides = array<i32>} : memref<256xf32, #tpu.memory_space<vmem>>, vector<16xf32>,
    tpu.vector_store %arg8[%swap3A_360], %gather3A_359 {strides = array<i32>} : memref<256xf32, #tpu.memory_space<vmem>>, vector<16xf32>,
    %add3A_362 = arith.constant 176 : i32
    %add3A_363 = vector.broadcast %add3A_362 : i32 to vector<16xi32>
    %add3A_364 = arith.addi %iota3A, %add3A_363 : vector<16xi32>
    %gather3A_365 = tpu.vector_load_idx %arg6[%add3A_364, %broadcast_in_dim3A_295] : memref<256x64xf32, #tpu.memory_space<vmem>>[vector<16xi32>, vector<16xi32>], vector<16xf32>,
    %swap3A_366 = arith.constant 176 : index
    %swap3A_367 = tpu.vector_load %arg8[%swap3A_366] {strides = array<i32>} : memref<256xf32, #tpu.memory_space<vmem>>, vector<16xf32>,
    tpu.vector_store %arg8[%swap3A_366], %gather3A_365 {strides = array<i32>} : memref<256xf32, #tpu.memory_space<vmem>>, vector<16xf32>,
    %add3A_368 = arith.constant 192 : i32
    %add3A_369 = vector.broadcast %add3A_368 : i32 to vector<16xi32>
    %add3A_370 = arith.addi %iota3A, %add3A_369 : vector<16xi32>
    %gather3A_371 = tpu.vector_load_idx %arg6[%add3A_370, %broadcast_in_dim3A_295] : memref<256x64xf32, #tpu.memory_space<vmem>>[vector<16xi32>, vector<16xi32>], vector<16xf32>,
    %swap3A_372 = arith.constant 192 : index
    %swap3A_373 = tpu.vector_load %arg8[%swap3A_372] {strides = array<i32>} : memref<256xf32, #tpu.memory_space<vmem>>, vector<16xf32>,
    tpu.vector_store %arg8[%swap3A_372], %gather3A_371 {strides = array<i32>} : memref<256xf32, #tpu.memory_space<vmem>>, vector<16xf32>,
    %add3A_374 = arith.constant 208 : i32
    %add3A_375 = vector.broadcast %add3A_374 : i32 to vector<16xi32>
    %add3A_376 = arith.addi %iota3A, %add3A_375 : vector<16xi32>
    %gather3A_377 = tpu.vector_load_idx %arg6[%add3A_376, %broadcast_in_dim3A_295] : memref<256x64xf32, #tpu.memory_space<vmem>>[vector<16xi32>, vector<16xi32>], vector<16xf32>,
    %swap3A_378 = arith.constant 208 : index
    %swap3A_379 = tpu.vector_load %arg8[%swap3A_378] {strides = array<i32>} : memref<256xf32, #tpu.memory_space<vmem>>, vector<16xf32>,
    tpu.vector_store %arg8[%swap3A_378], %gather3A_377 {strides = array<i32>} : memref<256xf32, #tpu.memory_space<vmem>>, vector<16xf32>,
    %add3A_380 = arith.constant 224 : i32
    %add3A_381 = vector.broadcast %add3A_380 : i32 to vector<16xi32>
    %add3A_382 = arith.addi %iota3A, %add3A_381 : vector<16xi32>
    %gather3A_383 = tpu.vector_load_idx %arg6[%add3A_382, %broadcast_in_dim3A_295] : memref<256x64xf32, #tpu.memory_space<vmem>>[vector<16xi32>, vector<16xi32>], vector<16xf32>,
    %swap3A_384 = arith.constant 224 : index
    %swap3A_385 = tpu.vector_load %arg8[%swap3A_384] {strides = array<i32>} : memref<256xf32, #tpu.memory_space<vmem>>, vector<16xf32>,
    tpu.vector_store %arg8[%swap3A_384], %gather3A_383 {strides = array<i32>} : memref<256xf32, #tpu.memory_space<vmem>>, vector<16xf32>,
    %add3A_386 = arith.constant 240 : i32
    %add3A_387 = vector.broadcast %add3A_386 : i32 to vector<16xi32>
    %add3A_388 = arith.addi %iota3A, %add3A_387 : vector<16xi32>
    %gather3A_389 = tpu.vector_load_idx %arg6[%add3A_388, %broadcast_in_dim3A_295] : memref<256x64xf32, #tpu.memory_space<vmem>>[vector<16xi32>, vector<16xi32>], vector<16xf32>,
    %swap3A_390 = arith.constant 240 : index
    %swap3A_391 = tpu.vector_load %arg8[%swap3A_390] {strides = array<i32>} : memref<256xf32, #tpu.memory_space<vmem>>, vector<16xf32>,
    tpu.vector_store %arg8[%swap3A_390], %gather3A_389 {strides = array<i32>} : memref<256xf32, #tpu.memory_space<vmem>>, vector<16xf32>,
    "tpu.region"() ({
      %run_scoped3A = tpu.sem_alloc : memref<!tpu.dma_semaphore, #tpu.memory_space<semaphore_mem>>
      %dma_start3A = arith.constant 0 : i32
      %dma_start3A_584 = tpu.memref_slice %arg4[%add3A_294, %dma_start3A] : memref<64x256xf32, #tpu.memory_space<hbm>> -> memref<1x256xf32, #tpu.memory_space<hbm>>
      %dma_start3A_585 = tpu.memref_squeeze %dma_start3A_584 : memref<1x256xf32, #tpu.memory_space<hbm>> -> memref<256xf32, #tpu.memory_space<hbm>>
      %dma_start3A_586 = arith.constant 0 : i32
      %dma_start3A_587 = tpu.memref_slice %arg4[%add3A_294, %dma_start3A_586] : memref<64x256xf32, #tpu.memory_space<hbm>> -> memref<1x256xf32, #tpu.memory_space<hbm>>
      %dma_start3A_588 = tpu.memref_squeeze %dma_start3A_587 : memref<1x256xf32, #tpu.memory_space<hbm>> -> memref<256xf32, #tpu.memory_space<hbm>>
      tpu.enqueue_dma source(%arg8 : memref<256xf32, #tpu.memory_space<vmem>>) target(%dma_start3A_588 : memref<256xf32, #tpu.memory_space<hbm>>) target_semaphore(%run_scoped3A : memref<!tpu.dma_semaphore, #tpu.memory_space<semaphore_mem>>)
      %dma_wait3A = arith.constant 0 : i32
      %dma_wait3A_589 = tpu.memref_slice %arg4[%add3A_294, %dma_wait3A] : memref<64x256xf32, #tpu.memory_space<hbm>> -> memref<1x256xf32, #tpu.memory_space<hbm>>
      %dma_wait3A_590 = tpu.memref_squeeze %dma_wait3A_589 : memref<1x256xf32, #tpu.memory_space<hbm>> -> memref<256xf32, #tpu.memory_space<hbm>>
      %dma_wait3A_591 = arith.constant 0 : i32
      %dma_wait3A_592 = tpu.memref_slice %arg4[%add3A_294, %dma_wait3A_591] : memref<64x256xf32, #tpu.memory_space<hbm>> -> memref<1x256xf32, #tpu.memory_space<hbm>>
      %dma_wait3A_593 = tpu.memref_squeeze %dma_wait3A_592 : memref<1x256xf32, #tpu.memory_space<hbm>> -> memref<256xf32, #tpu.memory_space<hbm>>
      tpu.wait_dma2 semaphore(%run_scoped3A : memref<!tpu.dma_semaphore, #tpu.memory_space<semaphore_mem>>) src(%arg8 : memref<256xf32, #tpu.memory_space<vmem>>) dst(%dma_wait3A_593 : memref<256xf32, #tpu.memory_space<hbm>>)
      tpu.yield
    }) : () -> ()
    %add3A_392 = arith.constant 0 : i32
    %add3A_393 = vector.broadcast %add3A_392 : i32 to vector<16xi32>
    %add3A_394 = arith.addi %iota3A, %add3A_393 : vector<16xi32>
    %gather3A_395 = tpu.vector_load_idx %arg7[%add3A_394, %broadcast_in_dim3A_295] : memref<512x64xf32, #tpu.memory_space<vmem>>[vector<16xi32>, vector<16xi32>], vector<16xf32>,
    %swap3A_396 = arith.constant 0 : index
    %swap3A_397 = tpu.vector_load %arg9[%swap3A_396] {strides = array<i32>} : memref<512xf32, #tpu.memory_space<vmem>>, vector<16xf32>,
    tpu.vector_store %arg9[%swap3A_396], %gather3A_395 {strides = array<i32>} : memref<512xf32, #tpu.memory_space<vmem>>, vector<16xf32>,
    %add3A_398 = arith.constant 16 : i32
    %add3A_399 = vector.broadcast %add3A_398 : i32 to vector<16xi32>
    %add3A_400 = arith.addi %iota3A, %add3A_399 : vector<16xi32>
    %gather3A_401 = tpu.vector_load_idx %arg7[%add3A_400, %broadcast_in_dim3A_295] : memref<512x64xf32, #tpu.memory_space<vmem>>[vector<16xi32>, vector<16xi32>], vector<16xf32>,
    %swap3A_402 = arith.constant 16 : index
    %swap3A_403 = tpu.vector_load %arg9[%swap3A_402] {strides = array<i32>} : memref<512xf32, #tpu.memory_space<vmem>>, vector<16xf32>,
    tpu.vector_store %arg9[%swap3A_402], %gather3A_401 {strides = array<i32>} : memref<512xf32, #tpu.memory_space<vmem>>, vector<16xf32>,
    %add3A_404 = arith.constant 32 : i32
    %add3A_405 = vector.broadcast %add3A_404 : i32 to vector<16xi32>
    %add3A_406 = arith.addi %iota3A, %add3A_405 : vector<16xi32>
    %gather3A_407 = tpu.vector_load_idx %arg7[%add3A_406, %broadcast_in_dim3A_295] : memref<512x64xf32, #tpu.memory_space<vmem>>[vector<16xi32>, vector<16xi32>], vector<16xf32>,
    %swap3A_408 = arith.constant 32 : index
    %swap3A_409 = tpu.vector_load %arg9[%swap3A_408] {strides = array<i32>} : memref<512xf32, #tpu.memory_space<vmem>>, vector<16xf32>,
    tpu.vector_store %arg9[%swap3A_408], %gather3A_407 {strides = array<i32>} : memref<512xf32, #tpu.memory_space<vmem>>, vector<16xf32>,
    %add3A_410 = arith.constant 48 : i32
    %add3A_411 = vector.broadcast %add3A_410 : i32 to vector<16xi32>
    %add3A_412 = arith.addi %iota3A, %add3A_411 : vector<16xi32>
    %gather3A_413 = tpu.vector_load_idx %arg7[%add3A_412, %broadcast_in_dim3A_295] : memref<512x64xf32, #tpu.memory_space<vmem>>[vector<16xi32>, vector<16xi32>], vector<16xf32>,
    %swap3A_414 = arith.constant 48 : index
    %swap3A_415 = tpu.vector_load %arg9[%swap3A_414] {strides = array<i32>} : memref<512xf32, #tpu.memory_space<vmem>>, vector<16xf32>,
    tpu.vector_store %arg9[%swap3A_414], %gather3A_413 {strides = array<i32>} : memref<512xf32, #tpu.memory_space<vmem>>, vector<16xf32>,
    %add3A_416 = arith.constant 64 : i32
    %add3A_417 = vector.broadcast %add3A_416 : i32 to vector<16xi32>
    %add3A_418 = arith.addi %iota3A, %add3A_417 : vector<16xi32>
    %gather3A_419 = tpu.vector_load_idx %arg7[%add3A_418, %broadcast_in_dim3A_295] : memref<512x64xf32, #tpu.memory_space<vmem>>[vector<16xi32>, vector<16xi32>], vector<16xf32>,
    %swap3A_420 = arith.constant 64 : index
    %swap3A_421 = tpu.vector_load %arg9[%swap3A_420] {strides = array<i32>} : memref<512xf32, #tpu.memory_space<vmem>>, vector<16xf32>,
    tpu.vector_store %arg9[%swap3A_420], %gather3A_419 {strides = array<i32>} : memref<512xf32, #tpu.memory_space<vmem>>, vector<16xf32>,
    %add3A_422 = arith.constant 80 : i32
    %add3A_423 = vector.broadcast %add3A_422 : i32 to vector<16xi32>
    %add3A_424 = arith.addi %iota3A, %add3A_423 : vector<16xi32>
    %gather3A_425 = tpu.vector_load_idx %arg7[%add3A_424, %broadcast_in_dim3A_295] : memref<512x64xf32, #tpu.memory_space<vmem>>[vector<16xi32>, vector<16xi32>], vector<16xf32>,
    %swap3A_426 = arith.constant 80 : index
    %swap3A_427 = tpu.vector_load %arg9[%swap3A_426] {strides = array<i32>} : memref<512xf32, #tpu.memory_space<vmem>>, vector<16xf32>,
    tpu.vector_store %arg9[%swap3A_426], %gather3A_425 {strides = array<i32>} : memref<512xf32, #tpu.memory_space<vmem>>, vector<16xf32>,
    %add3A_428 = arith.constant 96 : i32
    %add3A_429 = vector.broadcast %add3A_428 : i32 to vector<16xi32>
    %add3A_430 = arith.addi %iota3A, %add3A_429 : vector<16xi32>
    %gather3A_431 = tpu.vector_load_idx %arg7[%add3A_430, %broadcast_in_dim3A_295] : memref<512x64xf32, #tpu.memory_space<vmem>>[vector<16xi32>, vector<16xi32>], vector<16xf32>,
    %swap3A_432 = arith.constant 96 : index
    %swap3A_433 = tpu.vector_load %arg9[%swap3A_432] {strides = array<i32>} : memref<512xf32, #tpu.memory_space<vmem>>, vector<16xf32>,
    tpu.vector_store %arg9[%swap3A_432], %gather3A_431 {strides = array<i32>} : memref<512xf32, #tpu.memory_space<vmem>>, vector<16xf32>,
    %add3A_434 = arith.constant 112 : i32
    %add3A_435 = vector.broadcast %add3A_434 : i32 to vector<16xi32>
    %add3A_436 = arith.addi %iota3A, %add3A_435 : vector<16xi32>
    %gather3A_437 = tpu.vector_load_idx %arg7[%add3A_436, %broadcast_in_dim3A_295] : memref<512x64xf32, #tpu.memory_space<vmem>>[vector<16xi32>, vector<16xi32>], vector<16xf32>,
    %swap3A_438 = arith.constant 112 : index
    %swap3A_439 = tpu.vector_load %arg9[%swap3A_438] {strides = array<i32>} : memref<512xf32, #tpu.memory_space<vmem>>, vector<16xf32>,
    tpu.vector_store %arg9[%swap3A_438], %gather3A_437 {strides = array<i32>} : memref<512xf32, #tpu.memory_space<vmem>>, vector<16xf32>,
    %add3A_440 = arith.constant 128 : i32
    %add3A_441 = vector.broadcast %add3A_440 : i32 to vector<16xi32>
    %add3A_442 = arith.addi %iota3A, %add3A_441 : vector<16xi32>
    %gather3A_443 = tpu.vector_load_idx %arg7[%add3A_442, %broadcast_in_dim3A_295] : memref<512x64xf32, #tpu.memory_space<vmem>>[vector<16xi32>, vector<16xi32>], vector<16xf32>,
    %swap3A_444 = arith.constant 128 : index
    %swap3A_445 = tpu.vector_load %arg9[%swap3A_444] {strides = array<i32>} : memref<512xf32, #tpu.memory_space<vmem>>, vector<16xf32>,
    tpu.vector_store %arg9[%swap3A_444], %gather3A_443 {strides = array<i32>} : memref<512xf32, #tpu.memory_space<vmem>>, vector<16xf32>,
    %add3A_446 = arith.constant 144 : i32
    %add3A_447 = vector.broadcast %add3A_446 : i32 to vector<16xi32>
    %add3A_448 = arith.addi %iota3A, %add3A_447 : vector<16xi32>
    %gather3A_449 = tpu.vector_load_idx %arg7[%add3A_448, %broadcast_in_dim3A_295] : memref<512x64xf32, #tpu.memory_space<vmem>>[vector<16xi32>, vector<16xi32>], vector<16xf32>,
    %swap3A_450 = arith.constant 144 : index
    %swap3A_451 = tpu.vector_load %arg9[%swap3A_450] {strides = array<i32>} : memref<512xf32, #tpu.memory_space<vmem>>, vector<16xf32>,
    tpu.vector_store %arg9[%swap3A_450], %gather3A_449 {strides = array<i32>} : memref<512xf32, #tpu.memory_space<vmem>>, vector<16xf32>,
    %add3A_452 = arith.constant 160 : i32
    %add3A_453 = vector.broadcast %add3A_452 : i32 to vector<16xi32>
    %add3A_454 = arith.addi %iota3A, %add3A_453 : vector<16xi32>
    %gather3A_455 = tpu.vector_load_idx %arg7[%add3A_454, %broadcast_in_dim3A_295] : memref<512x64xf32, #tpu.memory_space<vmem>>[vector<16xi32>, vector<16xi32>], vector<16xf32>,
    %swap3A_456 = arith.constant 160 : index
    %swap3A_457 = tpu.vector_load %arg9[%swap3A_456] {strides = array<i32>} : memref<512xf32, #tpu.memory_space<vmem>>, vector<16xf32>,
    tpu.vector_store %arg9[%swap3A_456], %gather3A_455 {strides = array<i32>} : memref<512xf32, #tpu.memory_space<vmem>>, vector<16xf32>,
    %add3A_458 = arith.constant 176 : i32
    %add3A_459 = vector.broadcast %add3A_458 : i32 to vector<16xi32>
    %add3A_460 = arith.addi %iota3A, %add3A_459 : vector<16xi32>
    %gather3A_461 = tpu.vector_load_idx %arg7[%add3A_460, %broadcast_in_dim3A_295] : memref<512x64xf32, #tpu.memory_space<vmem>>[vector<16xi32>, vector<16xi32>], vector<16xf32>,
    %swap3A_462 = arith.constant 176 : index
    %swap3A_463 = tpu.vector_load %arg9[%swap3A_462] {strides = array<i32>} : memref<512xf32, #tpu.memory_space<vmem>>, vector<16xf32>,
    tpu.vector_store %arg9[%swap3A_462], %gather3A_461 {strides = array<i32>} : memref<512xf32, #tpu.memory_space<vmem>>, vector<16xf32>,
    %add3A_464 = arith.constant 192 : i32
    %add3A_465 = vector.broadcast %add3A_464 : i32 to vector<16xi32>
    %add3A_466 = arith.addi %iota3A, %add3A_465 : vector<16xi32>
    %gather3A_467 = tpu.vector_load_idx %arg7[%add3A_466, %broadcast_in_dim3A_295] : memref<512x64xf32, #tpu.memory_space<vmem>>[vector<16xi32>, vector<16xi32>], vector<16xf32>,
    %swap3A_468 = arith.constant 192 : index
    %swap3A_469 = tpu.vector_load %arg9[%swap3A_468] {strides = array<i32>} : memref<512xf32, #tpu.memory_space<vmem>>, vector<16xf32>,
    tpu.vector_store %arg9[%swap3A_468], %gather3A_467 {strides = array<i32>} : memref<512xf32, #tpu.memory_space<vmem>>, vector<16xf32>,
    %add3A_470 = arith.constant 208 : i32
    %add3A_471 = vector.broadcast %add3A_470 : i32 to vector<16xi32>
    %add3A_472 = arith.addi %iota3A, %add3A_471 : vector<16xi32>
    %gather3A_473 = tpu.vector_load_idx %arg7[%add3A_472, %broadcast_in_dim3A_295] : memref<512x64xf32, #tpu.memory_space<vmem>>[vector<16xi32>, vector<16xi32>], vector<16xf32>,
    %swap3A_474 = arith.constant 208 : index
    %swap3A_475 = tpu.vector_load %arg9[%swap3A_474] {strides = array<i32>} : memref<512xf32, #tpu.memory_space<vmem>>, vector<16xf32>,
    tpu.vector_store %arg9[%swap3A_474], %gather3A_473 {strides = array<i32>} : memref<512xf32, #tpu.memory_space<vmem>>, vector<16xf32>,
    %add3A_476 = arith.constant 224 : i32
    %add3A_477 = vector.broadcast %add3A_476 : i32 to vector<16xi32>
    %add3A_478 = arith.addi %iota3A, %add3A_477 : vector<16xi32>
    %gather3A_479 = tpu.vector_load_idx %arg7[%add3A_478, %broadcast_in_dim3A_295] : memref<512x64xf32, #tpu.memory_space<vmem>>[vector<16xi32>, vector<16xi32>], vector<16xf32>,
    %swap3A_480 = arith.constant 224 : index
    %swap3A_481 = tpu.vector_load %arg9[%swap3A_480] {strides = array<i32>} : memref<512xf32, #tpu.memory_space<vmem>>, vector<16xf32>,
    tpu.vector_store %arg9[%swap3A_480], %gather3A_479 {strides = array<i32>} : memref<512xf32, #tpu.memory_space<vmem>>, vector<16xf32>,
    %add3A_482 = arith.constant 240 : i32
    %add3A_483 = vector.broadcast %add3A_482 : i32 to vector<16xi32>
    %add3A_484 = arith.addi %iota3A, %add3A_483 : vector<16xi32>
    %gather3A_485 = tpu.vector_load_idx %arg7[%add3A_484, %broadcast_in_dim3A_295] : memref<512x64xf32, #tpu.memory_space<vmem>>[vector<16xi32>, vector<16xi32>], vector<16xf32>,
    %swap3A_486 = arith.constant 240 : index
    %swap3A_487 = tpu.vector_load %arg9[%swap3A_486] {strides = array<i32>} : memref<512xf32, #tpu.memory_space<vmem>>, vector<16xf32>,
    tpu.vector_store %arg9[%swap3A_486], %gather3A_485 {strides = array<i32>} : memref<512xf32, #tpu.memory_space<vmem>>, vector<16xf32>,
    %add3A_488 = arith.constant 256 : i32
    %add3A_489 = vector.broadcast %add3A_488 : i32 to vector<16xi32>
    %add3A_490 = arith.addi %iota3A, %add3A_489 : vector<16xi32>
    %gather3A_491 = tpu.vector_load_idx %arg7[%add3A_490, %broadcast_in_dim3A_295] : memref<512x64xf32, #tpu.memory_space<vmem>>[vector<16xi32>, vector<16xi32>], vector<16xf32>,
    %swap3A_492 = arith.constant 256 : index
    %swap3A_493 = tpu.vector_load %arg9[%swap3A_492] {strides = array<i32>} : memref<512xf32, #tpu.memory_space<vmem>>, vector<16xf32>,
    tpu.vector_store %arg9[%swap3A_492], %gather3A_491 {strides = array<i32>} : memref<512xf32, #tpu.memory_space<vmem>>, vector<16xf32>,
    %add3A_494 = arith.constant 272 : i32
    %add3A_495 = vector.broadcast %add3A_494 : i32 to vector<16xi32>
    %add3A_496 = arith.addi %iota3A, %add3A_495 : vector<16xi32>
    %gather3A_497 = tpu.vector_load_idx %arg7[%add3A_496, %broadcast_in_dim3A_295] : memref<512x64xf32, #tpu.memory_space<vmem>>[vector<16xi32>, vector<16xi32>], vector<16xf32>,
    %swap3A_498 = arith.constant 272 : index
    %swap3A_499 = tpu.vector_load %arg9[%swap3A_498] {strides = array<i32>} : memref<512xf32, #tpu.memory_space<vmem>>, vector<16xf32>,
    tpu.vector_store %arg9[%swap3A_498], %gather3A_497 {strides = array<i32>} : memref<512xf32, #tpu.memory_space<vmem>>, vector<16xf32>,
    %add3A_500 = arith.constant 288 : i32
    %add3A_501 = vector.broadcast %add3A_500 : i32 to vector<16xi32>
    %add3A_502 = arith.addi %iota3A, %add3A_501 : vector<16xi32>
    %gather3A_503 = tpu.vector_load_idx %arg7[%add3A_502, %broadcast_in_dim3A_295] : memref<512x64xf32, #tpu.memory_space<vmem>>[vector<16xi32>, vector<16xi32>], vector<16xf32>,
    %swap3A_504 = arith.constant 288 : index
    %swap3A_505 = tpu.vector_load %arg9[%swap3A_504] {strides = array<i32>} : memref<512xf32, #tpu.memory_space<vmem>>, vector<16xf32>,
    tpu.vector_store %arg9[%swap3A_504], %gather3A_503 {strides = array<i32>} : memref<512xf32, #tpu.memory_space<vmem>>, vector<16xf32>,
    %add3A_506 = arith.constant 304 : i32
    %add3A_507 = vector.broadcast %add3A_506 : i32 to vector<16xi32>
    %add3A_508 = arith.addi %iota3A, %add3A_507 : vector<16xi32>
    %gather3A_509 = tpu.vector_load_idx %arg7[%add3A_508, %broadcast_in_dim3A_295] : memref<512x64xf32, #tpu.memory_space<vmem>>[vector<16xi32>, vector<16xi32>], vector<16xf32>,
    %swap3A_510 = arith.constant 304 : index
    %swap3A_511 = tpu.vector_load %arg9[%swap3A_510] {strides = array<i32>} : memref<512xf32, #tpu.memory_space<vmem>>, vector<16xf32>,
    tpu.vector_store %arg9[%swap3A_510], %gather3A_509 {strides = array<i32>} : memref<512xf32, #tpu.memory_space<vmem>>, vector<16xf32>,
    %add3A_512 = arith.constant 320 : i32
    %add3A_513 = vector.broadcast %add3A_512 : i32 to vector<16xi32>
    %add3A_514 = arith.addi %iota3A, %add3A_513 : vector<16xi32>
    %gather3A_515 = tpu.vector_load_idx %arg7[%add3A_514, %broadcast_in_dim3A_295] : memref<512x64xf32, #tpu.memory_space<vmem>>[vector<16xi32>, vector<16xi32>], vector<16xf32>,
    %swap3A_516 = arith.constant 320 : index
    %swap3A_517 = tpu.vector_load %arg9[%swap3A_516] {strides = array<i32>} : memref<512xf32, #tpu.memory_space<vmem>>, vector<16xf32>,
    tpu.vector_store %arg9[%swap3A_516], %gather3A_515 {strides = array<i32>} : memref<512xf32, #tpu.memory_space<vmem>>, vector<16xf32>,
    %add3A_518 = arith.constant 336 : i32
    %add3A_519 = vector.broadcast %add3A_518 : i32 to vector<16xi32>
    %add3A_520 = arith.addi %iota3A, %add3A_519 : vector<16xi32>
    %gather3A_521 = tpu.vector_load_idx %arg7[%add3A_520, %broadcast_in_dim3A_295] : memref<512x64xf32, #tpu.memory_space<vmem>>[vector<16xi32>, vector<16xi32>], vector<16xf32>,
    %swap3A_522 = arith.constant 336 : index
    %swap3A_523 = tpu.vector_load %arg9[%swap3A_522] {strides = array<i32>} : memref<512xf32, #tpu.memory_space<vmem>>, vector<16xf32>,
    tpu.vector_store %arg9[%swap3A_522], %gather3A_521 {strides = array<i32>} : memref<512xf32, #tpu.memory_space<vmem>>, vector<16xf32>,
    %add3A_524 = arith.constant 352 : i32
    %add3A_525 = vector.broadcast %add3A_524 : i32 to vector<16xi32>
    %add3A_526 = arith.addi %iota3A, %add3A_525 : vector<16xi32>
    %gather3A_527 = tpu.vector_load_idx %arg7[%add3A_526, %broadcast_in_dim3A_295] : memref<512x64xf32, #tpu.memory_space<vmem>>[vector<16xi32>, vector<16xi32>], vector<16xf32>,
    %swap3A_528 = arith.constant 352 : index
    %swap3A_529 = tpu.vector_load %arg9[%swap3A_528] {strides = array<i32>} : memref<512xf32, #tpu.memory_space<vmem>>, vector<16xf32>,
    tpu.vector_store %arg9[%swap3A_528], %gather3A_527 {strides = array<i32>} : memref<512xf32, #tpu.memory_space<vmem>>, vector<16xf32>,
    %add3A_530 = arith.constant 368 : i32
    %add3A_531 = vector.broadcast %add3A_530 : i32 to vector<16xi32>
    %add3A_532 = arith.addi %iota3A, %add3A_531 : vector<16xi32>
    %gather3A_533 = tpu.vector_load_idx %arg7[%add3A_532, %broadcast_in_dim3A_295] : memref<512x64xf32, #tpu.memory_space<vmem>>[vector<16xi32>, vector<16xi32>], vector<16xf32>,
    %swap3A_534 = arith.constant 368 : index
    %swap3A_535 = tpu.vector_load %arg9[%swap3A_534] {strides = array<i32>} : memref<512xf32, #tpu.memory_space<vmem>>, vector<16xf32>,
    tpu.vector_store %arg9[%swap3A_534], %gather3A_533 {strides = array<i32>} : memref<512xf32, #tpu.memory_space<vmem>>, vector<16xf32>,
    %add3A_536 = arith.constant 384 : i32
    %add3A_537 = vector.broadcast %add3A_536 : i32 to vector<16xi32>
    %add3A_538 = arith.addi %iota3A, %add3A_537 : vector<16xi32>
    %gather3A_539 = tpu.vector_load_idx %arg7[%add3A_538, %broadcast_in_dim3A_295] : memref<512x64xf32, #tpu.memory_space<vmem>>[vector<16xi32>, vector<16xi32>], vector<16xf32>,
    %swap3A_540 = arith.constant 384 : index
    %swap3A_541 = tpu.vector_load %arg9[%swap3A_540] {strides = array<i32>} : memref<512xf32, #tpu.memory_space<vmem>>, vector<16xf32>,
    tpu.vector_store %arg9[%swap3A_540], %gather3A_539 {strides = array<i32>} : memref<512xf32, #tpu.memory_space<vmem>>, vector<16xf32>,
    %add3A_542 = arith.constant 400 : i32
    %add3A_543 = vector.broadcast %add3A_542 : i32 to vector<16xi32>
    %add3A_544 = arith.addi %iota3A, %add3A_543 : vector<16xi32>
    %gather3A_545 = tpu.vector_load_idx %arg7[%add3A_544, %broadcast_in_dim3A_295] : memref<512x64xf32, #tpu.memory_space<vmem>>[vector<16xi32>, vector<16xi32>], vector<16xf32>,
    %swap3A_546 = arith.constant 400 : index
    %swap3A_547 = tpu.vector_load %arg9[%swap3A_546] {strides = array<i32>} : memref<512xf32, #tpu.memory_space<vmem>>, vector<16xf32>,
    tpu.vector_store %arg9[%swap3A_546], %gather3A_545 {strides = array<i32>} : memref<512xf32, #tpu.memory_space<vmem>>, vector<16xf32>,
    %add3A_548 = arith.constant 416 : i32
    %add3A_549 = vector.broadcast %add3A_548 : i32 to vector<16xi32>
    %add3A_550 = arith.addi %iota3A, %add3A_549 : vector<16xi32>
    %gather3A_551 = tpu.vector_load_idx %arg7[%add3A_550, %broadcast_in_dim3A_295] : memref<512x64xf32, #tpu.memory_space<vmem>>[vector<16xi32>, vector<16xi32>], vector<16xf32>,
    %swap3A_552 = arith.constant 416 : index
    %swap3A_553 = tpu.vector_load %arg9[%swap3A_552] {strides = array<i32>} : memref<512xf32, #tpu.memory_space<vmem>>, vector<16xf32>,
    tpu.vector_store %arg9[%swap3A_552], %gather3A_551 {strides = array<i32>} : memref<512xf32, #tpu.memory_space<vmem>>, vector<16xf32>,
    %add3A_554 = arith.constant 432 : i32
    %add3A_555 = vector.broadcast %add3A_554 : i32 to vector<16xi32>
    %add3A_556 = arith.addi %iota3A, %add3A_555 : vector<16xi32>
    %gather3A_557 = tpu.vector_load_idx %arg7[%add3A_556, %broadcast_in_dim3A_295] : memref<512x64xf32, #tpu.memory_space<vmem>>[vector<16xi32>, vector<16xi32>], vector<16xf32>,
    %swap3A_558 = arith.constant 432 : index
    %swap3A_559 = tpu.vector_load %arg9[%swap3A_558] {strides = array<i32>} : memref<512xf32, #tpu.memory_space<vmem>>, vector<16xf32>,
    tpu.vector_store %arg9[%swap3A_558], %gather3A_557 {strides = array<i32>} : memref<512xf32, #tpu.memory_space<vmem>>, vector<16xf32>,
    %add3A_560 = arith.constant 448 : i32
    %add3A_561 = vector.broadcast %add3A_560 : i32 to vector<16xi32>
    %add3A_562 = arith.addi %iota3A, %add3A_561 : vector<16xi32>
    %gather3A_563 = tpu.vector_load_idx %arg7[%add3A_562, %broadcast_in_dim3A_295] : memref<512x64xf32, #tpu.memory_space<vmem>>[vector<16xi32>, vector<16xi32>], vector<16xf32>,
    %swap3A_564 = arith.constant 448 : index
    %swap3A_565 = tpu.vector_load %arg9[%swap3A_564] {strides = array<i32>} : memref<512xf32, #tpu.memory_space<vmem>>, vector<16xf32>,
    tpu.vector_store %arg9[%swap3A_564], %gather3A_563 {strides = array<i32>} : memref<512xf32, #tpu.memory_space<vmem>>, vector<16xf32>,
    %add3A_566 = arith.constant 464 : i32
    %add3A_567 = vector.broadcast %add3A_566 : i32 to vector<16xi32>
    %add3A_568 = arith.addi %iota3A, %add3A_567 : vector<16xi32>
    %gather3A_569 = tpu.vector_load_idx %arg7[%add3A_568, %broadcast_in_dim3A_295] : memref<512x64xf32, #tpu.memory_space<vmem>>[vector<16xi32>, vector<16xi32>], vector<16xf32>,
    %swap3A_570 = arith.constant 464 : index
    %swap3A_571 = tpu.vector_load %arg9[%swap3A_570] {strides = array<i32>} : memref<512xf32, #tpu.memory_space<vmem>>, vector<16xf32>,
    tpu.vector_store %arg9[%swap3A_570], %gather3A_569 {strides = array<i32>} : memref<512xf32, #tpu.memory_space<vmem>>, vector<16xf32>,
    %add3A_572 = arith.constant 480 : i32
    %add3A_573 = vector.broadcast %add3A_572 : i32 to vector<16xi32>
    %add3A_574 = arith.addi %iota3A, %add3A_573 : vector<16xi32>
    %gather3A_575 = tpu.vector_load_idx %arg7[%add3A_574, %broadcast_in_dim3A_295] : memref<512x64xf32, #tpu.memory_space<vmem>>[vector<16xi32>, vector<16xi32>], vector<16xf32>,
    %swap3A_576 = arith.constant 480 : index
    %swap3A_577 = tpu.vector_load %arg9[%swap3A_576] {strides = array<i32>} : memref<512xf32, #tpu.memory_space<vmem>>, vector<16xf32>,
    tpu.vector_store %arg9[%swap3A_576], %gather3A_575 {strides = array<i32>} : memref<512xf32, #tpu.memory_space<vmem>>, vector<16xf32>,
    %add3A_578 = arith.constant 496 : i32
    %add3A_579 = vector.broadcast %add3A_578 : i32 to vector<16xi32>
    %add3A_580 = arith.addi %iota3A, %add3A_579 : vector<16xi32>
    %gather3A_581 = tpu.vector_load_idx %arg7[%add3A_580, %broadcast_in_dim3A_295] : memref<512x64xf32, #tpu.memory_space<vmem>>[vector<16xi32>, vector<16xi32>], vector<16xf32>,
    %swap3A_582 = arith.constant 496 : index
    %swap3A_583 = tpu.vector_load %arg9[%swap3A_582] {strides = array<i32>} : memref<512xf32, #tpu.memory_space<vmem>>, vector<16xf32>,
    tpu.vector_store %arg9[%swap3A_582], %gather3A_581 {strides = array<i32>} : memref<512xf32, #tpu.memory_space<vmem>>, vector<16xf32>,
    "tpu.region"() ({
      %run_scoped3A = tpu.sem_alloc : memref<!tpu.dma_semaphore, #tpu.memory_space<semaphore_mem>>
      %dma_start3A = arith.constant 0 : i32
      %dma_start3A_584 = tpu.memref_slice %arg5[%add3A_294, %dma_start3A] : memref<64x512xf32, #tpu.memory_space<hbm>> -> memref<1x512xf32, #tpu.memory_space<hbm>>
      %dma_start3A_585 = tpu.memref_squeeze %dma_start3A_584 : memref<1x512xf32, #tpu.memory_space<hbm>> -> memref<512xf32, #tpu.memory_space<hbm>>
      %dma_start3A_586 = arith.constant 0 : i32
      %dma_start3A_587 = tpu.memref_slice %arg5[%add3A_294, %dma_start3A_586] : memref<64x512xf32, #tpu.memory_space<hbm>> -> memref<1x512xf32, #tpu.memory_space<hbm>>
      %dma_start3A_588 = tpu.memref_squeeze %dma_start3A_587 : memref<1x512xf32, #tpu.memory_space<hbm>> -> memref<512xf32, #tpu.memory_space<hbm>>
      tpu.enqueue_dma source(%arg9 : memref<512xf32, #tpu.memory_space<vmem>>) target(%dma_start3A_588 : memref<512xf32, #tpu.memory_space<hbm>>) target_semaphore(%run_scoped3A : memref<!tpu.dma_semaphore, #tpu.memory_space<semaphore_mem>>)
      %dma_wait3A = arith.constant 0 : i32
      %dma_wait3A_589 = tpu.memref_slice %arg5[%add3A_294, %dma_wait3A] : memref<64x512xf32, #tpu.memory_space<hbm>> -> memref<1x512xf32, #tpu.memory_space<hbm>>
      %dma_wait3A_590 = tpu.memref_squeeze %dma_wait3A_589 : memref<1x512xf32, #tpu.memory_space<hbm>> -> memref<512xf32, #tpu.memory_space<hbm>>
      %dma_wait3A_591 = arith.constant 0 : i32
      %dma_wait3A_592 = tpu.memref_slice %arg5[%add3A_294, %dma_wait3A_591] : memref<64x512xf32, #tpu.memory_space<hbm>> -> memref<1x512xf32, #tpu.memory_space<hbm>>
      %dma_wait3A_593 = tpu.memref_squeeze %dma_wait3A_592 : memref<1x512xf32, #tpu.memory_space<hbm>> -> memref<512xf32, #tpu.memory_space<hbm>>
      tpu.wait_dma2 semaphore(%run_scoped3A : memref<!tpu.dma_semaphore, #tpu.memory_space<semaphore_mem>>) src(%arg9 : memref<512xf32, #tpu.memory_space<vmem>>) dst(%dma_wait3A_593 : memref<512xf32, #tpu.memory_space<hbm>>)
      tpu.yield
    }) : () -> ()
    return
  }
}

#map = affine_map<(d0, d1) -> (0, 0)>
#map1 = affine_map<(d0, d1) -> (0, 0, 0, 0)>
module attributes {stable_mosaic.version = 14 : i64} {
  func.func @_sc_planes_body(%arg0: i32, %arg1: i32, %arg2: memref<64x256xf32, #tpu.memory_space<hbm>>, %arg3: memref<64x512xf32, #tpu.memory_space<hbm>>, %arg4: memref<8x64x512x256xf32, #tpu.memory_space<hbm>>, %arg5: memref<256xf32, #tpu.memory_space<vmem>>, %arg6: memref<512xf32, #tpu.memory_space<vmem>>, %arg7: memref<256x256xf32, #tpu.memory_space<vmem>>, %arg8: memref<!tpu.dma_semaphore, #tpu.memory_space<semaphore_mem>>) attributes {dimension_semantics = [#tpu.dimension_semantics<core_parallel>, #tpu.dimension_semantics<subcore_parallel>], iteration_bounds = array<i64: 2, 16>, scalar_prefetch = 0 : i64, scratch_operands = 4 : i64, tpu.core_type = #tpu.core_type<sc_vector_subcore>, window_params = [{transform_indices = #map}, {transform_indices = #map}, {transform_indices = #map1}]} {
    %mul3A = arith.constant 2 : i32
    %mul3A_0 = arith.muli %arg1, %mul3A : i32
    %add3A = arith.addi %mul3A_0, %arg0 : i32
    %mul3A_1 = arith.constant 2 : i32
    %mul3A_2 = arith.muli %add3A, %mul3A_1 : i32
    %add3A_3 = arith.constant 0 : i32
    %add3A_4 = arith.addi %mul3A_2, %add3A_3 : i32
    "tpu.region"() ({
      %run_scoped3A = tpu.sem_alloc : memref<!tpu.dma_semaphore, #tpu.memory_space<semaphore_mem>>
      %dma_start3A_606 = arith.constant 0 : i32
      %dma_start3A_607 = tpu.memref_slice %arg2[%add3A_4, %dma_start3A_606] : memref<64x256xf32, #tpu.memory_space<hbm>> -> memref<1x256xf32, #tpu.memory_space<hbm>>
      %dma_start3A_608 = tpu.memref_squeeze %dma_start3A_607 : memref<1x256xf32, #tpu.memory_space<hbm>> -> memref<256xf32, #tpu.memory_space<hbm>>
      %dma_start3A_609 = arith.constant 0 : i32
      %dma_start3A_610 = tpu.memref_slice %arg2[%add3A_4, %dma_start3A_609] : memref<64x256xf32, #tpu.memory_space<hbm>> -> memref<1x256xf32, #tpu.memory_space<hbm>>
      %dma_start3A_611 = tpu.memref_squeeze %dma_start3A_610 : memref<1x256xf32, #tpu.memory_space<hbm>> -> memref<256xf32, #tpu.memory_space<hbm>>
      tpu.enqueue_dma source(%dma_start3A_611 : memref<256xf32, #tpu.memory_space<hbm>>) target(%arg5 : memref<256xf32, #tpu.memory_space<vmem>>) target_semaphore(%run_scoped3A : memref<!tpu.dma_semaphore, #tpu.memory_space<semaphore_mem>>)
      %dma_wait3A_612 = arith.constant 0 : i32
      %dma_wait3A_613 = tpu.memref_slice %arg2[%add3A_4, %dma_wait3A_612] : memref<64x256xf32, #tpu.memory_space<hbm>> -> memref<1x256xf32, #tpu.memory_space<hbm>>
      %dma_wait3A_614 = tpu.memref_squeeze %dma_wait3A_613 : memref<1x256xf32, #tpu.memory_space<hbm>> -> memref<256xf32, #tpu.memory_space<hbm>>
      %dma_wait3A_615 = arith.constant 0 : i32
      %dma_wait3A_616 = tpu.memref_slice %arg2[%add3A_4, %dma_wait3A_615] : memref<64x256xf32, #tpu.memory_space<hbm>> -> memref<1x256xf32, #tpu.memory_space<hbm>>
      %dma_wait3A_617 = tpu.memref_squeeze %dma_wait3A_616 : memref<1x256xf32, #tpu.memory_space<hbm>> -> memref<256xf32, #tpu.memory_space<hbm>>
      tpu.wait_dma2 semaphore(%run_scoped3A : memref<!tpu.dma_semaphore, #tpu.memory_space<semaphore_mem>>) src(%dma_wait3A_617 : memref<256xf32, #tpu.memory_space<hbm>>) dst(%arg5 : memref<256xf32, #tpu.memory_space<vmem>>)
      tpu.yield
    }) : () -> ()
    "tpu.region"() ({
      %run_scoped3A = tpu.sem_alloc : memref<!tpu.dma_semaphore, #tpu.memory_space<semaphore_mem>>
      %dma_start3A_606 = arith.constant 0 : i32
      %dma_start3A_607 = tpu.memref_slice %arg3[%add3A_4, %dma_start3A_606] : memref<64x512xf32, #tpu.memory_space<hbm>> -> memref<1x512xf32, #tpu.memory_space<hbm>>
      %dma_start3A_608 = tpu.memref_squeeze %dma_start3A_607 : memref<1x512xf32, #tpu.memory_space<hbm>> -> memref<512xf32, #tpu.memory_space<hbm>>
      %dma_start3A_609 = arith.constant 0 : i32
      %dma_start3A_610 = tpu.memref_slice %arg3[%add3A_4, %dma_start3A_609] : memref<64x512xf32, #tpu.memory_space<hbm>> -> memref<1x512xf32, #tpu.memory_space<hbm>>
      %dma_start3A_611 = tpu.memref_squeeze %dma_start3A_610 : memref<1x512xf32, #tpu.memory_space<hbm>> -> memref<512xf32, #tpu.memory_space<hbm>>
      tpu.enqueue_dma source(%dma_start3A_611 : memref<512xf32, #tpu.memory_space<hbm>>) target(%arg6 : memref<512xf32, #tpu.memory_space<vmem>>) target_semaphore(%run_scoped3A : memref<!tpu.dma_semaphore, #tpu.memory_space<semaphore_mem>>)
      %dma_wait3A_612 = arith.constant 0 : i32
      %dma_wait3A_613 = tpu.memref_slice %arg3[%add3A_4, %dma_wait3A_612] : memref<64x512xf32, #tpu.memory_space<hbm>> -> memref<1x512xf32, #tpu.memory_space<hbm>>
      %dma_wait3A_614 = tpu.memref_squeeze %dma_wait3A_613 : memref<1x512xf32, #tpu.memory_space<hbm>> -> memref<512xf32, #tpu.memory_space<hbm>>
      %dma_wait3A_615 = arith.constant 0 : i32
      %dma_wait3A_616 = tpu.memref_slice %arg3[%add3A_4, %dma_wait3A_615] : memref<64x512xf32, #tpu.memory_space<hbm>> -> memref<1x512xf32, #tpu.memory_space<hbm>>
      %dma_wait3A_617 = tpu.memref_squeeze %dma_wait3A_616 : memref<1x512xf32, #tpu.memory_space<hbm>> -> memref<512xf32, #tpu.memory_space<hbm>>
      tpu.wait_dma2 semaphore(%run_scoped3A : memref<!tpu.dma_semaphore, #tpu.memory_space<semaphore_mem>>) src(%dma_wait3A_617 : memref<512xf32, #tpu.memory_space<hbm>>) dst(%arg6 : memref<512xf32, #tpu.memory_space<vmem>>)
      tpu.yield
    }) : () -> ()
    %scan3A = arith.constant 0 : i32
    %scan3A_5 = arith.constant 0 : i32
    %scan3A_6 = arith.constant 256 : i32
    %scan3A_7 = arith.addi %scan3A_5, %scan3A_6 : i32
    %scan3A_8 = arith.constant 1 : i32
    scf.for %scan3A_606 = %scan3A_5 to %scan3A_7 step %scan3A_8  : i32 {
      %broadcast_in_dim3A = arith.constant 0 : i32
      %broadcast_in_dim3A_607 = vector.broadcast %broadcast_in_dim3A : i32 to vector<16xi32>
      %add3A_608 = vector.broadcast %scan3A_606 : i32 to vector<16xi32>
      %add3A_609 = arith.addi %broadcast_in_dim3A_607, %add3A_608 : vector<16xi32>
      %gather3A = tpu.vector_load_idx %arg6[%add3A_609] : memref<512xf32, #tpu.memory_space<vmem>>[vector<16xi32>], vector<16xf32>,
      %get3A = arith.constant 0 : index
      %get3A_610 = tpu.vector_load %arg5[%get3A] {strides = array<i32>} : memref<256xf32, #tpu.memory_space<vmem>>, vector<16xf32>,
      %add3A_611 = arith.addf %get3A_610, %gather3A : vector<16xf32>
      %swap3A = arith.index_cast %scan3A_606 : i32 to index
      %swap3A_612 = arith.constant 0 : index
      %swap3A_613 = tpu.vector_load %arg7[%swap3A, %swap3A_612] {strides = array<i32>} : memref<256x256xf32, #tpu.memory_space<vmem>>, vector<16xf32>,
      tpu.vector_store %arg7[%swap3A, %swap3A_612], %add3A_611 {strides = array<i32>} : memref<256x256xf32, #tpu.memory_space<vmem>>, vector<16xf32>,
      %get3A_614 = arith.constant 16 : index
      %get3A_615 = tpu.vector_load %arg5[%get3A_614] {strides = array<i32>} : memref<256xf32, #tpu.memory_space<vmem>>, vector<16xf32>,
      %add3A_616 = arith.addf %get3A_615, %gather3A : vector<16xf32>
      %swap3A_617 = arith.index_cast %scan3A_606 : i32 to index
      %swap3A_618 = arith.constant 16 : index
      %swap3A_619 = tpu.vector_load %arg7[%swap3A_617, %swap3A_618] {strides = array<i32>} : memref<256x256xf32, #tpu.memory_space<vmem>>, vector<16xf32>,
      tpu.vector_store %arg7[%swap3A_617, %swap3A_618], %add3A_616 {strides = array<i32>} : memref<256x256xf32, #tpu.memory_space<vmem>>, vector<16xf32>,
      %get3A_620 = arith.constant 32 : index
      %get3A_621 = tpu.vector_load %arg5[%get3A_620] {strides = array<i32>} : memref<256xf32, #tpu.memory_space<vmem>>, vector<16xf32>,
      %add3A_622 = arith.addf %get3A_621, %gather3A : vector<16xf32>
      %swap3A_623 = arith.index_cast %scan3A_606 : i32 to index
      %swap3A_624 = arith.constant 32 : index
      %swap3A_625 = tpu.vector_load %arg7[%swap3A_623, %swap3A_624] {strides = array<i32>} : memref<256x256xf32, #tpu.memory_space<vmem>>, vector<16xf32>,
      tpu.vector_store %arg7[%swap3A_623, %swap3A_624], %add3A_622 {strides = array<i32>} : memref<256x256xf32, #tpu.memory_space<vmem>>, vector<16xf32>,
      %get3A_626 = arith.constant 48 : index
      %get3A_627 = tpu.vector_load %arg5[%get3A_626] {strides = array<i32>} : memref<256xf32, #tpu.memory_space<vmem>>, vector<16xf32>,
      %add3A_628 = arith.addf %get3A_627, %gather3A : vector<16xf32>
      %swap3A_629 = arith.index_cast %scan3A_606 : i32 to index
      %swap3A_630 = arith.constant 48 : index
      %swap3A_631 = tpu.vector_load %arg7[%swap3A_629, %swap3A_630] {strides = array<i32>} : memref<256x256xf32, #tpu.memory_space<vmem>>, vector<16xf32>,
      tpu.vector_store %arg7[%swap3A_629, %swap3A_630], %add3A_628 {strides = array<i32>} : memref<256x256xf32, #tpu.memory_space<vmem>>, vector<16xf32>,
      %get3A_632 = arith.constant 64 : index
      %get3A_633 = tpu.vector_load %arg5[%get3A_632] {strides = array<i32>} : memref<256xf32, #tpu.memory_space<vmem>>, vector<16xf32>,
      %add3A_634 = arith.addf %get3A_633, %gather3A : vector<16xf32>
      %swap3A_635 = arith.index_cast %scan3A_606 : i32 to index
      %swap3A_636 = arith.constant 64 : index
      %swap3A_637 = tpu.vector_load %arg7[%swap3A_635, %swap3A_636] {strides = array<i32>} : memref<256x256xf32, #tpu.memory_space<vmem>>, vector<16xf32>,
      tpu.vector_store %arg7[%swap3A_635, %swap3A_636], %add3A_634 {strides = array<i32>} : memref<256x256xf32, #tpu.memory_space<vmem>>, vector<16xf32>,
      %get3A_638 = arith.constant 80 : index
      %get3A_639 = tpu.vector_load %arg5[%get3A_638] {strides = array<i32>} : memref<256xf32, #tpu.memory_space<vmem>>, vector<16xf32>,
      %add3A_640 = arith.addf %get3A_639, %gather3A : vector<16xf32>
      %swap3A_641 = arith.index_cast %scan3A_606 : i32 to index
      %swap3A_642 = arith.constant 80 : index
      %swap3A_643 = tpu.vector_load %arg7[%swap3A_641, %swap3A_642] {strides = array<i32>} : memref<256x256xf32, #tpu.memory_space<vmem>>, vector<16xf32>,
      tpu.vector_store %arg7[%swap3A_641, %swap3A_642], %add3A_640 {strides = array<i32>} : memref<256x256xf32, #tpu.memory_space<vmem>>, vector<16xf32>,
      %get3A_644 = arith.constant 96 : index
      %get3A_645 = tpu.vector_load %arg5[%get3A_644] {strides = array<i32>} : memref<256xf32, #tpu.memory_space<vmem>>, vector<16xf32>,
      %add3A_646 = arith.addf %get3A_645, %gather3A : vector<16xf32>
      %swap3A_647 = arith.index_cast %scan3A_606 : i32 to index
      %swap3A_648 = arith.constant 96 : index
      %swap3A_649 = tpu.vector_load %arg7[%swap3A_647, %swap3A_648] {strides = array<i32>} : memref<256x256xf32, #tpu.memory_space<vmem>>, vector<16xf32>,
      tpu.vector_store %arg7[%swap3A_647, %swap3A_648], %add3A_646 {strides = array<i32>} : memref<256x256xf32, #tpu.memory_space<vmem>>, vector<16xf32>,
      %get3A_650 = arith.constant 112 : index
      %get3A_651 = tpu.vector_load %arg5[%get3A_650] {strides = array<i32>} : memref<256xf32, #tpu.memory_space<vmem>>, vector<16xf32>,
      %add3A_652 = arith.addf %get3A_651, %gather3A : vector<16xf32>
      %swap3A_653 = arith.index_cast %scan3A_606 : i32 to index
      %swap3A_654 = arith.constant 112 : index
      %swap3A_655 = tpu.vector_load %arg7[%swap3A_653, %swap3A_654] {strides = array<i32>} : memref<256x256xf32, #tpu.memory_space<vmem>>, vector<16xf32>,
      tpu.vector_store %arg7[%swap3A_653, %swap3A_654], %add3A_652 {strides = array<i32>} : memref<256x256xf32, #tpu.memory_space<vmem>>, vector<16xf32>,
      %get3A_656 = arith.constant 128 : index
      %get3A_657 = tpu.vector_load %arg5[%get3A_656] {strides = array<i32>} : memref<256xf32, #tpu.memory_space<vmem>>, vector<16xf32>,
      %add3A_658 = arith.addf %get3A_657, %gather3A : vector<16xf32>
      %swap3A_659 = arith.index_cast %scan3A_606 : i32 to index
      %swap3A_660 = arith.constant 128 : index
      %swap3A_661 = tpu.vector_load %arg7[%swap3A_659, %swap3A_660] {strides = array<i32>} : memref<256x256xf32, #tpu.memory_space<vmem>>, vector<16xf32>,
      tpu.vector_store %arg7[%swap3A_659, %swap3A_660], %add3A_658 {strides = array<i32>} : memref<256x256xf32, #tpu.memory_space<vmem>>, vector<16xf32>,
      %get3A_662 = arith.constant 144 : index
      %get3A_663 = tpu.vector_load %arg5[%get3A_662] {strides = array<i32>} : memref<256xf32, #tpu.memory_space<vmem>>, vector<16xf32>,
      %add3A_664 = arith.addf %get3A_663, %gather3A : vector<16xf32>
      %swap3A_665 = arith.index_cast %scan3A_606 : i32 to index
      %swap3A_666 = arith.constant 144 : index
      %swap3A_667 = tpu.vector_load %arg7[%swap3A_665, %swap3A_666] {strides = array<i32>} : memref<256x256xf32, #tpu.memory_space<vmem>>, vector<16xf32>,
      tpu.vector_store %arg7[%swap3A_665, %swap3A_666], %add3A_664 {strides = array<i32>} : memref<256x256xf32, #tpu.memory_space<vmem>>, vector<16xf32>,
      %get3A_668 = arith.constant 160 : index
      %get3A_669 = tpu.vector_load %arg5[%get3A_668] {strides = array<i32>} : memref<256xf32, #tpu.memory_space<vmem>>, vector<16xf32>,
      %add3A_670 = arith.addf %get3A_669, %gather3A : vector<16xf32>
      %swap3A_671 = arith.index_cast %scan3A_606 : i32 to index
      %swap3A_672 = arith.constant 160 : index
      %swap3A_673 = tpu.vector_load %arg7[%swap3A_671, %swap3A_672] {strides = array<i32>} : memref<256x256xf32, #tpu.memory_space<vmem>>, vector<16xf32>,
      tpu.vector_store %arg7[%swap3A_671, %swap3A_672], %add3A_670 {strides = array<i32>} : memref<256x256xf32, #tpu.memory_space<vmem>>, vector<16xf32>,
      %get3A_674 = arith.constant 176 : index
      %get3A_675 = tpu.vector_load %arg5[%get3A_674] {strides = array<i32>} : memref<256xf32, #tpu.memory_space<vmem>>, vector<16xf32>,
      %add3A_676 = arith.addf %get3A_675, %gather3A : vector<16xf32>
      %swap3A_677 = arith.index_cast %scan3A_606 : i32 to index
      %swap3A_678 = arith.constant 176 : index
      %swap3A_679 = tpu.vector_load %arg7[%swap3A_677, %swap3A_678] {strides = array<i32>} : memref<256x256xf32, #tpu.memory_space<vmem>>, vector<16xf32>,
      tpu.vector_store %arg7[%swap3A_677, %swap3A_678], %add3A_676 {strides = array<i32>} : memref<256x256xf32, #tpu.memory_space<vmem>>, vector<16xf32>,
      %get3A_680 = arith.constant 192 : index
      %get3A_681 = tpu.vector_load %arg5[%get3A_680] {strides = array<i32>} : memref<256xf32, #tpu.memory_space<vmem>>, vector<16xf32>,
      %add3A_682 = arith.addf %get3A_681, %gather3A : vector<16xf32>
      %swap3A_683 = arith.index_cast %scan3A_606 : i32 to index
      %swap3A_684 = arith.constant 192 : index
      %swap3A_685 = tpu.vector_load %arg7[%swap3A_683, %swap3A_684] {strides = array<i32>} : memref<256x256xf32, #tpu.memory_space<vmem>>, vector<16xf32>,
      tpu.vector_store %arg7[%swap3A_683, %swap3A_684], %add3A_682 {strides = array<i32>} : memref<256x256xf32, #tpu.memory_space<vmem>>, vector<16xf32>,
      %get3A_686 = arith.constant 208 : index
      %get3A_687 = tpu.vector_load %arg5[%get3A_686] {strides = array<i32>} : memref<256xf32, #tpu.memory_space<vmem>>, vector<16xf32>,
      %add3A_688 = arith.addf %get3A_687, %gather3A : vector<16xf32>
      %swap3A_689 = arith.index_cast %scan3A_606 : i32 to index
      %swap3A_690 = arith.constant 208 : index
      %swap3A_691 = tpu.vector_load %arg7[%swap3A_689, %swap3A_690] {strides = array<i32>} : memref<256x256xf32, #tpu.memory_space<vmem>>, vector<16xf32>,
      tpu.vector_store %arg7[%swap3A_689, %swap3A_690], %add3A_688 {strides = array<i32>} : memref<256x256xf32, #tpu.memory_space<vmem>>, vector<16xf32>,
      %get3A_692 = arith.constant 224 : index
      %get3A_693 = tpu.vector_load %arg5[%get3A_692] {strides = array<i32>} : memref<256xf32, #tpu.memory_space<vmem>>, vector<16xf32>,
      %add3A_694 = arith.addf %get3A_693, %gather3A : vector<16xf32>
      %swap3A_695 = arith.index_cast %scan3A_606 : i32 to index
      %swap3A_696 = arith.constant 224 : index
      %swap3A_697 = tpu.vector_load %arg7[%swap3A_695, %swap3A_696] {strides = array<i32>} : memref<256x256xf32, #tpu.memory_space<vmem>>, vector<16xf32>,
      tpu.vector_store %arg7[%swap3A_695, %swap3A_696], %add3A_694 {strides = array<i32>} : memref<256x256xf32, #tpu.memory_space<vmem>>, vector<16xf32>,
      %get3A_698 = arith.constant 240 : index
      %get3A_699 = tpu.vector_load %arg5[%get3A_698] {strides = array<i32>} : memref<256xf32, #tpu.memory_space<vmem>>, vector<16xf32>,
      %add3A_700 = arith.addf %get3A_699, %gather3A : vector<16xf32>
      %swap3A_701 = arith.index_cast %scan3A_606 : i32 to index
      %swap3A_702 = arith.constant 240 : index
      %swap3A_703 = tpu.vector_load %arg7[%swap3A_701, %swap3A_702] {strides = array<i32>} : memref<256x256xf32, #tpu.memory_space<vmem>>, vector<16xf32>,
      tpu.vector_store %arg7[%swap3A_701, %swap3A_702], %add3A_700 {strides = array<i32>} : memref<256x256xf32, #tpu.memory_space<vmem>>, vector<16xf32>,
    }
    %scan3A_9 = arith.constant 256 : i32
    %dma_start3A = arith.constant 0 : i32
    %dma_start3A_10 = arith.constant 0 : i32
    %dma_start3A_11 = arith.constant 0 : i32
    %dma_start3A_12 = tpu.memref_slice %arg4[%dma_start3A, %add3A_4, %dma_start3A_10, %dma_start3A_11] : memref<8x64x512x256xf32, #tpu.memory_space<hbm>> -> memref<1x1x256x256xf32, #tpu.memory_space<hbm>>
    %dma_start3A_13 = tpu.memref_squeeze %dma_start3A_12 : memref<1x1x256x256xf32, #tpu.memory_space<hbm>> -> memref<256x256xf32, #tpu.memory_space<hbm>>
    %dma_start3A_14 = arith.constant 0 : i32
    %dma_start3A_15 = arith.constant 0 : i32
    %dma_start3A_16 = tpu.memref_slice %arg4[%dma_start3A, %add3A_4, %dma_start3A_14, %dma_start3A_15] : memref<8x64x512x256xf32, #tpu.memory_space<hbm>> -> memref<1x1x256x256xf32, #tpu.memory_space<hbm>>
    %dma_start3A_17 = tpu.memref_squeeze %dma_start3A_16 : memref<1x1x256x256xf32, #tpu.memory_space<hbm>> -> memref<256x256xf32, #tpu.memory_space<hbm>>
    tpu.enqueue_dma source(%arg7 : memref<256x256xf32, #tpu.memory_space<vmem>>) target(%dma_start3A_17 : memref<256x256xf32, #tpu.memory_space<hbm>>) target_semaphore(%arg8 : memref<!tpu.dma_semaphore, #tpu.memory_space<semaphore_mem>>)
    %dma_start3A_18 = arith.constant 1 : i32
    %dma_start3A_19 = arith.constant 0 : i32
    %dma_start3A_20 = arith.constant 0 : i32
    %dma_start3A_21 = tpu.memref_slice %arg4[%dma_start3A_18, %add3A_4, %dma_start3A_19, %dma_start3A_20] : memref<8x64x512x256xf32, #tpu.memory_space<hbm>> -> memref<1x1x256x256xf32, #tpu.memory_space<hbm>>
    %dma_start3A_22 = tpu.memref_squeeze %dma_start3A_21 : memref<1x1x256x256xf32, #tpu.memory_space<hbm>> -> memref<256x256xf32, #tpu.memory_space<hbm>>
    %dma_start3A_23 = arith.constant 0 : i32
    %dma_start3A_24 = arith.constant 0 : i32
    %dma_start3A_25 = tpu.memref_slice %arg4[%dma_start3A_18, %add3A_4, %dma_start3A_23, %dma_start3A_24] : memref<8x64x512x256xf32, #tpu.memory_space<hbm>> -> memref<1x1x256x256xf32, #tpu.memory_space<hbm>>
    %dma_start3A_26 = tpu.memref_squeeze %dma_start3A_25 : memref<1x1x256x256xf32, #tpu.memory_space<hbm>> -> memref<256x256xf32, #tpu.memory_space<hbm>>
    tpu.enqueue_dma source(%arg7 : memref<256x256xf32, #tpu.memory_space<vmem>>) target(%dma_start3A_26 : memref<256x256xf32, #tpu.memory_space<hbm>>) target_semaphore(%arg8 : memref<!tpu.dma_semaphore, #tpu.memory_space<semaphore_mem>>)
    %dma_start3A_27 = arith.constant 2 : i32
    %dma_start3A_28 = arith.constant 0 : i32
    %dma_start3A_29 = arith.constant 0 : i32
    %dma_start3A_30 = tpu.memref_slice %arg4[%dma_start3A_27, %add3A_4, %dma_start3A_28, %dma_start3A_29] : memref<8x64x512x256xf32, #tpu.memory_space<hbm>> -> memref<1x1x256x256xf32, #tpu.memory_space<hbm>>
    %dma_start3A_31 = tpu.memref_squeeze %dma_start3A_30 : memref<1x1x256x256xf32, #tpu.memory_space<hbm>> -> memref<256x256xf32, #tpu.memory_space<hbm>>
    %dma_start3A_32 = arith.constant 0 : i32
    %dma_start3A_33 = arith.constant 0 : i32
    %dma_start3A_34 = tpu.memref_slice %arg4[%dma_start3A_27, %add3A_4, %dma_start3A_32, %dma_start3A_33] : memref<8x64x512x256xf32, #tpu.memory_space<hbm>> -> memref<1x1x256x256xf32, #tpu.memory_space<hbm>>
    %dma_start3A_35 = tpu.memref_squeeze %dma_start3A_34 : memref<1x1x256x256xf32, #tpu.memory_space<hbm>> -> memref<256x256xf32, #tpu.memory_space<hbm>>
    tpu.enqueue_dma source(%arg7 : memref<256x256xf32, #tpu.memory_space<vmem>>) target(%dma_start3A_35 : memref<256x256xf32, #tpu.memory_space<hbm>>) target_semaphore(%arg8 : memref<!tpu.dma_semaphore, #tpu.memory_space<semaphore_mem>>)
    %dma_start3A_36 = arith.constant 3 : i32
    %dma_start3A_37 = arith.constant 0 : i32
    %dma_start3A_38 = arith.constant 0 : i32
    %dma_start3A_39 = tpu.memref_slice %arg4[%dma_start3A_36, %add3A_4, %dma_start3A_37, %dma_start3A_38] : memref<8x64x512x256xf32, #tpu.memory_space<hbm>> -> memref<1x1x256x256xf32, #tpu.memory_space<hbm>>
    %dma_start3A_40 = tpu.memref_squeeze %dma_start3A_39 : memref<1x1x256x256xf32, #tpu.memory_space<hbm>> -> memref<256x256xf32, #tpu.memory_space<hbm>>
    %dma_start3A_41 = arith.constant 0 : i32
    %dma_start3A_42 = arith.constant 0 : i32
    %dma_start3A_43 = tpu.memref_slice %arg4[%dma_start3A_36, %add3A_4, %dma_start3A_41, %dma_start3A_42] : memref<8x64x512x256xf32, #tpu.memory_space<hbm>> -> memref<1x1x256x256xf32, #tpu.memory_space<hbm>>
    %dma_start3A_44 = tpu.memref_squeeze %dma_start3A_43 : memref<1x1x256x256xf32, #tpu.memory_space<hbm>> -> memref<256x256xf32, #tpu.memory_space<hbm>>
    tpu.enqueue_dma source(%arg7 : memref<256x256xf32, #tpu.memory_space<vmem>>) target(%dma_start3A_44 : memref<256x256xf32, #tpu.memory_space<hbm>>) target_semaphore(%arg8 : memref<!tpu.dma_semaphore, #tpu.memory_space<semaphore_mem>>)
    %dma_start3A_45 = arith.constant 4 : i32
    %dma_start3A_46 = arith.constant 0 : i32
    %dma_start3A_47 = arith.constant 0 : i32
    %dma_start3A_48 = tpu.memref_slice %arg4[%dma_start3A_45, %add3A_4, %dma_start3A_46, %dma_start3A_47] : memref<8x64x512x256xf32, #tpu.memory_space<hbm>> -> memref<1x1x256x256xf32, #tpu.memory_space<hbm>>
    %dma_start3A_49 = tpu.memref_squeeze %dma_start3A_48 : memref<1x1x256x256xf32, #tpu.memory_space<hbm>> -> memref<256x256xf32, #tpu.memory_space<hbm>>
    %dma_start3A_50 = arith.constant 0 : i32
    %dma_start3A_51 = arith.constant 0 : i32
    %dma_start3A_52 = tpu.memref_slice %arg4[%dma_start3A_45, %add3A_4, %dma_start3A_50, %dma_start3A_51] : memref<8x64x512x256xf32, #tpu.memory_space<hbm>> -> memref<1x1x256x256xf32, #tpu.memory_space<hbm>>
    %dma_start3A_53 = tpu.memref_squeeze %dma_start3A_52 : memref<1x1x256x256xf32, #tpu.memory_space<hbm>> -> memref<256x256xf32, #tpu.memory_space<hbm>>
    tpu.enqueue_dma source(%arg7 : memref<256x256xf32, #tpu.memory_space<vmem>>) target(%dma_start3A_53 : memref<256x256xf32, #tpu.memory_space<hbm>>) target_semaphore(%arg8 : memref<!tpu.dma_semaphore, #tpu.memory_space<semaphore_mem>>)
    %dma_start3A_54 = arith.constant 5 : i32
    %dma_start3A_55 = arith.constant 0 : i32
    %dma_start3A_56 = arith.constant 0 : i32
    %dma_start3A_57 = tpu.memref_slice %arg4[%dma_start3A_54, %add3A_4, %dma_start3A_55, %dma_start3A_56] : memref<8x64x512x256xf32, #tpu.memory_space<hbm>> -> memref<1x1x256x256xf32, #tpu.memory_space<hbm>>
    %dma_start3A_58 = tpu.memref_squeeze %dma_start3A_57 : memref<1x1x256x256xf32, #tpu.memory_space<hbm>> -> memref<256x256xf32, #tpu.memory_space<hbm>>
    %dma_start3A_59 = arith.constant 0 : i32
    %dma_start3A_60 = arith.constant 0 : i32
    %dma_start3A_61 = tpu.memref_slice %arg4[%dma_start3A_54, %add3A_4, %dma_start3A_59, %dma_start3A_60] : memref<8x64x512x256xf32, #tpu.memory_space<hbm>> -> memref<1x1x256x256xf32, #tpu.memory_space<hbm>>
    %dma_start3A_62 = tpu.memref_squeeze %dma_start3A_61 : memref<1x1x256x256xf32, #tpu.memory_space<hbm>> -> memref<256x256xf32, #tpu.memory_space<hbm>>
    tpu.enqueue_dma source(%arg7 : memref<256x256xf32, #tpu.memory_space<vmem>>) target(%dma_start3A_62 : memref<256x256xf32, #tpu.memory_space<hbm>>) target_semaphore(%arg8 : memref<!tpu.dma_semaphore, #tpu.memory_space<semaphore_mem>>)
    %dma_start3A_63 = arith.constant 6 : i32
    %dma_start3A_64 = arith.constant 0 : i32
    %dma_start3A_65 = arith.constant 0 : i32
    %dma_start3A_66 = tpu.memref_slice %arg4[%dma_start3A_63, %add3A_4, %dma_start3A_64, %dma_start3A_65] : memref<8x64x512x256xf32, #tpu.memory_space<hbm>> -> memref<1x1x256x256xf32, #tpu.memory_space<hbm>>
    %dma_start3A_67 = tpu.memref_squeeze %dma_start3A_66 : memref<1x1x256x256xf32, #tpu.memory_space<hbm>> -> memref<256x256xf32, #tpu.memory_space<hbm>>
    %dma_start3A_68 = arith.constant 0 : i32
    %dma_start3A_69 = arith.constant 0 : i32
    %dma_start3A_70 = tpu.memref_slice %arg4[%dma_start3A_63, %add3A_4, %dma_start3A_68, %dma_start3A_69] : memref<8x64x512x256xf32, #tpu.memory_space<hbm>> -> memref<1x1x256x256xf32, #tpu.memory_space<hbm>>
    %dma_start3A_71 = tpu.memref_squeeze %dma_start3A_70 : memref<1x1x256x256xf32, #tpu.memory_space<hbm>> -> memref<256x256xf32, #tpu.memory_space<hbm>>
    tpu.enqueue_dma source(%arg7 : memref<256x256xf32, #tpu.memory_space<vmem>>) target(%dma_start3A_71 : memref<256x256xf32, #tpu.memory_space<hbm>>) target_semaphore(%arg8 : memref<!tpu.dma_semaphore, #tpu.memory_space<semaphore_mem>>)
    %dma_start3A_72 = arith.constant 7 : i32
    %dma_start3A_73 = arith.constant 0 : i32
    %dma_start3A_74 = arith.constant 0 : i32
    %dma_start3A_75 = tpu.memref_slice %arg4[%dma_start3A_72, %add3A_4, %dma_start3A_73, %dma_start3A_74] : memref<8x64x512x256xf32, #tpu.memory_space<hbm>> -> memref<1x1x256x256xf32, #tpu.memory_space<hbm>>
    %dma_start3A_76 = tpu.memref_squeeze %dma_start3A_75 : memref<1x1x256x256xf32, #tpu.memory_space<hbm>> -> memref<256x256xf32, #tpu.memory_space<hbm>>
    %dma_start3A_77 = arith.constant 0 : i32
    %dma_start3A_78 = arith.constant 0 : i32
    %dma_start3A_79 = tpu.memref_slice %arg4[%dma_start3A_72, %add3A_4, %dma_start3A_77, %dma_start3A_78] : memref<8x64x512x256xf32, #tpu.memory_space<hbm>> -> memref<1x1x256x256xf32, #tpu.memory_space<hbm>>
    %dma_start3A_80 = tpu.memref_squeeze %dma_start3A_79 : memref<1x1x256x256xf32, #tpu.memory_space<hbm>> -> memref<256x256xf32, #tpu.memory_space<hbm>>
    tpu.enqueue_dma source(%arg7 : memref<256x256xf32, #tpu.memory_space<vmem>>) target(%dma_start3A_80 : memref<256x256xf32, #tpu.memory_space<hbm>>) target_semaphore(%arg8 : memref<!tpu.dma_semaphore, #tpu.memory_space<semaphore_mem>>)
    %dma_wait3A = arith.constant 0 : i32
    %dma_wait3A_81 = arith.constant 0 : i32
    %dma_wait3A_82 = arith.constant 0 : i32
    %dma_wait3A_83 = tpu.memref_slice %arg4[%dma_wait3A, %add3A_4, %dma_wait3A_81, %dma_wait3A_82] : memref<8x64x512x256xf32, #tpu.memory_space<hbm>> -> memref<1x1x256x256xf32, #tpu.memory_space<hbm>>
    %dma_wait3A_84 = tpu.memref_squeeze %dma_wait3A_83 : memref<1x1x256x256xf32, #tpu.memory_space<hbm>> -> memref<256x256xf32, #tpu.memory_space<hbm>>
    %dma_wait3A_85 = arith.constant 0 : i32
    %dma_wait3A_86 = arith.constant 0 : i32
    %dma_wait3A_87 = tpu.memref_slice %arg4[%dma_wait3A, %add3A_4, %dma_wait3A_85, %dma_wait3A_86] : memref<8x64x512x256xf32, #tpu.memory_space<hbm>> -> memref<1x1x256x256xf32, #tpu.memory_space<hbm>>
    %dma_wait3A_88 = tpu.memref_squeeze %dma_wait3A_87 : memref<1x1x256x256xf32, #tpu.memory_space<hbm>> -> memref<256x256xf32, #tpu.memory_space<hbm>>
    tpu.wait_dma2 semaphore(%arg8 : memref<!tpu.dma_semaphore, #tpu.memory_space<semaphore_mem>>) src(%arg7 : memref<256x256xf32, #tpu.memory_space<vmem>>) dst(%dma_wait3A_88 : memref<256x256xf32, #tpu.memory_space<hbm>>)
    %dma_wait3A_89 = arith.constant 1 : i32
    %dma_wait3A_90 = arith.constant 0 : i32
    %dma_wait3A_91 = arith.constant 0 : i32
    %dma_wait3A_92 = tpu.memref_slice %arg4[%dma_wait3A_89, %add3A_4, %dma_wait3A_90, %dma_wait3A_91] : memref<8x64x512x256xf32, #tpu.memory_space<hbm>> -> memref<1x1x256x256xf32, #tpu.memory_space<hbm>>
    %dma_wait3A_93 = tpu.memref_squeeze %dma_wait3A_92 : memref<1x1x256x256xf32, #tpu.memory_space<hbm>> -> memref<256x256xf32, #tpu.memory_space<hbm>>
    %dma_wait3A_94 = arith.constant 0 : i32
    %dma_wait3A_95 = arith.constant 0 : i32
    %dma_wait3A_96 = tpu.memref_slice %arg4[%dma_wait3A_89, %add3A_4, %dma_wait3A_94, %dma_wait3A_95] : memref<8x64x512x256xf32, #tpu.memory_space<hbm>> -> memref<1x1x256x256xf32, #tpu.memory_space<hbm>>
    %dma_wait3A_97 = tpu.memref_squeeze %dma_wait3A_96 : memref<1x1x256x256xf32, #tpu.memory_space<hbm>> -> memref<256x256xf32, #tpu.memory_space<hbm>>
    tpu.wait_dma2 semaphore(%arg8 : memref<!tpu.dma_semaphore, #tpu.memory_space<semaphore_mem>>) src(%arg7 : memref<256x256xf32, #tpu.memory_space<vmem>>) dst(%dma_wait3A_97 : memref<256x256xf32, #tpu.memory_space<hbm>>)
    %dma_wait3A_98 = arith.constant 2 : i32
    %dma_wait3A_99 = arith.constant 0 : i32
    %dma_wait3A_100 = arith.constant 0 : i32
    %dma_wait3A_101 = tpu.memref_slice %arg4[%dma_wait3A_98, %add3A_4, %dma_wait3A_99, %dma_wait3A_100] : memref<8x64x512x256xf32, #tpu.memory_space<hbm>> -> memref<1x1x256x256xf32, #tpu.memory_space<hbm>>
    %dma_wait3A_102 = tpu.memref_squeeze %dma_wait3A_101 : memref<1x1x256x256xf32, #tpu.memory_space<hbm>> -> memref<256x256xf32, #tpu.memory_space<hbm>>
    %dma_wait3A_103 = arith.constant 0 : i32
    %dma_wait3A_104 = arith.constant 0 : i32
    %dma_wait3A_105 = tpu.memref_slice %arg4[%dma_wait3A_98, %add3A_4, %dma_wait3A_103, %dma_wait3A_104] : memref<8x64x512x256xf32, #tpu.memory_space<hbm>> -> memref<1x1x256x256xf32, #tpu.memory_space<hbm>>
    %dma_wait3A_106 = tpu.memref_squeeze %dma_wait3A_105 : memref<1x1x256x256xf32, #tpu.memory_space<hbm>> -> memref<256x256xf32, #tpu.memory_space<hbm>>
    tpu.wait_dma2 semaphore(%arg8 : memref<!tpu.dma_semaphore, #tpu.memory_space<semaphore_mem>>) src(%arg7 : memref<256x256xf32, #tpu.memory_space<vmem>>) dst(%dma_wait3A_106 : memref<256x256xf32, #tpu.memory_space<hbm>>)
    %dma_wait3A_107 = arith.constant 3 : i32
    %dma_wait3A_108 = arith.constant 0 : i32
    %dma_wait3A_109 = arith.constant 0 : i32
    %dma_wait3A_110 = tpu.memref_slice %arg4[%dma_wait3A_107, %add3A_4, %dma_wait3A_108, %dma_wait3A_109] : memref<8x64x512x256xf32, #tpu.memory_space<hbm>> -> memref<1x1x256x256xf32, #tpu.memory_space<hbm>>
    %dma_wait3A_111 = tpu.memref_squeeze %dma_wait3A_110 : memref<1x1x256x256xf32, #tpu.memory_space<hbm>> -> memref<256x256xf32, #tpu.memory_space<hbm>>
    %dma_wait3A_112 = arith.constant 0 : i32
    %dma_wait3A_113 = arith.constant 0 : i32
    %dma_wait3A_114 = tpu.memref_slice %arg4[%dma_wait3A_107, %add3A_4, %dma_wait3A_112, %dma_wait3A_113] : memref<8x64x512x256xf32, #tpu.memory_space<hbm>> -> memref<1x1x256x256xf32, #tpu.memory_space<hbm>>
    %dma_wait3A_115 = tpu.memref_squeeze %dma_wait3A_114 : memref<1x1x256x256xf32, #tpu.memory_space<hbm>> -> memref<256x256xf32, #tpu.memory_space<hbm>>
    tpu.wait_dma2 semaphore(%arg8 : memref<!tpu.dma_semaphore, #tpu.memory_space<semaphore_mem>>) src(%arg7 : memref<256x256xf32, #tpu.memory_space<vmem>>) dst(%dma_wait3A_115 : memref<256x256xf32, #tpu.memory_space<hbm>>)
    %dma_wait3A_116 = arith.constant 4 : i32
    %dma_wait3A_117 = arith.constant 0 : i32
    %dma_wait3A_118 = arith.constant 0 : i32
    %dma_wait3A_119 = tpu.memref_slice %arg4[%dma_wait3A_116, %add3A_4, %dma_wait3A_117, %dma_wait3A_118] : memref<8x64x512x256xf32, #tpu.memory_space<hbm>> -> memref<1x1x256x256xf32, #tpu.memory_space<hbm>>
    %dma_wait3A_120 = tpu.memref_squeeze %dma_wait3A_119 : memref<1x1x256x256xf32, #tpu.memory_space<hbm>> -> memref<256x256xf32, #tpu.memory_space<hbm>>
    %dma_wait3A_121 = arith.constant 0 : i32
    %dma_wait3A_122 = arith.constant 0 : i32
    %dma_wait3A_123 = tpu.memref_slice %arg4[%dma_wait3A_116, %add3A_4, %dma_wait3A_121, %dma_wait3A_122] : memref<8x64x512x256xf32, #tpu.memory_space<hbm>> -> memref<1x1x256x256xf32, #tpu.memory_space<hbm>>
    %dma_wait3A_124 = tpu.memref_squeeze %dma_wait3A_123 : memref<1x1x256x256xf32, #tpu.memory_space<hbm>> -> memref<256x256xf32, #tpu.memory_space<hbm>>
    tpu.wait_dma2 semaphore(%arg8 : memref<!tpu.dma_semaphore, #tpu.memory_space<semaphore_mem>>) src(%arg7 : memref<256x256xf32, #tpu.memory_space<vmem>>) dst(%dma_wait3A_124 : memref<256x256xf32, #tpu.memory_space<hbm>>)
    %dma_wait3A_125 = arith.constant 5 : i32
    %dma_wait3A_126 = arith.constant 0 : i32
    %dma_wait3A_127 = arith.constant 0 : i32
    %dma_wait3A_128 = tpu.memref_slice %arg4[%dma_wait3A_125, %add3A_4, %dma_wait3A_126, %dma_wait3A_127] : memref<8x64x512x256xf32, #tpu.memory_space<hbm>> -> memref<1x1x256x256xf32, #tpu.memory_space<hbm>>
    %dma_wait3A_129 = tpu.memref_squeeze %dma_wait3A_128 : memref<1x1x256x256xf32, #tpu.memory_space<hbm>> -> memref<256x256xf32, #tpu.memory_space<hbm>>
    %dma_wait3A_130 = arith.constant 0 : i32
    %dma_wait3A_131 = arith.constant 0 : i32
    %dma_wait3A_132 = tpu.memref_slice %arg4[%dma_wait3A_125, %add3A_4, %dma_wait3A_130, %dma_wait3A_131] : memref<8x64x512x256xf32, #tpu.memory_space<hbm>> -> memref<1x1x256x256xf32, #tpu.memory_space<hbm>>
    %dma_wait3A_133 = tpu.memref_squeeze %dma_wait3A_132 : memref<1x1x256x256xf32, #tpu.memory_space<hbm>> -> memref<256x256xf32, #tpu.memory_space<hbm>>
    tpu.wait_dma2 semaphore(%arg8 : memref<!tpu.dma_semaphore, #tpu.memory_space<semaphore_mem>>) src(%arg7 : memref<256x256xf32, #tpu.memory_space<vmem>>) dst(%dma_wait3A_133 : memref<256x256xf32, #tpu.memory_space<hbm>>)
    %dma_wait3A_134 = arith.constant 6 : i32
    %dma_wait3A_135 = arith.constant 0 : i32
    %dma_wait3A_136 = arith.constant 0 : i32
    %dma_wait3A_137 = tpu.memref_slice %arg4[%dma_wait3A_134, %add3A_4, %dma_wait3A_135, %dma_wait3A_136] : memref<8x64x512x256xf32, #tpu.memory_space<hbm>> -> memref<1x1x256x256xf32, #tpu.memory_space<hbm>>
    %dma_wait3A_138 = tpu.memref_squeeze %dma_wait3A_137 : memref<1x1x256x256xf32, #tpu.memory_space<hbm>> -> memref<256x256xf32, #tpu.memory_space<hbm>>
    %dma_wait3A_139 = arith.constant 0 : i32
    %dma_wait3A_140 = arith.constant 0 : i32
    %dma_wait3A_141 = tpu.memref_slice %arg4[%dma_wait3A_134, %add3A_4, %dma_wait3A_139, %dma_wait3A_140] : memref<8x64x512x256xf32, #tpu.memory_space<hbm>> -> memref<1x1x256x256xf32, #tpu.memory_space<hbm>>
    %dma_wait3A_142 = tpu.memref_squeeze %dma_wait3A_141 : memref<1x1x256x256xf32, #tpu.memory_space<hbm>> -> memref<256x256xf32, #tpu.memory_space<hbm>>
    tpu.wait_dma2 semaphore(%arg8 : memref<!tpu.dma_semaphore, #tpu.memory_space<semaphore_mem>>) src(%arg7 : memref<256x256xf32, #tpu.memory_space<vmem>>) dst(%dma_wait3A_142 : memref<256x256xf32, #tpu.memory_space<hbm>>)
    %dma_wait3A_143 = arith.constant 7 : i32
    %dma_wait3A_144 = arith.constant 0 : i32
    %dma_wait3A_145 = arith.constant 0 : i32
    %dma_wait3A_146 = tpu.memref_slice %arg4[%dma_wait3A_143, %add3A_4, %dma_wait3A_144, %dma_wait3A_145] : memref<8x64x512x256xf32, #tpu.memory_space<hbm>> -> memref<1x1x256x256xf32, #tpu.memory_space<hbm>>
    %dma_wait3A_147 = tpu.memref_squeeze %dma_wait3A_146 : memref<1x1x256x256xf32, #tpu.memory_space<hbm>> -> memref<256x256xf32, #tpu.memory_space<hbm>>
    %dma_wait3A_148 = arith.constant 0 : i32
    %dma_wait3A_149 = arith.constant 0 : i32
    %dma_wait3A_150 = tpu.memref_slice %arg4[%dma_wait3A_143, %add3A_4, %dma_wait3A_148, %dma_wait3A_149] : memref<8x64x512x256xf32, #tpu.memory_space<hbm>> -> memref<1x1x256x256xf32, #tpu.memory_space<hbm>>
    %dma_wait3A_151 = tpu.memref_squeeze %dma_wait3A_150 : memref<1x1x256x256xf32, #tpu.memory_space<hbm>> -> memref<256x256xf32, #tpu.memory_space<hbm>>
    tpu.wait_dma2 semaphore(%arg8 : memref<!tpu.dma_semaphore, #tpu.memory_space<semaphore_mem>>) src(%arg7 : memref<256x256xf32, #tpu.memory_space<vmem>>) dst(%dma_wait3A_151 : memref<256x256xf32, #tpu.memory_space<hbm>>)
    %scan3A_152 = arith.constant 0 : i32
    %scan3A_153 = arith.constant 0 : i32
    %scan3A_154 = arith.constant 256 : i32
    %scan3A_155 = arith.addi %scan3A_153, %scan3A_154 : i32
    %scan3A_156 = arith.constant 1 : i32
    scf.for %scan3A_606 = %scan3A_153 to %scan3A_155 step %scan3A_156  : i32 {
      %broadcast_in_dim3A = arith.constant 256 : i32
      %broadcast_in_dim3A_607 = vector.broadcast %broadcast_in_dim3A : i32 to vector<16xi32>
      %add3A_608 = vector.broadcast %scan3A_606 : i32 to vector<16xi32>
      %add3A_609 = arith.addi %broadcast_in_dim3A_607, %add3A_608 : vector<16xi32>
      %gather3A = tpu.vector_load_idx %arg6[%add3A_609] : memref<512xf32, #tpu.memory_space<vmem>>[vector<16xi32>], vector<16xf32>,
      %get3A = arith.constant 0 : index
      %get3A_610 = tpu.vector_load %arg5[%get3A] {strides = array<i32>} : memref<256xf32, #tpu.memory_space<vmem>>, vector<16xf32>,
      %add3A_611 = arith.addf %get3A_610, %gather3A : vector<16xf32>
      %swap3A = arith.index_cast %scan3A_606 : i32 to index
      %swap3A_612 = arith.constant 0 : index
      %swap3A_613 = tpu.vector_load %arg7[%swap3A, %swap3A_612] {strides = array<i32>} : memref<256x256xf32, #tpu.memory_space<vmem>>, vector<16xf32>,
      tpu.vector_store %arg7[%swap3A, %swap3A_612], %add3A_611 {strides = array<i32>} : memref<256x256xf32, #tpu.memory_space<vmem>>, vector<16xf32>,
      %get3A_614 = arith.constant 16 : index
      %get3A_615 = tpu.vector_load %arg5[%get3A_614] {strides = array<i32>} : memref<256xf32, #tpu.memory_space<vmem>>, vector<16xf32>,
      %add3A_616 = arith.addf %get3A_615, %gather3A : vector<16xf32>
      %swap3A_617 = arith.index_cast %scan3A_606 : i32 to index
      %swap3A_618 = arith.constant 16 : index
      %swap3A_619 = tpu.vector_load %arg7[%swap3A_617, %swap3A_618] {strides = array<i32>} : memref<256x256xf32, #tpu.memory_space<vmem>>, vector<16xf32>,
      tpu.vector_store %arg7[%swap3A_617, %swap3A_618], %add3A_616 {strides = array<i32>} : memref<256x256xf32, #tpu.memory_space<vmem>>, vector<16xf32>,
      %get3A_620 = arith.constant 32 : index
      %get3A_621 = tpu.vector_load %arg5[%get3A_620] {strides = array<i32>} : memref<256xf32, #tpu.memory_space<vmem>>, vector<16xf32>,
      %add3A_622 = arith.addf %get3A_621, %gather3A : vector<16xf32>
      %swap3A_623 = arith.index_cast %scan3A_606 : i32 to index
      %swap3A_624 = arith.constant 32 : index
      %swap3A_625 = tpu.vector_load %arg7[%swap3A_623, %swap3A_624] {strides = array<i32>} : memref<256x256xf32, #tpu.memory_space<vmem>>, vector<16xf32>,
      tpu.vector_store %arg7[%swap3A_623, %swap3A_624], %add3A_622 {strides = array<i32>} : memref<256x256xf32, #tpu.memory_space<vmem>>, vector<16xf32>,
      %get3A_626 = arith.constant 48 : index
      %get3A_627 = tpu.vector_load %arg5[%get3A_626] {strides = array<i32>} : memref<256xf32, #tpu.memory_space<vmem>>, vector<16xf32>,
      %add3A_628 = arith.addf %get3A_627, %gather3A : vector<16xf32>
      %swap3A_629 = arith.index_cast %scan3A_606 : i32 to index
      %swap3A_630 = arith.constant 48 : index
      %swap3A_631 = tpu.vector_load %arg7[%swap3A_629, %swap3A_630] {strides = array<i32>} : memref<256x256xf32, #tpu.memory_space<vmem>>, vector<16xf32>,
      tpu.vector_store %arg7[%swap3A_629, %swap3A_630], %add3A_628 {strides = array<i32>} : memref<256x256xf32, #tpu.memory_space<vmem>>, vector<16xf32>,
      %get3A_632 = arith.constant 64 : index
      %get3A_633 = tpu.vector_load %arg5[%get3A_632] {strides = array<i32>} : memref<256xf32, #tpu.memory_space<vmem>>, vector<16xf32>,
      %add3A_634 = arith.addf %get3A_633, %gather3A : vector<16xf32>
      %swap3A_635 = arith.index_cast %scan3A_606 : i32 to index
      %swap3A_636 = arith.constant 64 : index
      %swap3A_637 = tpu.vector_load %arg7[%swap3A_635, %swap3A_636] {strides = array<i32>} : memref<256x256xf32, #tpu.memory_space<vmem>>, vector<16xf32>,
      tpu.vector_store %arg7[%swap3A_635, %swap3A_636], %add3A_634 {strides = array<i32>} : memref<256x256xf32, #tpu.memory_space<vmem>>, vector<16xf32>,
      %get3A_638 = arith.constant 80 : index
      %get3A_639 = tpu.vector_load %arg5[%get3A_638] {strides = array<i32>} : memref<256xf32, #tpu.memory_space<vmem>>, vector<16xf32>,
      %add3A_640 = arith.addf %get3A_639, %gather3A : vector<16xf32>
      %swap3A_641 = arith.index_cast %scan3A_606 : i32 to index
      %swap3A_642 = arith.constant 80 : index
      %swap3A_643 = tpu.vector_load %arg7[%swap3A_641, %swap3A_642] {strides = array<i32>} : memref<256x256xf32, #tpu.memory_space<vmem>>, vector<16xf32>,
      tpu.vector_store %arg7[%swap3A_641, %swap3A_642], %add3A_640 {strides = array<i32>} : memref<256x256xf32, #tpu.memory_space<vmem>>, vector<16xf32>,
      %get3A_644 = arith.constant 96 : index
      %get3A_645 = tpu.vector_load %arg5[%get3A_644] {strides = array<i32>} : memref<256xf32, #tpu.memory_space<vmem>>, vector<16xf32>,
      %add3A_646 = arith.addf %get3A_645, %gather3A : vector<16xf32>
      %swap3A_647 = arith.index_cast %scan3A_606 : i32 to index
      %swap3A_648 = arith.constant 96 : index
      %swap3A_649 = tpu.vector_load %arg7[%swap3A_647, %swap3A_648] {strides = array<i32>} : memref<256x256xf32, #tpu.memory_space<vmem>>, vector<16xf32>,
      tpu.vector_store %arg7[%swap3A_647, %swap3A_648], %add3A_646 {strides = array<i32>} : memref<256x256xf32, #tpu.memory_space<vmem>>, vector<16xf32>,
      %get3A_650 = arith.constant 112 : index
      %get3A_651 = tpu.vector_load %arg5[%get3A_650] {strides = array<i32>} : memref<256xf32, #tpu.memory_space<vmem>>, vector<16xf32>,
      %add3A_652 = arith.addf %get3A_651, %gather3A : vector<16xf32>
      %swap3A_653 = arith.index_cast %scan3A_606 : i32 to index
      %swap3A_654 = arith.constant 112 : index
      %swap3A_655 = tpu.vector_load %arg7[%swap3A_653, %swap3A_654] {strides = array<i32>} : memref<256x256xf32, #tpu.memory_space<vmem>>, vector<16xf32>,
      tpu.vector_store %arg7[%swap3A_653, %swap3A_654], %add3A_652 {strides = array<i32>} : memref<256x256xf32, #tpu.memory_space<vmem>>, vector<16xf32>,
      %get3A_656 = arith.constant 128 : index
      %get3A_657 = tpu.vector_load %arg5[%get3A_656] {strides = array<i32>} : memref<256xf32, #tpu.memory_space<vmem>>, vector<16xf32>,
      %add3A_658 = arith.addf %get3A_657, %gather3A : vector<16xf32>
      %swap3A_659 = arith.index_cast %scan3A_606 : i32 to index
      %swap3A_660 = arith.constant 128 : index
      %swap3A_661 = tpu.vector_load %arg7[%swap3A_659, %swap3A_660] {strides = array<i32>} : memref<256x256xf32, #tpu.memory_space<vmem>>, vector<16xf32>,
      tpu.vector_store %arg7[%swap3A_659, %swap3A_660], %add3A_658 {strides = array<i32>} : memref<256x256xf32, #tpu.memory_space<vmem>>, vector<16xf32>,
      %get3A_662 = arith.constant 144 : index
      %get3A_663 = tpu.vector_load %arg5[%get3A_662] {strides = array<i32>} : memref<256xf32, #tpu.memory_space<vmem>>, vector<16xf32>,
      %add3A_664 = arith.addf %get3A_663, %gather3A : vector<16xf32>
      %swap3A_665 = arith.index_cast %scan3A_606 : i32 to index
      %swap3A_666 = arith.constant 144 : index
      %swap3A_667 = tpu.vector_load %arg7[%swap3A_665, %swap3A_666] {strides = array<i32>} : memref<256x256xf32, #tpu.memory_space<vmem>>, vector<16xf32>,
      tpu.vector_store %arg7[%swap3A_665, %swap3A_666], %add3A_664 {strides = array<i32>} : memref<256x256xf32, #tpu.memory_space<vmem>>, vector<16xf32>,
      %get3A_668 = arith.constant 160 : index
      %get3A_669 = tpu.vector_load %arg5[%get3A_668] {strides = array<i32>} : memref<256xf32, #tpu.memory_space<vmem>>, vector<16xf32>,
      %add3A_670 = arith.addf %get3A_669, %gather3A : vector<16xf32>
      %swap3A_671 = arith.index_cast %scan3A_606 : i32 to index
      %swap3A_672 = arith.constant 160 : index
      %swap3A_673 = tpu.vector_load %arg7[%swap3A_671, %swap3A_672] {strides = array<i32>} : memref<256x256xf32, #tpu.memory_space<vmem>>, vector<16xf32>,
      tpu.vector_store %arg7[%swap3A_671, %swap3A_672], %add3A_670 {strides = array<i32>} : memref<256x256xf32, #tpu.memory_space<vmem>>, vector<16xf32>,
      %get3A_674 = arith.constant 176 : index
      %get3A_675 = tpu.vector_load %arg5[%get3A_674] {strides = array<i32>} : memref<256xf32, #tpu.memory_space<vmem>>, vector<16xf32>,
      %add3A_676 = arith.addf %get3A_675, %gather3A : vector<16xf32>
      %swap3A_677 = arith.index_cast %scan3A_606 : i32 to index
      %swap3A_678 = arith.constant 176 : index
      %swap3A_679 = tpu.vector_load %arg7[%swap3A_677, %swap3A_678] {strides = array<i32>} : memref<256x256xf32, #tpu.memory_space<vmem>>, vector<16xf32>,
      tpu.vector_store %arg7[%swap3A_677, %swap3A_678], %add3A_676 {strides = array<i32>} : memref<256x256xf32, #tpu.memory_space<vmem>>, vector<16xf32>,
      %get3A_680 = arith.constant 192 : index
      %get3A_681 = tpu.vector_load %arg5[%get3A_680] {strides = array<i32>} : memref<256xf32, #tpu.memory_space<vmem>>, vector<16xf32>,
      %add3A_682 = arith.addf %get3A_681, %gather3A : vector<16xf32>
      %swap3A_683 = arith.index_cast %scan3A_606 : i32 to index
      %swap3A_684 = arith.constant 192 : index
      %swap3A_685 = tpu.vector_load %arg7[%swap3A_683, %swap3A_684] {strides = array<i32>} : memref<256x256xf32, #tpu.memory_space<vmem>>, vector<16xf32>,
      tpu.vector_store %arg7[%swap3A_683, %swap3A_684], %add3A_682 {strides = array<i32>} : memref<256x256xf32, #tpu.memory_space<vmem>>, vector<16xf32>,
      %get3A_686 = arith.constant 208 : index
      %get3A_687 = tpu.vector_load %arg5[%get3A_686] {strides = array<i32>} : memref<256xf32, #tpu.memory_space<vmem>>, vector<16xf32>,
      %add3A_688 = arith.addf %get3A_687, %gather3A : vector<16xf32>
      %swap3A_689 = arith.index_cast %scan3A_606 : i32 to index
      %swap3A_690 = arith.constant 208 : index
      %swap3A_691 = tpu.vector_load %arg7[%swap3A_689, %swap3A_690] {strides = array<i32>} : memref<256x256xf32, #tpu.memory_space<vmem>>, vector<16xf32>,
      tpu.vector_store %arg7[%swap3A_689, %swap3A_690], %add3A_688 {strides = array<i32>} : memref<256x256xf32, #tpu.memory_space<vmem>>, vector<16xf32>,
      %get3A_692 = arith.constant 224 : index
      %get3A_693 = tpu.vector_load %arg5[%get3A_692] {strides = array<i32>} : memref<256xf32, #tpu.memory_space<vmem>>, vector<16xf32>,
      %add3A_694 = arith.addf %get3A_693, %gather3A : vector<16xf32>
      %swap3A_695 = arith.index_cast %scan3A_606 : i32 to index
      %swap3A_696 = arith.constant 224 : index
      %swap3A_697 = tpu.vector_load %arg7[%swap3A_695, %swap3A_696] {strides = array<i32>} : memref<256x256xf32, #tpu.memory_space<vmem>>, vector<16xf32>,
      tpu.vector_store %arg7[%swap3A_695, %swap3A_696], %add3A_694 {strides = array<i32>} : memref<256x256xf32, #tpu.memory_space<vmem>>, vector<16xf32>,
      %get3A_698 = arith.constant 240 : index
      %get3A_699 = tpu.vector_load %arg5[%get3A_698] {strides = array<i32>} : memref<256xf32, #tpu.memory_space<vmem>>, vector<16xf32>,
      %add3A_700 = arith.addf %get3A_699, %gather3A : vector<16xf32>
      %swap3A_701 = arith.index_cast %scan3A_606 : i32 to index
      %swap3A_702 = arith.constant 240 : index
      %swap3A_703 = tpu.vector_load %arg7[%swap3A_701, %swap3A_702] {strides = array<i32>} : memref<256x256xf32, #tpu.memory_space<vmem>>, vector<16xf32>,
      tpu.vector_store %arg7[%swap3A_701, %swap3A_702], %add3A_700 {strides = array<i32>} : memref<256x256xf32, #tpu.memory_space<vmem>>, vector<16xf32>,
    }
    %scan3A_157 = arith.constant 256 : i32
    %dma_start3A_158 = arith.constant 0 : i32
    %dma_start3A_159 = arith.constant 256 : i32
    %dma_start3A_160 = arith.constant 0 : i32
    %dma_start3A_161 = tpu.memref_slice %arg4[%dma_start3A_158, %add3A_4, %dma_start3A_159, %dma_start3A_160] : memref<8x64x512x256xf32, #tpu.memory_space<hbm>> -> memref<1x1x256x256xf32, #tpu.memory_space<hbm>>
    %dma_start3A_162 = tpu.memref_squeeze %dma_start3A_161 : memref<1x1x256x256xf32, #tpu.memory_space<hbm>> -> memref<256x256xf32, #tpu.memory_space<hbm>>
    %dma_start3A_163 = arith.constant 256 : i32
    %dma_start3A_164 = arith.constant 0 : i32
    %dma_start3A_165 = tpu.memref_slice %arg4[%dma_start3A_158, %add3A_4, %dma_start3A_163, %dma_start3A_164] : memref<8x64x512x256xf32, #tpu.memory_space<hbm>> -> memref<1x1x256x256xf32, #tpu.memory_space<hbm>>
    %dma_start3A_166 = tpu.memref_squeeze %dma_start3A_165 : memref<1x1x256x256xf32, #tpu.memory_space<hbm>> -> memref<256x256xf32, #tpu.memory_space<hbm>>
    tpu.enqueue_dma source(%arg7 : memref<256x256xf32, #tpu.memory_space<vmem>>) target(%dma_start3A_166 : memref<256x256xf32, #tpu.memory_space<hbm>>) target_semaphore(%arg8 : memref<!tpu.dma_semaphore, #tpu.memory_space<semaphore_mem>>)
    %dma_start3A_167 = arith.constant 1 : i32
    %dma_start3A_168 = arith.constant 256 : i32
    %dma_start3A_169 = arith.constant 0 : i32
    %dma_start3A_170 = tpu.memref_slice %arg4[%dma_start3A_167, %add3A_4, %dma_start3A_168, %dma_start3A_169] : memref<8x64x512x256xf32, #tpu.memory_space<hbm>> -> memref<1x1x256x256xf32, #tpu.memory_space<hbm>>
    %dma_start3A_171 = tpu.memref_squeeze %dma_start3A_170 : memref<1x1x256x256xf32, #tpu.memory_space<hbm>> -> memref<256x256xf32, #tpu.memory_space<hbm>>
    %dma_start3A_172 = arith.constant 256 : i32
    %dma_start3A_173 = arith.constant 0 : i32
    %dma_start3A_174 = tpu.memref_slice %arg4[%dma_start3A_167, %add3A_4, %dma_start3A_172, %dma_start3A_173] : memref<8x64x512x256xf32, #tpu.memory_space<hbm>> -> memref<1x1x256x256xf32, #tpu.memory_space<hbm>>
    %dma_start3A_175 = tpu.memref_squeeze %dma_start3A_174 : memref<1x1x256x256xf32, #tpu.memory_space<hbm>> -> memref<256x256xf32, #tpu.memory_space<hbm>>
    tpu.enqueue_dma source(%arg7 : memref<256x256xf32, #tpu.memory_space<vmem>>) target(%dma_start3A_175 : memref<256x256xf32, #tpu.memory_space<hbm>>) target_semaphore(%arg8 : memref<!tpu.dma_semaphore, #tpu.memory_space<semaphore_mem>>)
    %dma_start3A_176 = arith.constant 2 : i32
    %dma_start3A_177 = arith.constant 256 : i32
    %dma_start3A_178 = arith.constant 0 : i32
    %dma_start3A_179 = tpu.memref_slice %arg4[%dma_start3A_176, %add3A_4, %dma_start3A_177, %dma_start3A_178] : memref<8x64x512x256xf32, #tpu.memory_space<hbm>> -> memref<1x1x256x256xf32, #tpu.memory_space<hbm>>
    %dma_start3A_180 = tpu.memref_squeeze %dma_start3A_179 : memref<1x1x256x256xf32, #tpu.memory_space<hbm>> -> memref<256x256xf32, #tpu.memory_space<hbm>>
    %dma_start3A_181 = arith.constant 256 : i32
    %dma_start3A_182 = arith.constant 0 : i32
    %dma_start3A_183 = tpu.memref_slice %arg4[%dma_start3A_176, %add3A_4, %dma_start3A_181, %dma_start3A_182] : memref<8x64x512x256xf32, #tpu.memory_space<hbm>> -> memref<1x1x256x256xf32, #tpu.memory_space<hbm>>
    %dma_start3A_184 = tpu.memref_squeeze %dma_start3A_183 : memref<1x1x256x256xf32, #tpu.memory_space<hbm>> -> memref<256x256xf32, #tpu.memory_space<hbm>>
    tpu.enqueue_dma source(%arg7 : memref<256x256xf32, #tpu.memory_space<vmem>>) target(%dma_start3A_184 : memref<256x256xf32, #tpu.memory_space<hbm>>) target_semaphore(%arg8 : memref<!tpu.dma_semaphore, #tpu.memory_space<semaphore_mem>>)
    %dma_start3A_185 = arith.constant 3 : i32
    %dma_start3A_186 = arith.constant 256 : i32
    %dma_start3A_187 = arith.constant 0 : i32
    %dma_start3A_188 = tpu.memref_slice %arg4[%dma_start3A_185, %add3A_4, %dma_start3A_186, %dma_start3A_187] : memref<8x64x512x256xf32, #tpu.memory_space<hbm>> -> memref<1x1x256x256xf32, #tpu.memory_space<hbm>>
    %dma_start3A_189 = tpu.memref_squeeze %dma_start3A_188 : memref<1x1x256x256xf32, #tpu.memory_space<hbm>> -> memref<256x256xf32, #tpu.memory_space<hbm>>
    %dma_start3A_190 = arith.constant 256 : i32
    %dma_start3A_191 = arith.constant 0 : i32
    %dma_start3A_192 = tpu.memref_slice %arg4[%dma_start3A_185, %add3A_4, %dma_start3A_190, %dma_start3A_191] : memref<8x64x512x256xf32, #tpu.memory_space<hbm>> -> memref<1x1x256x256xf32, #tpu.memory_space<hbm>>
    %dma_start3A_193 = tpu.memref_squeeze %dma_start3A_192 : memref<1x1x256x256xf32, #tpu.memory_space<hbm>> -> memref<256x256xf32, #tpu.memory_space<hbm>>
    tpu.enqueue_dma source(%arg7 : memref<256x256xf32, #tpu.memory_space<vmem>>) target(%dma_start3A_193 : memref<256x256xf32, #tpu.memory_space<hbm>>) target_semaphore(%arg8 : memref<!tpu.dma_semaphore, #tpu.memory_space<semaphore_mem>>)
    %dma_start3A_194 = arith.constant 4 : i32
    %dma_start3A_195 = arith.constant 256 : i32
    %dma_start3A_196 = arith.constant 0 : i32
    %dma_start3A_197 = tpu.memref_slice %arg4[%dma_start3A_194, %add3A_4, %dma_start3A_195, %dma_start3A_196] : memref<8x64x512x256xf32, #tpu.memory_space<hbm>> -> memref<1x1x256x256xf32, #tpu.memory_space<hbm>>
    %dma_start3A_198 = tpu.memref_squeeze %dma_start3A_197 : memref<1x1x256x256xf32, #tpu.memory_space<hbm>> -> memref<256x256xf32, #tpu.memory_space<hbm>>
    %dma_start3A_199 = arith.constant 256 : i32
    %dma_start3A_200 = arith.constant 0 : i32
    %dma_start3A_201 = tpu.memref_slice %arg4[%dma_start3A_194, %add3A_4, %dma_start3A_199, %dma_start3A_200] : memref<8x64x512x256xf32, #tpu.memory_space<hbm>> -> memref<1x1x256x256xf32, #tpu.memory_space<hbm>>
    %dma_start3A_202 = tpu.memref_squeeze %dma_start3A_201 : memref<1x1x256x256xf32, #tpu.memory_space<hbm>> -> memref<256x256xf32, #tpu.memory_space<hbm>>
    tpu.enqueue_dma source(%arg7 : memref<256x256xf32, #tpu.memory_space<vmem>>) target(%dma_start3A_202 : memref<256x256xf32, #tpu.memory_space<hbm>>) target_semaphore(%arg8 : memref<!tpu.dma_semaphore, #tpu.memory_space<semaphore_mem>>)
    %dma_start3A_203 = arith.constant 5 : i32
    %dma_start3A_204 = arith.constant 256 : i32
    %dma_start3A_205 = arith.constant 0 : i32
    %dma_start3A_206 = tpu.memref_slice %arg4[%dma_start3A_203, %add3A_4, %dma_start3A_204, %dma_start3A_205] : memref<8x64x512x256xf32, #tpu.memory_space<hbm>> -> memref<1x1x256x256xf32, #tpu.memory_space<hbm>>
    %dma_start3A_207 = tpu.memref_squeeze %dma_start3A_206 : memref<1x1x256x256xf32, #tpu.memory_space<hbm>> -> memref<256x256xf32, #tpu.memory_space<hbm>>
    %dma_start3A_208 = arith.constant 256 : i32
    %dma_start3A_209 = arith.constant 0 : i32
    %dma_start3A_210 = tpu.memref_slice %arg4[%dma_start3A_203, %add3A_4, %dma_start3A_208, %dma_start3A_209] : memref<8x64x512x256xf32, #tpu.memory_space<hbm>> -> memref<1x1x256x256xf32, #tpu.memory_space<hbm>>
    %dma_start3A_211 = tpu.memref_squeeze %dma_start3A_210 : memref<1x1x256x256xf32, #tpu.memory_space<hbm>> -> memref<256x256xf32, #tpu.memory_space<hbm>>
    tpu.enqueue_dma source(%arg7 : memref<256x256xf32, #tpu.memory_space<vmem>>) target(%dma_start3A_211 : memref<256x256xf32, #tpu.memory_space<hbm>>) target_semaphore(%arg8 : memref<!tpu.dma_semaphore, #tpu.memory_space<semaphore_mem>>)
    %dma_start3A_212 = arith.constant 6 : i32
    %dma_start3A_213 = arith.constant 256 : i32
    %dma_start3A_214 = arith.constant 0 : i32
    %dma_start3A_215 = tpu.memref_slice %arg4[%dma_start3A_212, %add3A_4, %dma_start3A_213, %dma_start3A_214] : memref<8x64x512x256xf32, #tpu.memory_space<hbm>> -> memref<1x1x256x256xf32, #tpu.memory_space<hbm>>
    %dma_start3A_216 = tpu.memref_squeeze %dma_start3A_215 : memref<1x1x256x256xf32, #tpu.memory_space<hbm>> -> memref<256x256xf32, #tpu.memory_space<hbm>>
    %dma_start3A_217 = arith.constant 256 : i32
    %dma_start3A_218 = arith.constant 0 : i32
    %dma_start3A_219 = tpu.memref_slice %arg4[%dma_start3A_212, %add3A_4, %dma_start3A_217, %dma_start3A_218] : memref<8x64x512x256xf32, #tpu.memory_space<hbm>> -> memref<1x1x256x256xf32, #tpu.memory_space<hbm>>
    %dma_start3A_220 = tpu.memref_squeeze %dma_start3A_219 : memref<1x1x256x256xf32, #tpu.memory_space<hbm>> -> memref<256x256xf32, #tpu.memory_space<hbm>>
    tpu.enqueue_dma source(%arg7 : memref<256x256xf32, #tpu.memory_space<vmem>>) target(%dma_start3A_220 : memref<256x256xf32, #tpu.memory_space<hbm>>) target_semaphore(%arg8 : memref<!tpu.dma_semaphore, #tpu.memory_space<semaphore_mem>>)
    %dma_start3A_221 = arith.constant 7 : i32
    %dma_start3A_222 = arith.constant 256 : i32
    %dma_start3A_223 = arith.constant 0 : i32
    %dma_start3A_224 = tpu.memref_slice %arg4[%dma_start3A_221, %add3A_4, %dma_start3A_222, %dma_start3A_223] : memref<8x64x512x256xf32, #tpu.memory_space<hbm>> -> memref<1x1x256x256xf32, #tpu.memory_space<hbm>>
    %dma_start3A_225 = tpu.memref_squeeze %dma_start3A_224 : memref<1x1x256x256xf32, #tpu.memory_space<hbm>> -> memref<256x256xf32, #tpu.memory_space<hbm>>
    %dma_start3A_226 = arith.constant 256 : i32
    %dma_start3A_227 = arith.constant 0 : i32
    %dma_start3A_228 = tpu.memref_slice %arg4[%dma_start3A_221, %add3A_4, %dma_start3A_226, %dma_start3A_227] : memref<8x64x512x256xf32, #tpu.memory_space<hbm>> -> memref<1x1x256x256xf32, #tpu.memory_space<hbm>>
    %dma_start3A_229 = tpu.memref_squeeze %dma_start3A_228 : memref<1x1x256x256xf32, #tpu.memory_space<hbm>> -> memref<256x256xf32, #tpu.memory_space<hbm>>
    tpu.enqueue_dma source(%arg7 : memref<256x256xf32, #tpu.memory_space<vmem>>) target(%dma_start3A_229 : memref<256x256xf32, #tpu.memory_space<hbm>>) target_semaphore(%arg8 : memref<!tpu.dma_semaphore, #tpu.memory_space<semaphore_mem>>)
    %dma_wait3A_230 = arith.constant 0 : i32
    %dma_wait3A_231 = arith.constant 256 : i32
    %dma_wait3A_232 = arith.constant 0 : i32
    %dma_wait3A_233 = tpu.memref_slice %arg4[%dma_wait3A_230, %add3A_4, %dma_wait3A_231, %dma_wait3A_232] : memref<8x64x512x256xf32, #tpu.memory_space<hbm>> -> memref<1x1x256x256xf32, #tpu.memory_space<hbm>>
    %dma_wait3A_234 = tpu.memref_squeeze %dma_wait3A_233 : memref<1x1x256x256xf32, #tpu.memory_space<hbm>> -> memref<256x256xf32, #tpu.memory_space<hbm>>
    %dma_wait3A_235 = arith.constant 256 : i32
    %dma_wait3A_236 = arith.constant 0 : i32
    %dma_wait3A_237 = tpu.memref_slice %arg4[%dma_wait3A_230, %add3A_4, %dma_wait3A_235, %dma_wait3A_236] : memref<8x64x512x256xf32, #tpu.memory_space<hbm>> -> memref<1x1x256x256xf32, #tpu.memory_space<hbm>>
    %dma_wait3A_238 = tpu.memref_squeeze %dma_wait3A_237 : memref<1x1x256x256xf32, #tpu.memory_space<hbm>> -> memref<256x256xf32, #tpu.memory_space<hbm>>
    tpu.wait_dma2 semaphore(%arg8 : memref<!tpu.dma_semaphore, #tpu.memory_space<semaphore_mem>>) src(%arg7 : memref<256x256xf32, #tpu.memory_space<vmem>>) dst(%dma_wait3A_238 : memref<256x256xf32, #tpu.memory_space<hbm>>)
    %dma_wait3A_239 = arith.constant 1 : i32
    %dma_wait3A_240 = arith.constant 256 : i32
    %dma_wait3A_241 = arith.constant 0 : i32
    %dma_wait3A_242 = tpu.memref_slice %arg4[%dma_wait3A_239, %add3A_4, %dma_wait3A_240, %dma_wait3A_241] : memref<8x64x512x256xf32, #tpu.memory_space<hbm>> -> memref<1x1x256x256xf32, #tpu.memory_space<hbm>>
    %dma_wait3A_243 = tpu.memref_squeeze %dma_wait3A_242 : memref<1x1x256x256xf32, #tpu.memory_space<hbm>> -> memref<256x256xf32, #tpu.memory_space<hbm>>
    %dma_wait3A_244 = arith.constant 256 : i32
    %dma_wait3A_245 = arith.constant 0 : i32
    %dma_wait3A_246 = tpu.memref_slice %arg4[%dma_wait3A_239, %add3A_4, %dma_wait3A_244, %dma_wait3A_245] : memref<8x64x512x256xf32, #tpu.memory_space<hbm>> -> memref<1x1x256x256xf32, #tpu.memory_space<hbm>>
    %dma_wait3A_247 = tpu.memref_squeeze %dma_wait3A_246 : memref<1x1x256x256xf32, #tpu.memory_space<hbm>> -> memref<256x256xf32, #tpu.memory_space<hbm>>
    tpu.wait_dma2 semaphore(%arg8 : memref<!tpu.dma_semaphore, #tpu.memory_space<semaphore_mem>>) src(%arg7 : memref<256x256xf32, #tpu.memory_space<vmem>>) dst(%dma_wait3A_247 : memref<256x256xf32, #tpu.memory_space<hbm>>)
    %dma_wait3A_248 = arith.constant 2 : i32
    %dma_wait3A_249 = arith.constant 256 : i32
    %dma_wait3A_250 = arith.constant 0 : i32
    %dma_wait3A_251 = tpu.memref_slice %arg4[%dma_wait3A_248, %add3A_4, %dma_wait3A_249, %dma_wait3A_250] : memref<8x64x512x256xf32, #tpu.memory_space<hbm>> -> memref<1x1x256x256xf32, #tpu.memory_space<hbm>>
    %dma_wait3A_252 = tpu.memref_squeeze %dma_wait3A_251 : memref<1x1x256x256xf32, #tpu.memory_space<hbm>> -> memref<256x256xf32, #tpu.memory_space<hbm>>
    %dma_wait3A_253 = arith.constant 256 : i32
    %dma_wait3A_254 = arith.constant 0 : i32
    %dma_wait3A_255 = tpu.memref_slice %arg4[%dma_wait3A_248, %add3A_4, %dma_wait3A_253, %dma_wait3A_254] : memref<8x64x512x256xf32, #tpu.memory_space<hbm>> -> memref<1x1x256x256xf32, #tpu.memory_space<hbm>>
    %dma_wait3A_256 = tpu.memref_squeeze %dma_wait3A_255 : memref<1x1x256x256xf32, #tpu.memory_space<hbm>> -> memref<256x256xf32, #tpu.memory_space<hbm>>
    tpu.wait_dma2 semaphore(%arg8 : memref<!tpu.dma_semaphore, #tpu.memory_space<semaphore_mem>>) src(%arg7 : memref<256x256xf32, #tpu.memory_space<vmem>>) dst(%dma_wait3A_256 : memref<256x256xf32, #tpu.memory_space<hbm>>)
    %dma_wait3A_257 = arith.constant 3 : i32
    %dma_wait3A_258 = arith.constant 256 : i32
    %dma_wait3A_259 = arith.constant 0 : i32
    %dma_wait3A_260 = tpu.memref_slice %arg4[%dma_wait3A_257, %add3A_4, %dma_wait3A_258, %dma_wait3A_259] : memref<8x64x512x256xf32, #tpu.memory_space<hbm>> -> memref<1x1x256x256xf32, #tpu.memory_space<hbm>>
    %dma_wait3A_261 = tpu.memref_squeeze %dma_wait3A_260 : memref<1x1x256x256xf32, #tpu.memory_space<hbm>> -> memref<256x256xf32, #tpu.memory_space<hbm>>
    %dma_wait3A_262 = arith.constant 256 : i32
    %dma_wait3A_263 = arith.constant 0 : i32
    %dma_wait3A_264 = tpu.memref_slice %arg4[%dma_wait3A_257, %add3A_4, %dma_wait3A_262, %dma_wait3A_263] : memref<8x64x512x256xf32, #tpu.memory_space<hbm>> -> memref<1x1x256x256xf32, #tpu.memory_space<hbm>>
    %dma_wait3A_265 = tpu.memref_squeeze %dma_wait3A_264 : memref<1x1x256x256xf32, #tpu.memory_space<hbm>> -> memref<256x256xf32, #tpu.memory_space<hbm>>
    tpu.wait_dma2 semaphore(%arg8 : memref<!tpu.dma_semaphore, #tpu.memory_space<semaphore_mem>>) src(%arg7 : memref<256x256xf32, #tpu.memory_space<vmem>>) dst(%dma_wait3A_265 : memref<256x256xf32, #tpu.memory_space<hbm>>)
    %dma_wait3A_266 = arith.constant 4 : i32
    %dma_wait3A_267 = arith.constant 256 : i32
    %dma_wait3A_268 = arith.constant 0 : i32
    %dma_wait3A_269 = tpu.memref_slice %arg4[%dma_wait3A_266, %add3A_4, %dma_wait3A_267, %dma_wait3A_268] : memref<8x64x512x256xf32, #tpu.memory_space<hbm>> -> memref<1x1x256x256xf32, #tpu.memory_space<hbm>>
    %dma_wait3A_270 = tpu.memref_squeeze %dma_wait3A_269 : memref<1x1x256x256xf32, #tpu.memory_space<hbm>> -> memref<256x256xf32, #tpu.memory_space<hbm>>
    %dma_wait3A_271 = arith.constant 256 : i32
    %dma_wait3A_272 = arith.constant 0 : i32
    %dma_wait3A_273 = tpu.memref_slice %arg4[%dma_wait3A_266, %add3A_4, %dma_wait3A_271, %dma_wait3A_272] : memref<8x64x512x256xf32, #tpu.memory_space<hbm>> -> memref<1x1x256x256xf32, #tpu.memory_space<hbm>>
    %dma_wait3A_274 = tpu.memref_squeeze %dma_wait3A_273 : memref<1x1x256x256xf32, #tpu.memory_space<hbm>> -> memref<256x256xf32, #tpu.memory_space<hbm>>
    tpu.wait_dma2 semaphore(%arg8 : memref<!tpu.dma_semaphore, #tpu.memory_space<semaphore_mem>>) src(%arg7 : memref<256x256xf32, #tpu.memory_space<vmem>>) dst(%dma_wait3A_274 : memref<256x256xf32, #tpu.memory_space<hbm>>)
    %dma_wait3A_275 = arith.constant 5 : i32
    %dma_wait3A_276 = arith.constant 256 : i32
    %dma_wait3A_277 = arith.constant 0 : i32
    %dma_wait3A_278 = tpu.memref_slice %arg4[%dma_wait3A_275, %add3A_4, %dma_wait3A_276, %dma_wait3A_277] : memref<8x64x512x256xf32, #tpu.memory_space<hbm>> -> memref<1x1x256x256xf32, #tpu.memory_space<hbm>>
    %dma_wait3A_279 = tpu.memref_squeeze %dma_wait3A_278 : memref<1x1x256x256xf32, #tpu.memory_space<hbm>> -> memref<256x256xf32, #tpu.memory_space<hbm>>
    %dma_wait3A_280 = arith.constant 256 : i32
    %dma_wait3A_281 = arith.constant 0 : i32
    %dma_wait3A_282 = tpu.memref_slice %arg4[%dma_wait3A_275, %add3A_4, %dma_wait3A_280, %dma_wait3A_281] : memref<8x64x512x256xf32, #tpu.memory_space<hbm>> -> memref<1x1x256x256xf32, #tpu.memory_space<hbm>>
    %dma_wait3A_283 = tpu.memref_squeeze %dma_wait3A_282 : memref<1x1x256x256xf32, #tpu.memory_space<hbm>> -> memref<256x256xf32, #tpu.memory_space<hbm>>
    tpu.wait_dma2 semaphore(%arg8 : memref<!tpu.dma_semaphore, #tpu.memory_space<semaphore_mem>>) src(%arg7 : memref<256x256xf32, #tpu.memory_space<vmem>>) dst(%dma_wait3A_283 : memref<256x256xf32, #tpu.memory_space<hbm>>)
    %dma_wait3A_284 = arith.constant 6 : i32
    %dma_wait3A_285 = arith.constant 256 : i32
    %dma_wait3A_286 = arith.constant 0 : i32
    %dma_wait3A_287 = tpu.memref_slice %arg4[%dma_wait3A_284, %add3A_4, %dma_wait3A_285, %dma_wait3A_286] : memref<8x64x512x256xf32, #tpu.memory_space<hbm>> -> memref<1x1x256x256xf32, #tpu.memory_space<hbm>>
    %dma_wait3A_288 = tpu.memref_squeeze %dma_wait3A_287 : memref<1x1x256x256xf32, #tpu.memory_space<hbm>> -> memref<256x256xf32, #tpu.memory_space<hbm>>
    %dma_wait3A_289 = arith.constant 256 : i32
    %dma_wait3A_290 = arith.constant 0 : i32
    %dma_wait3A_291 = tpu.memref_slice %arg4[%dma_wait3A_284, %add3A_4, %dma_wait3A_289, %dma_wait3A_290] : memref<8x64x512x256xf32, #tpu.memory_space<hbm>> -> memref<1x1x256x256xf32, #tpu.memory_space<hbm>>
    %dma_wait3A_292 = tpu.memref_squeeze %dma_wait3A_291 : memref<1x1x256x256xf32, #tpu.memory_space<hbm>> -> memref<256x256xf32, #tpu.memory_space<hbm>>
    tpu.wait_dma2 semaphore(%arg8 : memref<!tpu.dma_semaphore, #tpu.memory_space<semaphore_mem>>) src(%arg7 : memref<256x256xf32, #tpu.memory_space<vmem>>) dst(%dma_wait3A_292 : memref<256x256xf32, #tpu.memory_space<hbm>>)
    %dma_wait3A_293 = arith.constant 7 : i32
    %dma_wait3A_294 = arith.constant 256 : i32
    %dma_wait3A_295 = arith.constant 0 : i32
    %dma_wait3A_296 = tpu.memref_slice %arg4[%dma_wait3A_293, %add3A_4, %dma_wait3A_294, %dma_wait3A_295] : memref<8x64x512x256xf32, #tpu.memory_space<hbm>> -> memref<1x1x256x256xf32, #tpu.memory_space<hbm>>
    %dma_wait3A_297 = tpu.memref_squeeze %dma_wait3A_296 : memref<1x1x256x256xf32, #tpu.memory_space<hbm>> -> memref<256x256xf32, #tpu.memory_space<hbm>>
    %dma_wait3A_298 = arith.constant 256 : i32
    %dma_wait3A_299 = arith.constant 0 : i32
    %dma_wait3A_300 = tpu.memref_slice %arg4[%dma_wait3A_293, %add3A_4, %dma_wait3A_298, %dma_wait3A_299] : memref<8x64x512x256xf32, #tpu.memory_space<hbm>> -> memref<1x1x256x256xf32, #tpu.memory_space<hbm>>
    %dma_wait3A_301 = tpu.memref_squeeze %dma_wait3A_300 : memref<1x1x256x256xf32, #tpu.memory_space<hbm>> -> memref<256x256xf32, #tpu.memory_space<hbm>>
    tpu.wait_dma2 semaphore(%arg8 : memref<!tpu.dma_semaphore, #tpu.memory_space<semaphore_mem>>) src(%arg7 : memref<256x256xf32, #tpu.memory_space<vmem>>) dst(%dma_wait3A_301 : memref<256x256xf32, #tpu.memory_space<hbm>>)
    %mul3A_302 = arith.constant 2 : i32
    %mul3A_303 = arith.muli %add3A, %mul3A_302 : i32
    %add3A_304 = arith.constant 1 : i32
    %add3A_305 = arith.addi %mul3A_303, %add3A_304 : i32
    "tpu.region"() ({
      %run_scoped3A = tpu.sem_alloc : memref<!tpu.dma_semaphore, #tpu.memory_space<semaphore_mem>>
      %dma_start3A_606 = arith.constant 0 : i32
      %dma_start3A_607 = tpu.memref_slice %arg2[%add3A_305, %dma_start3A_606] : memref<64x256xf32, #tpu.memory_space<hbm>> -> memref<1x256xf32, #tpu.memory_space<hbm>>
      %dma_start3A_608 = tpu.memref_squeeze %dma_start3A_607 : memref<1x256xf32, #tpu.memory_space<hbm>> -> memref<256xf32, #tpu.memory_space<hbm>>
      %dma_start3A_609 = arith.constant 0 : i32
      %dma_start3A_610 = tpu.memref_slice %arg2[%add3A_305, %dma_start3A_609] : memref<64x256xf32, #tpu.memory_space<hbm>> -> memref<1x256xf32, #tpu.memory_space<hbm>>
      %dma_start3A_611 = tpu.memref_squeeze %dma_start3A_610 : memref<1x256xf32, #tpu.memory_space<hbm>> -> memref<256xf32, #tpu.memory_space<hbm>>
      tpu.enqueue_dma source(%dma_start3A_611 : memref<256xf32, #tpu.memory_space<hbm>>) target(%arg5 : memref<256xf32, #tpu.memory_space<vmem>>) target_semaphore(%run_scoped3A : memref<!tpu.dma_semaphore, #tpu.memory_space<semaphore_mem>>)
      %dma_wait3A_612 = arith.constant 0 : i32
      %dma_wait3A_613 = tpu.memref_slice %arg2[%add3A_305, %dma_wait3A_612] : memref<64x256xf32, #tpu.memory_space<hbm>> -> memref<1x256xf32, #tpu.memory_space<hbm>>
      %dma_wait3A_614 = tpu.memref_squeeze %dma_wait3A_613 : memref<1x256xf32, #tpu.memory_space<hbm>> -> memref<256xf32, #tpu.memory_space<hbm>>
      %dma_wait3A_615 = arith.constant 0 : i32
      %dma_wait3A_616 = tpu.memref_slice %arg2[%add3A_305, %dma_wait3A_615] : memref<64x256xf32, #tpu.memory_space<hbm>> -> memref<1x256xf32, #tpu.memory_space<hbm>>
      %dma_wait3A_617 = tpu.memref_squeeze %dma_wait3A_616 : memref<1x256xf32, #tpu.memory_space<hbm>> -> memref<256xf32, #tpu.memory_space<hbm>>
      tpu.wait_dma2 semaphore(%run_scoped3A : memref<!tpu.dma_semaphore, #tpu.memory_space<semaphore_mem>>) src(%dma_wait3A_617 : memref<256xf32, #tpu.memory_space<hbm>>) dst(%arg5 : memref<256xf32, #tpu.memory_space<vmem>>)
      tpu.yield
    }) : () -> ()
    "tpu.region"() ({
      %run_scoped3A = tpu.sem_alloc : memref<!tpu.dma_semaphore, #tpu.memory_space<semaphore_mem>>
      %dma_start3A_606 = arith.constant 0 : i32
      %dma_start3A_607 = tpu.memref_slice %arg3[%add3A_305, %dma_start3A_606] : memref<64x512xf32, #tpu.memory_space<hbm>> -> memref<1x512xf32, #tpu.memory_space<hbm>>
      %dma_start3A_608 = tpu.memref_squeeze %dma_start3A_607 : memref<1x512xf32, #tpu.memory_space<hbm>> -> memref<512xf32, #tpu.memory_space<hbm>>
      %dma_start3A_609 = arith.constant 0 : i32
      %dma_start3A_610 = tpu.memref_slice %arg3[%add3A_305, %dma_start3A_609] : memref<64x512xf32, #tpu.memory_space<hbm>> -> memref<1x512xf32, #tpu.memory_space<hbm>>
      %dma_start3A_611 = tpu.memref_squeeze %dma_start3A_610 : memref<1x512xf32, #tpu.memory_space<hbm>> -> memref<512xf32, #tpu.memory_space<hbm>>
      tpu.enqueue_dma source(%dma_start3A_611 : memref<512xf32, #tpu.memory_space<hbm>>) target(%arg6 : memref<512xf32, #tpu.memory_space<vmem>>) target_semaphore(%run_scoped3A : memref<!tpu.dma_semaphore, #tpu.memory_space<semaphore_mem>>)
      %dma_wait3A_612 = arith.constant 0 : i32
      %dma_wait3A_613 = tpu.memref_slice %arg3[%add3A_305, %dma_wait3A_612] : memref<64x512xf32, #tpu.memory_space<hbm>> -> memref<1x512xf32, #tpu.memory_space<hbm>>
      %dma_wait3A_614 = tpu.memref_squeeze %dma_wait3A_613 : memref<1x512xf32, #tpu.memory_space<hbm>> -> memref<512xf32, #tpu.memory_space<hbm>>
      %dma_wait3A_615 = arith.constant 0 : i32
      %dma_wait3A_616 = tpu.memref_slice %arg3[%add3A_305, %dma_wait3A_615] : memref<64x512xf32, #tpu.memory_space<hbm>> -> memref<1x512xf32, #tpu.memory_space<hbm>>
      %dma_wait3A_617 = tpu.memref_squeeze %dma_wait3A_616 : memref<1x512xf32, #tpu.memory_space<hbm>> -> memref<512xf32, #tpu.memory_space<hbm>>
      tpu.wait_dma2 semaphore(%run_scoped3A : memref<!tpu.dma_semaphore, #tpu.memory_space<semaphore_mem>>) src(%dma_wait3A_617 : memref<512xf32, #tpu.memory_space<hbm>>) dst(%arg6 : memref<512xf32, #tpu.memory_space<vmem>>)
      tpu.yield
    }) : () -> ()
    %scan3A_306 = arith.constant 0 : i32
    %scan3A_307 = arith.constant 0 : i32
    %scan3A_308 = arith.constant 256 : i32
    %scan3A_309 = arith.addi %scan3A_307, %scan3A_308 : i32
    %scan3A_310 = arith.constant 1 : i32
    scf.for %scan3A_606 = %scan3A_307 to %scan3A_309 step %scan3A_310  : i32 {
      %broadcast_in_dim3A = arith.constant 0 : i32
      %broadcast_in_dim3A_607 = vector.broadcast %broadcast_in_dim3A : i32 to vector<16xi32>
      %add3A_608 = vector.broadcast %scan3A_606 : i32 to vector<16xi32>
      %add3A_609 = arith.addi %broadcast_in_dim3A_607, %add3A_608 : vector<16xi32>
      %gather3A = tpu.vector_load_idx %arg6[%add3A_609] : memref<512xf32, #tpu.memory_space<vmem>>[vector<16xi32>], vector<16xf32>,
      %get3A = arith.constant 0 : index
      %get3A_610 = tpu.vector_load %arg5[%get3A] {strides = array<i32>} : memref<256xf32, #tpu.memory_space<vmem>>, vector<16xf32>,
      %add3A_611 = arith.addf %get3A_610, %gather3A : vector<16xf32>
      %swap3A = arith.index_cast %scan3A_606 : i32 to index
      %swap3A_612 = arith.constant 0 : index
      %swap3A_613 = tpu.vector_load %arg7[%swap3A, %swap3A_612] {strides = array<i32>} : memref<256x256xf32, #tpu.memory_space<vmem>>, vector<16xf32>,
      tpu.vector_store %arg7[%swap3A, %swap3A_612], %add3A_611 {strides = array<i32>} : memref<256x256xf32, #tpu.memory_space<vmem>>, vector<16xf32>,
      %get3A_614 = arith.constant 16 : index
      %get3A_615 = tpu.vector_load %arg5[%get3A_614] {strides = array<i32>} : memref<256xf32, #tpu.memory_space<vmem>>, vector<16xf32>,
      %add3A_616 = arith.addf %get3A_615, %gather3A : vector<16xf32>
      %swap3A_617 = arith.index_cast %scan3A_606 : i32 to index
      %swap3A_618 = arith.constant 16 : index
      %swap3A_619 = tpu.vector_load %arg7[%swap3A_617, %swap3A_618] {strides = array<i32>} : memref<256x256xf32, #tpu.memory_space<vmem>>, vector<16xf32>,
      tpu.vector_store %arg7[%swap3A_617, %swap3A_618], %add3A_616 {strides = array<i32>} : memref<256x256xf32, #tpu.memory_space<vmem>>, vector<16xf32>,
      %get3A_620 = arith.constant 32 : index
      %get3A_621 = tpu.vector_load %arg5[%get3A_620] {strides = array<i32>} : memref<256xf32, #tpu.memory_space<vmem>>, vector<16xf32>,
      %add3A_622 = arith.addf %get3A_621, %gather3A : vector<16xf32>
      %swap3A_623 = arith.index_cast %scan3A_606 : i32 to index
      %swap3A_624 = arith.constant 32 : index
      %swap3A_625 = tpu.vector_load %arg7[%swap3A_623, %swap3A_624] {strides = array<i32>} : memref<256x256xf32, #tpu.memory_space<vmem>>, vector<16xf32>,
      tpu.vector_store %arg7[%swap3A_623, %swap3A_624], %add3A_622 {strides = array<i32>} : memref<256x256xf32, #tpu.memory_space<vmem>>, vector<16xf32>,
      %get3A_626 = arith.constant 48 : index
      %get3A_627 = tpu.vector_load %arg5[%get3A_626] {strides = array<i32>} : memref<256xf32, #tpu.memory_space<vmem>>, vector<16xf32>,
      %add3A_628 = arith.addf %get3A_627, %gather3A : vector<16xf32>
      %swap3A_629 = arith.index_cast %scan3A_606 : i32 to index
      %swap3A_630 = arith.constant 48 : index
      %swap3A_631 = tpu.vector_load %arg7[%swap3A_629, %swap3A_630] {strides = array<i32>} : memref<256x256xf32, #tpu.memory_space<vmem>>, vector<16xf32>,
      tpu.vector_store %arg7[%swap3A_629, %swap3A_630], %add3A_628 {strides = array<i32>} : memref<256x256xf32, #tpu.memory_space<vmem>>, vector<16xf32>,
      %get3A_632 = arith.constant 64 : index
      %get3A_633 = tpu.vector_load %arg5[%get3A_632] {strides = array<i32>} : memref<256xf32, #tpu.memory_space<vmem>>, vector<16xf32>,
      %add3A_634 = arith.addf %get3A_633, %gather3A : vector<16xf32>
      %swap3A_635 = arith.index_cast %scan3A_606 : i32 to index
      %swap3A_636 = arith.constant 64 : index
      %swap3A_637 = tpu.vector_load %arg7[%swap3A_635, %swap3A_636] {strides = array<i32>} : memref<256x256xf32, #tpu.memory_space<vmem>>, vector<16xf32>,
      tpu.vector_store %arg7[%swap3A_635, %swap3A_636], %add3A_634 {strides = array<i32>} : memref<256x256xf32, #tpu.memory_space<vmem>>, vector<16xf32>,
      %get3A_638 = arith.constant 80 : index
      %get3A_639 = tpu.vector_load %arg5[%get3A_638] {strides = array<i32>} : memref<256xf32, #tpu.memory_space<vmem>>, vector<16xf32>,
      %add3A_640 = arith.addf %get3A_639, %gather3A : vector<16xf32>
      %swap3A_641 = arith.index_cast %scan3A_606 : i32 to index
      %swap3A_642 = arith.constant 80 : index
      %swap3A_643 = tpu.vector_load %arg7[%swap3A_641, %swap3A_642] {strides = array<i32>} : memref<256x256xf32, #tpu.memory_space<vmem>>, vector<16xf32>,
      tpu.vector_store %arg7[%swap3A_641, %swap3A_642], %add3A_640 {strides = array<i32>} : memref<256x256xf32, #tpu.memory_space<vmem>>, vector<16xf32>,
      %get3A_644 = arith.constant 96 : index
      %get3A_645 = tpu.vector_load %arg5[%get3A_644] {strides = array<i32>} : memref<256xf32, #tpu.memory_space<vmem>>, vector<16xf32>,
      %add3A_646 = arith.addf %get3A_645, %gather3A : vector<16xf32>
      %swap3A_647 = arith.index_cast %scan3A_606 : i32 to index
      %swap3A_648 = arith.constant 96 : index
      %swap3A_649 = tpu.vector_load %arg7[%swap3A_647, %swap3A_648] {strides = array<i32>} : memref<256x256xf32, #tpu.memory_space<vmem>>, vector<16xf32>,
      tpu.vector_store %arg7[%swap3A_647, %swap3A_648], %add3A_646 {strides = array<i32>} : memref<256x256xf32, #tpu.memory_space<vmem>>, vector<16xf32>,
      %get3A_650 = arith.constant 112 : index
      %get3A_651 = tpu.vector_load %arg5[%get3A_650] {strides = array<i32>} : memref<256xf32, #tpu.memory_space<vmem>>, vector<16xf32>,
      %add3A_652 = arith.addf %get3A_651, %gather3A : vector<16xf32>
      %swap3A_653 = arith.index_cast %scan3A_606 : i32 to index
      %swap3A_654 = arith.constant 112 : index
      %swap3A_655 = tpu.vector_load %arg7[%swap3A_653, %swap3A_654] {strides = array<i32>} : memref<256x256xf32, #tpu.memory_space<vmem>>, vector<16xf32>,
      tpu.vector_store %arg7[%swap3A_653, %swap3A_654], %add3A_652 {strides = array<i32>} : memref<256x256xf32, #tpu.memory_space<vmem>>, vector<16xf32>,
      %get3A_656 = arith.constant 128 : index
      %get3A_657 = tpu.vector_load %arg5[%get3A_656] {strides = array<i32>} : memref<256xf32, #tpu.memory_space<vmem>>, vector<16xf32>,
      %add3A_658 = arith.addf %get3A_657, %gather3A : vector<16xf32>
      %swap3A_659 = arith.index_cast %scan3A_606 : i32 to index
      %swap3A_660 = arith.constant 128 : index
      %swap3A_661 = tpu.vector_load %arg7[%swap3A_659, %swap3A_660] {strides = array<i32>} : memref<256x256xf32, #tpu.memory_space<vmem>>, vector<16xf32>,
      tpu.vector_store %arg7[%swap3A_659, %swap3A_660], %add3A_658 {strides = array<i32>} : memref<256x256xf32, #tpu.memory_space<vmem>>, vector<16xf32>,
      %get3A_662 = arith.constant 144 : index
      %get3A_663 = tpu.vector_load %arg5[%get3A_662] {strides = array<i32>} : memref<256xf32, #tpu.memory_space<vmem>>, vector<16xf32>,
      %add3A_664 = arith.addf %get3A_663, %gather3A : vector<16xf32>
      %swap3A_665 = arith.index_cast %scan3A_606 : i32 to index
      %swap3A_666 = arith.constant 144 : index
      %swap3A_667 = tpu.vector_load %arg7[%swap3A_665, %swap3A_666] {strides = array<i32>} : memref<256x256xf32, #tpu.memory_space<vmem>>, vector<16xf32>,
      tpu.vector_store %arg7[%swap3A_665, %swap3A_666], %add3A_664 {strides = array<i32>} : memref<256x256xf32, #tpu.memory_space<vmem>>, vector<16xf32>,
      %get3A_668 = arith.constant 160 : index
      %get3A_669 = tpu.vector_load %arg5[%get3A_668] {strides = array<i32>} : memref<256xf32, #tpu.memory_space<vmem>>, vector<16xf32>,
      %add3A_670 = arith.addf %get3A_669, %gather3A : vector<16xf32>
      %swap3A_671 = arith.index_cast %scan3A_606 : i32 to index
      %swap3A_672 = arith.constant 160 : index
      %swap3A_673 = tpu.vector_load %arg7[%swap3A_671, %swap3A_672] {strides = array<i32>} : memref<256x256xf32, #tpu.memory_space<vmem>>, vector<16xf32>,
      tpu.vector_store %arg7[%swap3A_671, %swap3A_672], %add3A_670 {strides = array<i32>} : memref<256x256xf32, #tpu.memory_space<vmem>>, vector<16xf32>,
      %get3A_674 = arith.constant 176 : index
      %get3A_675 = tpu.vector_load %arg5[%get3A_674] {strides = array<i32>} : memref<256xf32, #tpu.memory_space<vmem>>, vector<16xf32>,
      %add3A_676 = arith.addf %get3A_675, %gather3A : vector<16xf32>
      %swap3A_677 = arith.index_cast %scan3A_606 : i32 to index
      %swap3A_678 = arith.constant 176 : index
      %swap3A_679 = tpu.vector_load %arg7[%swap3A_677, %swap3A_678] {strides = array<i32>} : memref<256x256xf32, #tpu.memory_space<vmem>>, vector<16xf32>,
      tpu.vector_store %arg7[%swap3A_677, %swap3A_678], %add3A_676 {strides = array<i32>} : memref<256x256xf32, #tpu.memory_space<vmem>>, vector<16xf32>,
      %get3A_680 = arith.constant 192 : index
      %get3A_681 = tpu.vector_load %arg5[%get3A_680] {strides = array<i32>} : memref<256xf32, #tpu.memory_space<vmem>>, vector<16xf32>,
      %add3A_682 = arith.addf %get3A_681, %gather3A : vector<16xf32>
      %swap3A_683 = arith.index_cast %scan3A_606 : i32 to index
      %swap3A_684 = arith.constant 192 : index
      %swap3A_685 = tpu.vector_load %arg7[%swap3A_683, %swap3A_684] {strides = array<i32>} : memref<256x256xf32, #tpu.memory_space<vmem>>, vector<16xf32>,
      tpu.vector_store %arg7[%swap3A_683, %swap3A_684], %add3A_682 {strides = array<i32>} : memref<256x256xf32, #tpu.memory_space<vmem>>, vector<16xf32>,
      %get3A_686 = arith.constant 208 : index
      %get3A_687 = tpu.vector_load %arg5[%get3A_686] {strides = array<i32>} : memref<256xf32, #tpu.memory_space<vmem>>, vector<16xf32>,
      %add3A_688 = arith.addf %get3A_687, %gather3A : vector<16xf32>
      %swap3A_689 = arith.index_cast %scan3A_606 : i32 to index
      %swap3A_690 = arith.constant 208 : index
      %swap3A_691 = tpu.vector_load %arg7[%swap3A_689, %swap3A_690] {strides = array<i32>} : memref<256x256xf32, #tpu.memory_space<vmem>>, vector<16xf32>,
      tpu.vector_store %arg7[%swap3A_689, %swap3A_690], %add3A_688 {strides = array<i32>} : memref<256x256xf32, #tpu.memory_space<vmem>>, vector<16xf32>,
      %get3A_692 = arith.constant 224 : index
      %get3A_693 = tpu.vector_load %arg5[%get3A_692] {strides = array<i32>} : memref<256xf32, #tpu.memory_space<vmem>>, vector<16xf32>,
      %add3A_694 = arith.addf %get3A_693, %gather3A : vector<16xf32>
      %swap3A_695 = arith.index_cast %scan3A_606 : i32 to index
      %swap3A_696 = arith.constant 224 : index
      %swap3A_697 = tpu.vector_load %arg7[%swap3A_695, %swap3A_696] {strides = array<i32>} : memref<256x256xf32, #tpu.memory_space<vmem>>, vector<16xf32>,
      tpu.vector_store %arg7[%swap3A_695, %swap3A_696], %add3A_694 {strides = array<i32>} : memref<256x256xf32, #tpu.memory_space<vmem>>, vector<16xf32>,
      %get3A_698 = arith.constant 240 : index
      %get3A_699 = tpu.vector_load %arg5[%get3A_698] {strides = array<i32>} : memref<256xf32, #tpu.memory_space<vmem>>, vector<16xf32>,
      %add3A_700 = arith.addf %get3A_699, %gather3A : vector<16xf32>
      %swap3A_701 = arith.index_cast %scan3A_606 : i32 to index
      %swap3A_702 = arith.constant 240 : index
      %swap3A_703 = tpu.vector_load %arg7[%swap3A_701, %swap3A_702] {strides = array<i32>} : memref<256x256xf32, #tpu.memory_space<vmem>>, vector<16xf32>,
      tpu.vector_store %arg7[%swap3A_701, %swap3A_702], %add3A_700 {strides = array<i32>} : memref<256x256xf32, #tpu.memory_space<vmem>>, vector<16xf32>,
    }
    %scan3A_311 = arith.constant 256 : i32
    %dma_start3A_312 = arith.constant 0 : i32
    %dma_start3A_313 = arith.constant 0 : i32
    %dma_start3A_314 = arith.constant 0 : i32
    %dma_start3A_315 = tpu.memref_slice %arg4[%dma_start3A_312, %add3A_305, %dma_start3A_313, %dma_start3A_314] : memref<8x64x512x256xf32, #tpu.memory_space<hbm>> -> memref<1x1x256x256xf32, #tpu.memory_space<hbm>>
    %dma_start3A_316 = tpu.memref_squeeze %dma_start3A_315 : memref<1x1x256x256xf32, #tpu.memory_space<hbm>> -> memref<256x256xf32, #tpu.memory_space<hbm>>
    %dma_start3A_317 = arith.constant 0 : i32
    %dma_start3A_318 = arith.constant 0 : i32
    %dma_start3A_319 = tpu.memref_slice %arg4[%dma_start3A_312, %add3A_305, %dma_start3A_317, %dma_start3A_318] : memref<8x64x512x256xf32, #tpu.memory_space<hbm>> -> memref<1x1x256x256xf32, #tpu.memory_space<hbm>>
    %dma_start3A_320 = tpu.memref_squeeze %dma_start3A_319 : memref<1x1x256x256xf32, #tpu.memory_space<hbm>> -> memref<256x256xf32, #tpu.memory_space<hbm>>
    tpu.enqueue_dma source(%arg7 : memref<256x256xf32, #tpu.memory_space<vmem>>) target(%dma_start3A_320 : memref<256x256xf32, #tpu.memory_space<hbm>>) target_semaphore(%arg8 : memref<!tpu.dma_semaphore, #tpu.memory_space<semaphore_mem>>)
    %dma_start3A_321 = arith.constant 1 : i32
    %dma_start3A_322 = arith.constant 0 : i32
    %dma_start3A_323 = arith.constant 0 : i32
    %dma_start3A_324 = tpu.memref_slice %arg4[%dma_start3A_321, %add3A_305, %dma_start3A_322, %dma_start3A_323] : memref<8x64x512x256xf32, #tpu.memory_space<hbm>> -> memref<1x1x256x256xf32, #tpu.memory_space<hbm>>
    %dma_start3A_325 = tpu.memref_squeeze %dma_start3A_324 : memref<1x1x256x256xf32, #tpu.memory_space<hbm>> -> memref<256x256xf32, #tpu.memory_space<hbm>>
    %dma_start3A_326 = arith.constant 0 : i32
    %dma_start3A_327 = arith.constant 0 : i32
    %dma_start3A_328 = tpu.memref_slice %arg4[%dma_start3A_321, %add3A_305, %dma_start3A_326, %dma_start3A_327] : memref<8x64x512x256xf32, #tpu.memory_space<hbm>> -> memref<1x1x256x256xf32, #tpu.memory_space<hbm>>
    %dma_start3A_329 = tpu.memref_squeeze %dma_start3A_328 : memref<1x1x256x256xf32, #tpu.memory_space<hbm>> -> memref<256x256xf32, #tpu.memory_space<hbm>>
    tpu.enqueue_dma source(%arg7 : memref<256x256xf32, #tpu.memory_space<vmem>>) target(%dma_start3A_329 : memref<256x256xf32, #tpu.memory_space<hbm>>) target_semaphore(%arg8 : memref<!tpu.dma_semaphore, #tpu.memory_space<semaphore_mem>>)
    %dma_start3A_330 = arith.constant 2 : i32
    %dma_start3A_331 = arith.constant 0 : i32
    %dma_start3A_332 = arith.constant 0 : i32
    %dma_start3A_333 = tpu.memref_slice %arg4[%dma_start3A_330, %add3A_305, %dma_start3A_331, %dma_start3A_332] : memref<8x64x512x256xf32, #tpu.memory_space<hbm>> -> memref<1x1x256x256xf32, #tpu.memory_space<hbm>>
    %dma_start3A_334 = tpu.memref_squeeze %dma_start3A_333 : memref<1x1x256x256xf32, #tpu.memory_space<hbm>> -> memref<256x256xf32, #tpu.memory_space<hbm>>
    %dma_start3A_335 = arith.constant 0 : i32
    %dma_start3A_336 = arith.constant 0 : i32
    %dma_start3A_337 = tpu.memref_slice %arg4[%dma_start3A_330, %add3A_305, %dma_start3A_335, %dma_start3A_336] : memref<8x64x512x256xf32, #tpu.memory_space<hbm>> -> memref<1x1x256x256xf32, #tpu.memory_space<hbm>>
    %dma_start3A_338 = tpu.memref_squeeze %dma_start3A_337 : memref<1x1x256x256xf32, #tpu.memory_space<hbm>> -> memref<256x256xf32, #tpu.memory_space<hbm>>
    tpu.enqueue_dma source(%arg7 : memref<256x256xf32, #tpu.memory_space<vmem>>) target(%dma_start3A_338 : memref<256x256xf32, #tpu.memory_space<hbm>>) target_semaphore(%arg8 : memref<!tpu.dma_semaphore, #tpu.memory_space<semaphore_mem>>)
    %dma_start3A_339 = arith.constant 3 : i32
    %dma_start3A_340 = arith.constant 0 : i32
    %dma_start3A_341 = arith.constant 0 : i32
    %dma_start3A_342 = tpu.memref_slice %arg4[%dma_start3A_339, %add3A_305, %dma_start3A_340, %dma_start3A_341] : memref<8x64x512x256xf32, #tpu.memory_space<hbm>> -> memref<1x1x256x256xf32, #tpu.memory_space<hbm>>
    %dma_start3A_343 = tpu.memref_squeeze %dma_start3A_342 : memref<1x1x256x256xf32, #tpu.memory_space<hbm>> -> memref<256x256xf32, #tpu.memory_space<hbm>>
    %dma_start3A_344 = arith.constant 0 : i32
    %dma_start3A_345 = arith.constant 0 : i32
    %dma_start3A_346 = tpu.memref_slice %arg4[%dma_start3A_339, %add3A_305, %dma_start3A_344, %dma_start3A_345] : memref<8x64x512x256xf32, #tpu.memory_space<hbm>> -> memref<1x1x256x256xf32, #tpu.memory_space<hbm>>
    %dma_start3A_347 = tpu.memref_squeeze %dma_start3A_346 : memref<1x1x256x256xf32, #tpu.memory_space<hbm>> -> memref<256x256xf32, #tpu.memory_space<hbm>>
    tpu.enqueue_dma source(%arg7 : memref<256x256xf32, #tpu.memory_space<vmem>>) target(%dma_start3A_347 : memref<256x256xf32, #tpu.memory_space<hbm>>) target_semaphore(%arg8 : memref<!tpu.dma_semaphore, #tpu.memory_space<semaphore_mem>>)
    %dma_start3A_348 = arith.constant 4 : i32
    %dma_start3A_349 = arith.constant 0 : i32
    %dma_start3A_350 = arith.constant 0 : i32
    %dma_start3A_351 = tpu.memref_slice %arg4[%dma_start3A_348, %add3A_305, %dma_start3A_349, %dma_start3A_350] : memref<8x64x512x256xf32, #tpu.memory_space<hbm>> -> memref<1x1x256x256xf32, #tpu.memory_space<hbm>>
    %dma_start3A_352 = tpu.memref_squeeze %dma_start3A_351 : memref<1x1x256x256xf32, #tpu.memory_space<hbm>> -> memref<256x256xf32, #tpu.memory_space<hbm>>
    %dma_start3A_353 = arith.constant 0 : i32
    %dma_start3A_354 = arith.constant 0 : i32
    %dma_start3A_355 = tpu.memref_slice %arg4[%dma_start3A_348, %add3A_305, %dma_start3A_353, %dma_start3A_354] : memref<8x64x512x256xf32, #tpu.memory_space<hbm>> -> memref<1x1x256x256xf32, #tpu.memory_space<hbm>>
    %dma_start3A_356 = tpu.memref_squeeze %dma_start3A_355 : memref<1x1x256x256xf32, #tpu.memory_space<hbm>> -> memref<256x256xf32, #tpu.memory_space<hbm>>
    tpu.enqueue_dma source(%arg7 : memref<256x256xf32, #tpu.memory_space<vmem>>) target(%dma_start3A_356 : memref<256x256xf32, #tpu.memory_space<hbm>>) target_semaphore(%arg8 : memref<!tpu.dma_semaphore, #tpu.memory_space<semaphore_mem>>)
    %dma_start3A_357 = arith.constant 5 : i32
    %dma_start3A_358 = arith.constant 0 : i32
    %dma_start3A_359 = arith.constant 0 : i32
    %dma_start3A_360 = tpu.memref_slice %arg4[%dma_start3A_357, %add3A_305, %dma_start3A_358, %dma_start3A_359] : memref<8x64x512x256xf32, #tpu.memory_space<hbm>> -> memref<1x1x256x256xf32, #tpu.memory_space<hbm>>
    %dma_start3A_361 = tpu.memref_squeeze %dma_start3A_360 : memref<1x1x256x256xf32, #tpu.memory_space<hbm>> -> memref<256x256xf32, #tpu.memory_space<hbm>>
    %dma_start3A_362 = arith.constant 0 : i32
    %dma_start3A_363 = arith.constant 0 : i32
    %dma_start3A_364 = tpu.memref_slice %arg4[%dma_start3A_357, %add3A_305, %dma_start3A_362, %dma_start3A_363] : memref<8x64x512x256xf32, #tpu.memory_space<hbm>> -> memref<1x1x256x256xf32, #tpu.memory_space<hbm>>
    %dma_start3A_365 = tpu.memref_squeeze %dma_start3A_364 : memref<1x1x256x256xf32, #tpu.memory_space<hbm>> -> memref<256x256xf32, #tpu.memory_space<hbm>>
    tpu.enqueue_dma source(%arg7 : memref<256x256xf32, #tpu.memory_space<vmem>>) target(%dma_start3A_365 : memref<256x256xf32, #tpu.memory_space<hbm>>) target_semaphore(%arg8 : memref<!tpu.dma_semaphore, #tpu.memory_space<semaphore_mem>>)
    %dma_start3A_366 = arith.constant 6 : i32
    %dma_start3A_367 = arith.constant 0 : i32
    %dma_start3A_368 = arith.constant 0 : i32
    %dma_start3A_369 = tpu.memref_slice %arg4[%dma_start3A_366, %add3A_305, %dma_start3A_367, %dma_start3A_368] : memref<8x64x512x256xf32, #tpu.memory_space<hbm>> -> memref<1x1x256x256xf32, #tpu.memory_space<hbm>>
    %dma_start3A_370 = tpu.memref_squeeze %dma_start3A_369 : memref<1x1x256x256xf32, #tpu.memory_space<hbm>> -> memref<256x256xf32, #tpu.memory_space<hbm>>
    %dma_start3A_371 = arith.constant 0 : i32
    %dma_start3A_372 = arith.constant 0 : i32
    %dma_start3A_373 = tpu.memref_slice %arg4[%dma_start3A_366, %add3A_305, %dma_start3A_371, %dma_start3A_372] : memref<8x64x512x256xf32, #tpu.memory_space<hbm>> -> memref<1x1x256x256xf32, #tpu.memory_space<hbm>>
    %dma_start3A_374 = tpu.memref_squeeze %dma_start3A_373 : memref<1x1x256x256xf32, #tpu.memory_space<hbm>> -> memref<256x256xf32, #tpu.memory_space<hbm>>
    tpu.enqueue_dma source(%arg7 : memref<256x256xf32, #tpu.memory_space<vmem>>) target(%dma_start3A_374 : memref<256x256xf32, #tpu.memory_space<hbm>>) target_semaphore(%arg8 : memref<!tpu.dma_semaphore, #tpu.memory_space<semaphore_mem>>)
    %dma_start3A_375 = arith.constant 7 : i32
    %dma_start3A_376 = arith.constant 0 : i32
    %dma_start3A_377 = arith.constant 0 : i32
    %dma_start3A_378 = tpu.memref_slice %arg4[%dma_start3A_375, %add3A_305, %dma_start3A_376, %dma_start3A_377] : memref<8x64x512x256xf32, #tpu.memory_space<hbm>> -> memref<1x1x256x256xf32, #tpu.memory_space<hbm>>
    %dma_start3A_379 = tpu.memref_squeeze %dma_start3A_378 : memref<1x1x256x256xf32, #tpu.memory_space<hbm>> -> memref<256x256xf32, #tpu.memory_space<hbm>>
    %dma_start3A_380 = arith.constant 0 : i32
    %dma_start3A_381 = arith.constant 0 : i32
    %dma_start3A_382 = tpu.memref_slice %arg4[%dma_start3A_375, %add3A_305, %dma_start3A_380, %dma_start3A_381] : memref<8x64x512x256xf32, #tpu.memory_space<hbm>> -> memref<1x1x256x256xf32, #tpu.memory_space<hbm>>
    %dma_start3A_383 = tpu.memref_squeeze %dma_start3A_382 : memref<1x1x256x256xf32, #tpu.memory_space<hbm>> -> memref<256x256xf32, #tpu.memory_space<hbm>>
    tpu.enqueue_dma source(%arg7 : memref<256x256xf32, #tpu.memory_space<vmem>>) target(%dma_start3A_383 : memref<256x256xf32, #tpu.memory_space<hbm>>) target_semaphore(%arg8 : memref<!tpu.dma_semaphore, #tpu.memory_space<semaphore_mem>>)
    %dma_wait3A_384 = arith.constant 0 : i32
    %dma_wait3A_385 = arith.constant 0 : i32
    %dma_wait3A_386 = arith.constant 0 : i32
    %dma_wait3A_387 = tpu.memref_slice %arg4[%dma_wait3A_384, %add3A_305, %dma_wait3A_385, %dma_wait3A_386] : memref<8x64x512x256xf32, #tpu.memory_space<hbm>> -> memref<1x1x256x256xf32, #tpu.memory_space<hbm>>
    %dma_wait3A_388 = tpu.memref_squeeze %dma_wait3A_387 : memref<1x1x256x256xf32, #tpu.memory_space<hbm>> -> memref<256x256xf32, #tpu.memory_space<hbm>>
    %dma_wait3A_389 = arith.constant 0 : i32
    %dma_wait3A_390 = arith.constant 0 : i32
    %dma_wait3A_391 = tpu.memref_slice %arg4[%dma_wait3A_384, %add3A_305, %dma_wait3A_389, %dma_wait3A_390] : memref<8x64x512x256xf32, #tpu.memory_space<hbm>> -> memref<1x1x256x256xf32, #tpu.memory_space<hbm>>
    %dma_wait3A_392 = tpu.memref_squeeze %dma_wait3A_391 : memref<1x1x256x256xf32, #tpu.memory_space<hbm>> -> memref<256x256xf32, #tpu.memory_space<hbm>>
    tpu.wait_dma2 semaphore(%arg8 : memref<!tpu.dma_semaphore, #tpu.memory_space<semaphore_mem>>) src(%arg7 : memref<256x256xf32, #tpu.memory_space<vmem>>) dst(%dma_wait3A_392 : memref<256x256xf32, #tpu.memory_space<hbm>>)
    %dma_wait3A_393 = arith.constant 1 : i32
    %dma_wait3A_394 = arith.constant 0 : i32
    %dma_wait3A_395 = arith.constant 0 : i32
    %dma_wait3A_396 = tpu.memref_slice %arg4[%dma_wait3A_393, %add3A_305, %dma_wait3A_394, %dma_wait3A_395] : memref<8x64x512x256xf32, #tpu.memory_space<hbm>> -> memref<1x1x256x256xf32, #tpu.memory_space<hbm>>
    %dma_wait3A_397 = tpu.memref_squeeze %dma_wait3A_396 : memref<1x1x256x256xf32, #tpu.memory_space<hbm>> -> memref<256x256xf32, #tpu.memory_space<hbm>>
    %dma_wait3A_398 = arith.constant 0 : i32
    %dma_wait3A_399 = arith.constant 0 : i32
    %dma_wait3A_400 = tpu.memref_slice %arg4[%dma_wait3A_393, %add3A_305, %dma_wait3A_398, %dma_wait3A_399] : memref<8x64x512x256xf32, #tpu.memory_space<hbm>> -> memref<1x1x256x256xf32, #tpu.memory_space<hbm>>
    %dma_wait3A_401 = tpu.memref_squeeze %dma_wait3A_400 : memref<1x1x256x256xf32, #tpu.memory_space<hbm>> -> memref<256x256xf32, #tpu.memory_space<hbm>>
    tpu.wait_dma2 semaphore(%arg8 : memref<!tpu.dma_semaphore, #tpu.memory_space<semaphore_mem>>) src(%arg7 : memref<256x256xf32, #tpu.memory_space<vmem>>) dst(%dma_wait3A_401 : memref<256x256xf32, #tpu.memory_space<hbm>>)
    %dma_wait3A_402 = arith.constant 2 : i32
    %dma_wait3A_403 = arith.constant 0 : i32
    %dma_wait3A_404 = arith.constant 0 : i32
    %dma_wait3A_405 = tpu.memref_slice %arg4[%dma_wait3A_402, %add3A_305, %dma_wait3A_403, %dma_wait3A_404] : memref<8x64x512x256xf32, #tpu.memory_space<hbm>> -> memref<1x1x256x256xf32, #tpu.memory_space<hbm>>
    %dma_wait3A_406 = tpu.memref_squeeze %dma_wait3A_405 : memref<1x1x256x256xf32, #tpu.memory_space<hbm>> -> memref<256x256xf32, #tpu.memory_space<hbm>>
    %dma_wait3A_407 = arith.constant 0 : i32
    %dma_wait3A_408 = arith.constant 0 : i32
    %dma_wait3A_409 = tpu.memref_slice %arg4[%dma_wait3A_402, %add3A_305, %dma_wait3A_407, %dma_wait3A_408] : memref<8x64x512x256xf32, #tpu.memory_space<hbm>> -> memref<1x1x256x256xf32, #tpu.memory_space<hbm>>
    %dma_wait3A_410 = tpu.memref_squeeze %dma_wait3A_409 : memref<1x1x256x256xf32, #tpu.memory_space<hbm>> -> memref<256x256xf32, #tpu.memory_space<hbm>>
    tpu.wait_dma2 semaphore(%arg8 : memref<!tpu.dma_semaphore, #tpu.memory_space<semaphore_mem>>) src(%arg7 : memref<256x256xf32, #tpu.memory_space<vmem>>) dst(%dma_wait3A_410 : memref<256x256xf32, #tpu.memory_space<hbm>>)
    %dma_wait3A_411 = arith.constant 3 : i32
    %dma_wait3A_412 = arith.constant 0 : i32
    %dma_wait3A_413 = arith.constant 0 : i32
    %dma_wait3A_414 = tpu.memref_slice %arg4[%dma_wait3A_411, %add3A_305, %dma_wait3A_412, %dma_wait3A_413] : memref<8x64x512x256xf32, #tpu.memory_space<hbm>> -> memref<1x1x256x256xf32, #tpu.memory_space<hbm>>
    %dma_wait3A_415 = tpu.memref_squeeze %dma_wait3A_414 : memref<1x1x256x256xf32, #tpu.memory_space<hbm>> -> memref<256x256xf32, #tpu.memory_space<hbm>>
    %dma_wait3A_416 = arith.constant 0 : i32
    %dma_wait3A_417 = arith.constant 0 : i32
    %dma_wait3A_418 = tpu.memref_slice %arg4[%dma_wait3A_411, %add3A_305, %dma_wait3A_416, %dma_wait3A_417] : memref<8x64x512x256xf32, #tpu.memory_space<hbm>> -> memref<1x1x256x256xf32, #tpu.memory_space<hbm>>
    %dma_wait3A_419 = tpu.memref_squeeze %dma_wait3A_418 : memref<1x1x256x256xf32, #tpu.memory_space<hbm>> -> memref<256x256xf32, #tpu.memory_space<hbm>>
    tpu.wait_dma2 semaphore(%arg8 : memref<!tpu.dma_semaphore, #tpu.memory_space<semaphore_mem>>) src(%arg7 : memref<256x256xf32, #tpu.memory_space<vmem>>) dst(%dma_wait3A_419 : memref<256x256xf32, #tpu.memory_space<hbm>>)
    %dma_wait3A_420 = arith.constant 4 : i32
    %dma_wait3A_421 = arith.constant 0 : i32
    %dma_wait3A_422 = arith.constant 0 : i32
    %dma_wait3A_423 = tpu.memref_slice %arg4[%dma_wait3A_420, %add3A_305, %dma_wait3A_421, %dma_wait3A_422] : memref<8x64x512x256xf32, #tpu.memory_space<hbm>> -> memref<1x1x256x256xf32, #tpu.memory_space<hbm>>
    %dma_wait3A_424 = tpu.memref_squeeze %dma_wait3A_423 : memref<1x1x256x256xf32, #tpu.memory_space<hbm>> -> memref<256x256xf32, #tpu.memory_space<hbm>>
    %dma_wait3A_425 = arith.constant 0 : i32
    %dma_wait3A_426 = arith.constant 0 : i32
    %dma_wait3A_427 = tpu.memref_slice %arg4[%dma_wait3A_420, %add3A_305, %dma_wait3A_425, %dma_wait3A_426] : memref<8x64x512x256xf32, #tpu.memory_space<hbm>> -> memref<1x1x256x256xf32, #tpu.memory_space<hbm>>
    %dma_wait3A_428 = tpu.memref_squeeze %dma_wait3A_427 : memref<1x1x256x256xf32, #tpu.memory_space<hbm>> -> memref<256x256xf32, #tpu.memory_space<hbm>>
    tpu.wait_dma2 semaphore(%arg8 : memref<!tpu.dma_semaphore, #tpu.memory_space<semaphore_mem>>) src(%arg7 : memref<256x256xf32, #tpu.memory_space<vmem>>) dst(%dma_wait3A_428 : memref<256x256xf32, #tpu.memory_space<hbm>>)
    %dma_wait3A_429 = arith.constant 5 : i32
    %dma_wait3A_430 = arith.constant 0 : i32
    %dma_wait3A_431 = arith.constant 0 : i32
    %dma_wait3A_432 = tpu.memref_slice %arg4[%dma_wait3A_429, %add3A_305, %dma_wait3A_430, %dma_wait3A_431] : memref<8x64x512x256xf32, #tpu.memory_space<hbm>> -> memref<1x1x256x256xf32, #tpu.memory_space<hbm>>
    %dma_wait3A_433 = tpu.memref_squeeze %dma_wait3A_432 : memref<1x1x256x256xf32, #tpu.memory_space<hbm>> -> memref<256x256xf32, #tpu.memory_space<hbm>>
    %dma_wait3A_434 = arith.constant 0 : i32
    %dma_wait3A_435 = arith.constant 0 : i32
    %dma_wait3A_436 = tpu.memref_slice %arg4[%dma_wait3A_429, %add3A_305, %dma_wait3A_434, %dma_wait3A_435] : memref<8x64x512x256xf32, #tpu.memory_space<hbm>> -> memref<1x1x256x256xf32, #tpu.memory_space<hbm>>
    %dma_wait3A_437 = tpu.memref_squeeze %dma_wait3A_436 : memref<1x1x256x256xf32, #tpu.memory_space<hbm>> -> memref<256x256xf32, #tpu.memory_space<hbm>>
    tpu.wait_dma2 semaphore(%arg8 : memref<!tpu.dma_semaphore, #tpu.memory_space<semaphore_mem>>) src(%arg7 : memref<256x256xf32, #tpu.memory_space<vmem>>) dst(%dma_wait3A_437 : memref<256x256xf32, #tpu.memory_space<hbm>>)
    %dma_wait3A_438 = arith.constant 6 : i32
    %dma_wait3A_439 = arith.constant 0 : i32
    %dma_wait3A_440 = arith.constant 0 : i32
    %dma_wait3A_441 = tpu.memref_slice %arg4[%dma_wait3A_438, %add3A_305, %dma_wait3A_439, %dma_wait3A_440] : memref<8x64x512x256xf32, #tpu.memory_space<hbm>> -> memref<1x1x256x256xf32, #tpu.memory_space<hbm>>
    %dma_wait3A_442 = tpu.memref_squeeze %dma_wait3A_441 : memref<1x1x256x256xf32, #tpu.memory_space<hbm>> -> memref<256x256xf32, #tpu.memory_space<hbm>>
    %dma_wait3A_443 = arith.constant 0 : i32
    %dma_wait3A_444 = arith.constant 0 : i32
    %dma_wait3A_445 = tpu.memref_slice %arg4[%dma_wait3A_438, %add3A_305, %dma_wait3A_443, %dma_wait3A_444] : memref<8x64x512x256xf32, #tpu.memory_space<hbm>> -> memref<1x1x256x256xf32, #tpu.memory_space<hbm>>
    %dma_wait3A_446 = tpu.memref_squeeze %dma_wait3A_445 : memref<1x1x256x256xf32, #tpu.memory_space<hbm>> -> memref<256x256xf32, #tpu.memory_space<hbm>>
    tpu.wait_dma2 semaphore(%arg8 : memref<!tpu.dma_semaphore, #tpu.memory_space<semaphore_mem>>) src(%arg7 : memref<256x256xf32, #tpu.memory_space<vmem>>) dst(%dma_wait3A_446 : memref<256x256xf32, #tpu.memory_space<hbm>>)
    %dma_wait3A_447 = arith.constant 7 : i32
    %dma_wait3A_448 = arith.constant 0 : i32
    %dma_wait3A_449 = arith.constant 0 : i32
    %dma_wait3A_450 = tpu.memref_slice %arg4[%dma_wait3A_447, %add3A_305, %dma_wait3A_448, %dma_wait3A_449] : memref<8x64x512x256xf32, #tpu.memory_space<hbm>> -> memref<1x1x256x256xf32, #tpu.memory_space<hbm>>
    %dma_wait3A_451 = tpu.memref_squeeze %dma_wait3A_450 : memref<1x1x256x256xf32, #tpu.memory_space<hbm>> -> memref<256x256xf32, #tpu.memory_space<hbm>>
    %dma_wait3A_452 = arith.constant 0 : i32
    %dma_wait3A_453 = arith.constant 0 : i32
    %dma_wait3A_454 = tpu.memref_slice %arg4[%dma_wait3A_447, %add3A_305, %dma_wait3A_452, %dma_wait3A_453] : memref<8x64x512x256xf32, #tpu.memory_space<hbm>> -> memref<1x1x256x256xf32, #tpu.memory_space<hbm>>
    %dma_wait3A_455 = tpu.memref_squeeze %dma_wait3A_454 : memref<1x1x256x256xf32, #tpu.memory_space<hbm>> -> memref<256x256xf32, #tpu.memory_space<hbm>>
    tpu.wait_dma2 semaphore(%arg8 : memref<!tpu.dma_semaphore, #tpu.memory_space<semaphore_mem>>) src(%arg7 : memref<256x256xf32, #tpu.memory_space<vmem>>) dst(%dma_wait3A_455 : memref<256x256xf32, #tpu.memory_space<hbm>>)
    %scan3A_456 = arith.constant 0 : i32
    %scan3A_457 = arith.constant 0 : i32
    %scan3A_458 = arith.constant 256 : i32
    %scan3A_459 = arith.addi %scan3A_457, %scan3A_458 : i32
    %scan3A_460 = arith.constant 1 : i32
    scf.for %scan3A_606 = %scan3A_457 to %scan3A_459 step %scan3A_460  : i32 {
      %broadcast_in_dim3A = arith.constant 256 : i32
      %broadcast_in_dim3A_607 = vector.broadcast %broadcast_in_dim3A : i32 to vector<16xi32>
      %add3A_608 = vector.broadcast %scan3A_606 : i32 to vector<16xi32>
      %add3A_609 = arith.addi %broadcast_in_dim3A_607, %add3A_608 : vector<16xi32>
      %gather3A = tpu.vector_load_idx %arg6[%add3A_609] : memref<512xf32, #tpu.memory_space<vmem>>[vector<16xi32>], vector<16xf32>,
      %get3A = arith.constant 0 : index
      %get3A_610 = tpu.vector_load %arg5[%get3A] {strides = array<i32>} : memref<256xf32, #tpu.memory_space<vmem>>, vector<16xf32>,
      %add3A_611 = arith.addf %get3A_610, %gather3A : vector<16xf32>
      %swap3A = arith.index_cast %scan3A_606 : i32 to index
      %swap3A_612 = arith.constant 0 : index
      %swap3A_613 = tpu.vector_load %arg7[%swap3A, %swap3A_612] {strides = array<i32>} : memref<256x256xf32, #tpu.memory_space<vmem>>, vector<16xf32>,
      tpu.vector_store %arg7[%swap3A, %swap3A_612], %add3A_611 {strides = array<i32>} : memref<256x256xf32, #tpu.memory_space<vmem>>, vector<16xf32>,
      %get3A_614 = arith.constant 16 : index
      %get3A_615 = tpu.vector_load %arg5[%get3A_614] {strides = array<i32>} : memref<256xf32, #tpu.memory_space<vmem>>, vector<16xf32>,
      %add3A_616 = arith.addf %get3A_615, %gather3A : vector<16xf32>
      %swap3A_617 = arith.index_cast %scan3A_606 : i32 to index
      %swap3A_618 = arith.constant 16 : index
      %swap3A_619 = tpu.vector_load %arg7[%swap3A_617, %swap3A_618] {strides = array<i32>} : memref<256x256xf32, #tpu.memory_space<vmem>>, vector<16xf32>,
      tpu.vector_store %arg7[%swap3A_617, %swap3A_618], %add3A_616 {strides = array<i32>} : memref<256x256xf32, #tpu.memory_space<vmem>>, vector<16xf32>,
      %get3A_620 = arith.constant 32 : index
      %get3A_621 = tpu.vector_load %arg5[%get3A_620] {strides = array<i32>} : memref<256xf32, #tpu.memory_space<vmem>>, vector<16xf32>,
      %add3A_622 = arith.addf %get3A_621, %gather3A : vector<16xf32>
      %swap3A_623 = arith.index_cast %scan3A_606 : i32 to index
      %swap3A_624 = arith.constant 32 : index
      %swap3A_625 = tpu.vector_load %arg7[%swap3A_623, %swap3A_624] {strides = array<i32>} : memref<256x256xf32, #tpu.memory_space<vmem>>, vector<16xf32>,
      tpu.vector_store %arg7[%swap3A_623, %swap3A_624], %add3A_622 {strides = array<i32>} : memref<256x256xf32, #tpu.memory_space<vmem>>, vector<16xf32>,
      %get3A_626 = arith.constant 48 : index
      %get3A_627 = tpu.vector_load %arg5[%get3A_626] {strides = array<i32>} : memref<256xf32, #tpu.memory_space<vmem>>, vector<16xf32>,
      %add3A_628 = arith.addf %get3A_627, %gather3A : vector<16xf32>
      %swap3A_629 = arith.index_cast %scan3A_606 : i32 to index
      %swap3A_630 = arith.constant 48 : index
      %swap3A_631 = tpu.vector_load %arg7[%swap3A_629, %swap3A_630] {strides = array<i32>} : memref<256x256xf32, #tpu.memory_space<vmem>>, vector<16xf32>,
      tpu.vector_store %arg7[%swap3A_629, %swap3A_630], %add3A_628 {strides = array<i32>} : memref<256x256xf32, #tpu.memory_space<vmem>>, vector<16xf32>,
      %get3A_632 = arith.constant 64 : index
      %get3A_633 = tpu.vector_load %arg5[%get3A_632] {strides = array<i32>} : memref<256xf32, #tpu.memory_space<vmem>>, vector<16xf32>,
      %add3A_634 = arith.addf %get3A_633, %gather3A : vector<16xf32>
      %swap3A_635 = arith.index_cast %scan3A_606 : i32 to index
      %swap3A_636 = arith.constant 64 : index
      %swap3A_637 = tpu.vector_load %arg7[%swap3A_635, %swap3A_636] {strides = array<i32>} : memref<256x256xf32, #tpu.memory_space<vmem>>, vector<16xf32>,
      tpu.vector_store %arg7[%swap3A_635, %swap3A_636], %add3A_634 {strides = array<i32>} : memref<256x256xf32, #tpu.memory_space<vmem>>, vector<16xf32>,
      %get3A_638 = arith.constant 80 : index
      %get3A_639 = tpu.vector_load %arg5[%get3A_638] {strides = array<i32>} : memref<256xf32, #tpu.memory_space<vmem>>, vector<16xf32>,
      %add3A_640 = arith.addf %get3A_639, %gather3A : vector<16xf32>
      %swap3A_641 = arith.index_cast %scan3A_606 : i32 to index
      %swap3A_642 = arith.constant 80 : index
      %swap3A_643 = tpu.vector_load %arg7[%swap3A_641, %swap3A_642] {strides = array<i32>} : memref<256x256xf32, #tpu.memory_space<vmem>>, vector<16xf32>,
      tpu.vector_store %arg7[%swap3A_641, %swap3A_642], %add3A_640 {strides = array<i32>} : memref<256x256xf32, #tpu.memory_space<vmem>>, vector<16xf32>,
      %get3A_644 = arith.constant 96 : index
      %get3A_645 = tpu.vector_load %arg5[%get3A_644] {strides = array<i32>} : memref<256xf32, #tpu.memory_space<vmem>>, vector<16xf32>,
      %add3A_646 = arith.addf %get3A_645, %gather3A : vector<16xf32>
      %swap3A_647 = arith.index_cast %scan3A_606 : i32 to index
      %swap3A_648 = arith.constant 96 : index
      %swap3A_649 = tpu.vector_load %arg7[%swap3A_647, %swap3A_648] {strides = array<i32>} : memref<256x256xf32, #tpu.memory_space<vmem>>, vector<16xf32>,
      tpu.vector_store %arg7[%swap3A_647, %swap3A_648], %add3A_646 {strides = array<i32>} : memref<256x256xf32, #tpu.memory_space<vmem>>, vector<16xf32>,
      %get3A_650 = arith.constant 112 : index
      %get3A_651 = tpu.vector_load %arg5[%get3A_650] {strides = array<i32>} : memref<256xf32, #tpu.memory_space<vmem>>, vector<16xf32>,
      %add3A_652 = arith.addf %get3A_651, %gather3A : vector<16xf32>
      %swap3A_653 = arith.index_cast %scan3A_606 : i32 to index
      %swap3A_654 = arith.constant 112 : index
      %swap3A_655 = tpu.vector_load %arg7[%swap3A_653, %swap3A_654] {strides = array<i32>} : memref<256x256xf32, #tpu.memory_space<vmem>>, vector<16xf32>,
      tpu.vector_store %arg7[%swap3A_653, %swap3A_654], %add3A_652 {strides = array<i32>} : memref<256x256xf32, #tpu.memory_space<vmem>>, vector<16xf32>,
      %get3A_656 = arith.constant 128 : index
      %get3A_657 = tpu.vector_load %arg5[%get3A_656] {strides = array<i32>} : memref<256xf32, #tpu.memory_space<vmem>>, vector<16xf32>,
      %add3A_658 = arith.addf %get3A_657, %gather3A : vector<16xf32>
      %swap3A_659 = arith.index_cast %scan3A_606 : i32 to index
      %swap3A_660 = arith.constant 128 : index
      %swap3A_661 = tpu.vector_load %arg7[%swap3A_659, %swap3A_660] {strides = array<i32>} : memref<256x256xf32, #tpu.memory_space<vmem>>, vector<16xf32>,
      tpu.vector_store %arg7[%swap3A_659, %swap3A_660], %add3A_658 {strides = array<i32>} : memref<256x256xf32, #tpu.memory_space<vmem>>, vector<16xf32>,
      %get3A_662 = arith.constant 144 : index
      %get3A_663 = tpu.vector_load %arg5[%get3A_662] {strides = array<i32>} : memref<256xf32, #tpu.memory_space<vmem>>, vector<16xf32>,
      %add3A_664 = arith.addf %get3A_663, %gather3A : vector<16xf32>
      %swap3A_665 = arith.index_cast %scan3A_606 : i32 to index
      %swap3A_666 = arith.constant 144 : index
      %swap3A_667 = tpu.vector_load %arg7[%swap3A_665, %swap3A_666] {strides = array<i32>} : memref<256x256xf32, #tpu.memory_space<vmem>>, vector<16xf32>,
      tpu.vector_store %arg7[%swap3A_665, %swap3A_666], %add3A_664 {strides = array<i32>} : memref<256x256xf32, #tpu.memory_space<vmem>>, vector<16xf32>,
      %get3A_668 = arith.constant 160 : index
      %get3A_669 = tpu.vector_load %arg5[%get3A_668] {strides = array<i32>} : memref<256xf32, #tpu.memory_space<vmem>>, vector<16xf32>,
      %add3A_670 = arith.addf %get3A_669, %gather3A : vector<16xf32>
      %swap3A_671 = arith.index_cast %scan3A_606 : i32 to index
      %swap3A_672 = arith.constant 160 : index
      %swap3A_673 = tpu.vector_load %arg7[%swap3A_671, %swap3A_672] {strides = array<i32>} : memref<256x256xf32, #tpu.memory_space<vmem>>, vector<16xf32>,
      tpu.vector_store %arg7[%swap3A_671, %swap3A_672], %add3A_670 {strides = array<i32>} : memref<256x256xf32, #tpu.memory_space<vmem>>, vector<16xf32>,
      %get3A_674 = arith.constant 176 : index
      %get3A_675 = tpu.vector_load %arg5[%get3A_674] {strides = array<i32>} : memref<256xf32, #tpu.memory_space<vmem>>, vector<16xf32>,
      %add3A_676 = arith.addf %get3A_675, %gather3A : vector<16xf32>
      %swap3A_677 = arith.index_cast %scan3A_606 : i32 to index
      %swap3A_678 = arith.constant 176 : index
      %swap3A_679 = tpu.vector_load %arg7[%swap3A_677, %swap3A_678] {strides = array<i32>} : memref<256x256xf32, #tpu.memory_space<vmem>>, vector<16xf32>,
      tpu.vector_store %arg7[%swap3A_677, %swap3A_678], %add3A_676 {strides = array<i32>} : memref<256x256xf32, #tpu.memory_space<vmem>>, vector<16xf32>,
      %get3A_680 = arith.constant 192 : index
      %get3A_681 = tpu.vector_load %arg5[%get3A_680] {strides = array<i32>} : memref<256xf32, #tpu.memory_space<vmem>>, vector<16xf32>,
      %add3A_682 = arith.addf %get3A_681, %gather3A : vector<16xf32>
      %swap3A_683 = arith.index_cast %scan3A_606 : i32 to index
      %swap3A_684 = arith.constant 192 : index
      %swap3A_685 = tpu.vector_load %arg7[%swap3A_683, %swap3A_684] {strides = array<i32>} : memref<256x256xf32, #tpu.memory_space<vmem>>, vector<16xf32>,
      tpu.vector_store %arg7[%swap3A_683, %swap3A_684], %add3A_682 {strides = array<i32>} : memref<256x256xf32, #tpu.memory_space<vmem>>, vector<16xf32>,
      %get3A_686 = arith.constant 208 : index
      %get3A_687 = tpu.vector_load %arg5[%get3A_686] {strides = array<i32>} : memref<256xf32, #tpu.memory_space<vmem>>, vector<16xf32>,
      %add3A_688 = arith.addf %get3A_687, %gather3A : vector<16xf32>
      %swap3A_689 = arith.index_cast %scan3A_606 : i32 to index
      %swap3A_690 = arith.constant 208 : index
      %swap3A_691 = tpu.vector_load %arg7[%swap3A_689, %swap3A_690] {strides = array<i32>} : memref<256x256xf32, #tpu.memory_space<vmem>>, vector<16xf32>,
      tpu.vector_store %arg7[%swap3A_689, %swap3A_690], %add3A_688 {strides = array<i32>} : memref<256x256xf32, #tpu.memory_space<vmem>>, vector<16xf32>,
      %get3A_692 = arith.constant 224 : index
      %get3A_693 = tpu.vector_load %arg5[%get3A_692] {strides = array<i32>} : memref<256xf32, #tpu.memory_space<vmem>>, vector<16xf32>,
      %add3A_694 = arith.addf %get3A_693, %gather3A : vector<16xf32>
      %swap3A_695 = arith.index_cast %scan3A_606 : i32 to index
      %swap3A_696 = arith.constant 224 : index
      %swap3A_697 = tpu.vector_load %arg7[%swap3A_695, %swap3A_696] {strides = array<i32>} : memref<256x256xf32, #tpu.memory_space<vmem>>, vector<16xf32>,
      tpu.vector_store %arg7[%swap3A_695, %swap3A_696], %add3A_694 {strides = array<i32>} : memref<256x256xf32, #tpu.memory_space<vmem>>, vector<16xf32>,
      %get3A_698 = arith.constant 240 : index
      %get3A_699 = tpu.vector_load %arg5[%get3A_698] {strides = array<i32>} : memref<256xf32, #tpu.memory_space<vmem>>, vector<16xf32>,
      %add3A_700 = arith.addf %get3A_699, %gather3A : vector<16xf32>
      %swap3A_701 = arith.index_cast %scan3A_606 : i32 to index
      %swap3A_702 = arith.constant 240 : index
      %swap3A_703 = tpu.vector_load %arg7[%swap3A_701, %swap3A_702] {strides = array<i32>} : memref<256x256xf32, #tpu.memory_space<vmem>>, vector<16xf32>,
      tpu.vector_store %arg7[%swap3A_701, %swap3A_702], %add3A_700 {strides = array<i32>} : memref<256x256xf32, #tpu.memory_space<vmem>>, vector<16xf32>,
    }
    %scan3A_461 = arith.constant 256 : i32
    %dma_start3A_462 = arith.constant 0 : i32
    %dma_start3A_463 = arith.constant 256 : i32
    %dma_start3A_464 = arith.constant 0 : i32
    %dma_start3A_465 = tpu.memref_slice %arg4[%dma_start3A_462, %add3A_305, %dma_start3A_463, %dma_start3A_464] : memref<8x64x512x256xf32, #tpu.memory_space<hbm>> -> memref<1x1x256x256xf32, #tpu.memory_space<hbm>>
    %dma_start3A_466 = tpu.memref_squeeze %dma_start3A_465 : memref<1x1x256x256xf32, #tpu.memory_space<hbm>> -> memref<256x256xf32, #tpu.memory_space<hbm>>
    %dma_start3A_467 = arith.constant 256 : i32
    %dma_start3A_468 = arith.constant 0 : i32
    %dma_start3A_469 = tpu.memref_slice %arg4[%dma_start3A_462, %add3A_305, %dma_start3A_467, %dma_start3A_468] : memref<8x64x512x256xf32, #tpu.memory_space<hbm>> -> memref<1x1x256x256xf32, #tpu.memory_space<hbm>>
    %dma_start3A_470 = tpu.memref_squeeze %dma_start3A_469 : memref<1x1x256x256xf32, #tpu.memory_space<hbm>> -> memref<256x256xf32, #tpu.memory_space<hbm>>
    tpu.enqueue_dma source(%arg7 : memref<256x256xf32, #tpu.memory_space<vmem>>) target(%dma_start3A_470 : memref<256x256xf32, #tpu.memory_space<hbm>>) target_semaphore(%arg8 : memref<!tpu.dma_semaphore, #tpu.memory_space<semaphore_mem>>)
    %dma_start3A_471 = arith.constant 1 : i32
    %dma_start3A_472 = arith.constant 256 : i32
    %dma_start3A_473 = arith.constant 0 : i32
    %dma_start3A_474 = tpu.memref_slice %arg4[%dma_start3A_471, %add3A_305, %dma_start3A_472, %dma_start3A_473] : memref<8x64x512x256xf32, #tpu.memory_space<hbm>> -> memref<1x1x256x256xf32, #tpu.memory_space<hbm>>
    %dma_start3A_475 = tpu.memref_squeeze %dma_start3A_474 : memref<1x1x256x256xf32, #tpu.memory_space<hbm>> -> memref<256x256xf32, #tpu.memory_space<hbm>>
    %dma_start3A_476 = arith.constant 256 : i32
    %dma_start3A_477 = arith.constant 0 : i32
    %dma_start3A_478 = tpu.memref_slice %arg4[%dma_start3A_471, %add3A_305, %dma_start3A_476, %dma_start3A_477] : memref<8x64x512x256xf32, #tpu.memory_space<hbm>> -> memref<1x1x256x256xf32, #tpu.memory_space<hbm>>
    %dma_start3A_479 = tpu.memref_squeeze %dma_start3A_478 : memref<1x1x256x256xf32, #tpu.memory_space<hbm>> -> memref<256x256xf32, #tpu.memory_space<hbm>>
    tpu.enqueue_dma source(%arg7 : memref<256x256xf32, #tpu.memory_space<vmem>>) target(%dma_start3A_479 : memref<256x256xf32, #tpu.memory_space<hbm>>) target_semaphore(%arg8 : memref<!tpu.dma_semaphore, #tpu.memory_space<semaphore_mem>>)
    %dma_start3A_480 = arith.constant 2 : i32
    %dma_start3A_481 = arith.constant 256 : i32
    %dma_start3A_482 = arith.constant 0 : i32
    %dma_start3A_483 = tpu.memref_slice %arg4[%dma_start3A_480, %add3A_305, %dma_start3A_481, %dma_start3A_482] : memref<8x64x512x256xf32, #tpu.memory_space<hbm>> -> memref<1x1x256x256xf32, #tpu.memory_space<hbm>>
    %dma_start3A_484 = tpu.memref_squeeze %dma_start3A_483 : memref<1x1x256x256xf32, #tpu.memory_space<hbm>> -> memref<256x256xf32, #tpu.memory_space<hbm>>
    %dma_start3A_485 = arith.constant 256 : i32
    %dma_start3A_486 = arith.constant 0 : i32
    %dma_start3A_487 = tpu.memref_slice %arg4[%dma_start3A_480, %add3A_305, %dma_start3A_485, %dma_start3A_486] : memref<8x64x512x256xf32, #tpu.memory_space<hbm>> -> memref<1x1x256x256xf32, #tpu.memory_space<hbm>>
    %dma_start3A_488 = tpu.memref_squeeze %dma_start3A_487 : memref<1x1x256x256xf32, #tpu.memory_space<hbm>> -> memref<256x256xf32, #tpu.memory_space<hbm>>
    tpu.enqueue_dma source(%arg7 : memref<256x256xf32, #tpu.memory_space<vmem>>) target(%dma_start3A_488 : memref<256x256xf32, #tpu.memory_space<hbm>>) target_semaphore(%arg8 : memref<!tpu.dma_semaphore, #tpu.memory_space<semaphore_mem>>)
    %dma_start3A_489 = arith.constant 3 : i32
    %dma_start3A_490 = arith.constant 256 : i32
    %dma_start3A_491 = arith.constant 0 : i32
    %dma_start3A_492 = tpu.memref_slice %arg4[%dma_start3A_489, %add3A_305, %dma_start3A_490, %dma_start3A_491] : memref<8x64x512x256xf32, #tpu.memory_space<hbm>> -> memref<1x1x256x256xf32, #tpu.memory_space<hbm>>
    %dma_start3A_493 = tpu.memref_squeeze %dma_start3A_492 : memref<1x1x256x256xf32, #tpu.memory_space<hbm>> -> memref<256x256xf32, #tpu.memory_space<hbm>>
    %dma_start3A_494 = arith.constant 256 : i32
    %dma_start3A_495 = arith.constant 0 : i32
    %dma_start3A_496 = tpu.memref_slice %arg4[%dma_start3A_489, %add3A_305, %dma_start3A_494, %dma_start3A_495] : memref<8x64x512x256xf32, #tpu.memory_space<hbm>> -> memref<1x1x256x256xf32, #tpu.memory_space<hbm>>
    %dma_start3A_497 = tpu.memref_squeeze %dma_start3A_496 : memref<1x1x256x256xf32, #tpu.memory_space<hbm>> -> memref<256x256xf32, #tpu.memory_space<hbm>>
    tpu.enqueue_dma source(%arg7 : memref<256x256xf32, #tpu.memory_space<vmem>>) target(%dma_start3A_497 : memref<256x256xf32, #tpu.memory_space<hbm>>) target_semaphore(%arg8 : memref<!tpu.dma_semaphore, #tpu.memory_space<semaphore_mem>>)
    %dma_start3A_498 = arith.constant 4 : i32
    %dma_start3A_499 = arith.constant 256 : i32
    %dma_start3A_500 = arith.constant 0 : i32
    %dma_start3A_501 = tpu.memref_slice %arg4[%dma_start3A_498, %add3A_305, %dma_start3A_499, %dma_start3A_500] : memref<8x64x512x256xf32, #tpu.memory_space<hbm>> -> memref<1x1x256x256xf32, #tpu.memory_space<hbm>>
    %dma_start3A_502 = tpu.memref_squeeze %dma_start3A_501 : memref<1x1x256x256xf32, #tpu.memory_space<hbm>> -> memref<256x256xf32, #tpu.memory_space<hbm>>
    %dma_start3A_503 = arith.constant 256 : i32
    %dma_start3A_504 = arith.constant 0 : i32
    %dma_start3A_505 = tpu.memref_slice %arg4[%dma_start3A_498, %add3A_305, %dma_start3A_503, %dma_start3A_504] : memref<8x64x512x256xf32, #tpu.memory_space<hbm>> -> memref<1x1x256x256xf32, #tpu.memory_space<hbm>>
    %dma_start3A_506 = tpu.memref_squeeze %dma_start3A_505 : memref<1x1x256x256xf32, #tpu.memory_space<hbm>> -> memref<256x256xf32, #tpu.memory_space<hbm>>
    tpu.enqueue_dma source(%arg7 : memref<256x256xf32, #tpu.memory_space<vmem>>) target(%dma_start3A_506 : memref<256x256xf32, #tpu.memory_space<hbm>>) target_semaphore(%arg8 : memref<!tpu.dma_semaphore, #tpu.memory_space<semaphore_mem>>)
    %dma_start3A_507 = arith.constant 5 : i32
    %dma_start3A_508 = arith.constant 256 : i32
    %dma_start3A_509 = arith.constant 0 : i32
    %dma_start3A_510 = tpu.memref_slice %arg4[%dma_start3A_507, %add3A_305, %dma_start3A_508, %dma_start3A_509] : memref<8x64x512x256xf32, #tpu.memory_space<hbm>> -> memref<1x1x256x256xf32, #tpu.memory_space<hbm>>
    %dma_start3A_511 = tpu.memref_squeeze %dma_start3A_510 : memref<1x1x256x256xf32, #tpu.memory_space<hbm>> -> memref<256x256xf32, #tpu.memory_space<hbm>>
    %dma_start3A_512 = arith.constant 256 : i32
    %dma_start3A_513 = arith.constant 0 : i32
    %dma_start3A_514 = tpu.memref_slice %arg4[%dma_start3A_507, %add3A_305, %dma_start3A_512, %dma_start3A_513] : memref<8x64x512x256xf32, #tpu.memory_space<hbm>> -> memref<1x1x256x256xf32, #tpu.memory_space<hbm>>
    %dma_start3A_515 = tpu.memref_squeeze %dma_start3A_514 : memref<1x1x256x256xf32, #tpu.memory_space<hbm>> -> memref<256x256xf32, #tpu.memory_space<hbm>>
    tpu.enqueue_dma source(%arg7 : memref<256x256xf32, #tpu.memory_space<vmem>>) target(%dma_start3A_515 : memref<256x256xf32, #tpu.memory_space<hbm>>) target_semaphore(%arg8 : memref<!tpu.dma_semaphore, #tpu.memory_space<semaphore_mem>>)
    %dma_start3A_516 = arith.constant 6 : i32
    %dma_start3A_517 = arith.constant 256 : i32
    %dma_start3A_518 = arith.constant 0 : i32
    %dma_start3A_519 = tpu.memref_slice %arg4[%dma_start3A_516, %add3A_305, %dma_start3A_517, %dma_start3A_518] : memref<8x64x512x256xf32, #tpu.memory_space<hbm>> -> memref<1x1x256x256xf32, #tpu.memory_space<hbm>>
    %dma_start3A_520 = tpu.memref_squeeze %dma_start3A_519 : memref<1x1x256x256xf32, #tpu.memory_space<hbm>> -> memref<256x256xf32, #tpu.memory_space<hbm>>
    %dma_start3A_521 = arith.constant 256 : i32
    %dma_start3A_522 = arith.constant 0 : i32
    %dma_start3A_523 = tpu.memref_slice %arg4[%dma_start3A_516, %add3A_305, %dma_start3A_521, %dma_start3A_522] : memref<8x64x512x256xf32, #tpu.memory_space<hbm>> -> memref<1x1x256x256xf32, #tpu.memory_space<hbm>>
    %dma_start3A_524 = tpu.memref_squeeze %dma_start3A_523 : memref<1x1x256x256xf32, #tpu.memory_space<hbm>> -> memref<256x256xf32, #tpu.memory_space<hbm>>
    tpu.enqueue_dma source(%arg7 : memref<256x256xf32, #tpu.memory_space<vmem>>) target(%dma_start3A_524 : memref<256x256xf32, #tpu.memory_space<hbm>>) target_semaphore(%arg8 : memref<!tpu.dma_semaphore, #tpu.memory_space<semaphore_mem>>)
    %dma_start3A_525 = arith.constant 7 : i32
    %dma_start3A_526 = arith.constant 256 : i32
    %dma_start3A_527 = arith.constant 0 : i32
    %dma_start3A_528 = tpu.memref_slice %arg4[%dma_start3A_525, %add3A_305, %dma_start3A_526, %dma_start3A_527] : memref<8x64x512x256xf32, #tpu.memory_space<hbm>> -> memref<1x1x256x256xf32, #tpu.memory_space<hbm>>
    %dma_start3A_529 = tpu.memref_squeeze %dma_start3A_528 : memref<1x1x256x256xf32, #tpu.memory_space<hbm>> -> memref<256x256xf32, #tpu.memory_space<hbm>>
    %dma_start3A_530 = arith.constant 256 : i32
    %dma_start3A_531 = arith.constant 0 : i32
    %dma_start3A_532 = tpu.memref_slice %arg4[%dma_start3A_525, %add3A_305, %dma_start3A_530, %dma_start3A_531] : memref<8x64x512x256xf32, #tpu.memory_space<hbm>> -> memref<1x1x256x256xf32, #tpu.memory_space<hbm>>
    %dma_start3A_533 = tpu.memref_squeeze %dma_start3A_532 : memref<1x1x256x256xf32, #tpu.memory_space<hbm>> -> memref<256x256xf32, #tpu.memory_space<hbm>>
    tpu.enqueue_dma source(%arg7 : memref<256x256xf32, #tpu.memory_space<vmem>>) target(%dma_start3A_533 : memref<256x256xf32, #tpu.memory_space<hbm>>) target_semaphore(%arg8 : memref<!tpu.dma_semaphore, #tpu.memory_space<semaphore_mem>>)
    %dma_wait3A_534 = arith.constant 0 : i32
    %dma_wait3A_535 = arith.constant 256 : i32
    %dma_wait3A_536 = arith.constant 0 : i32
    %dma_wait3A_537 = tpu.memref_slice %arg4[%dma_wait3A_534, %add3A_305, %dma_wait3A_535, %dma_wait3A_536] : memref<8x64x512x256xf32, #tpu.memory_space<hbm>> -> memref<1x1x256x256xf32, #tpu.memory_space<hbm>>
    %dma_wait3A_538 = tpu.memref_squeeze %dma_wait3A_537 : memref<1x1x256x256xf32, #tpu.memory_space<hbm>> -> memref<256x256xf32, #tpu.memory_space<hbm>>
    %dma_wait3A_539 = arith.constant 256 : i32
    %dma_wait3A_540 = arith.constant 0 : i32
    %dma_wait3A_541 = tpu.memref_slice %arg4[%dma_wait3A_534, %add3A_305, %dma_wait3A_539, %dma_wait3A_540] : memref<8x64x512x256xf32, #tpu.memory_space<hbm>> -> memref<1x1x256x256xf32, #tpu.memory_space<hbm>>
    %dma_wait3A_542 = tpu.memref_squeeze %dma_wait3A_541 : memref<1x1x256x256xf32, #tpu.memory_space<hbm>> -> memref<256x256xf32, #tpu.memory_space<hbm>>
    tpu.wait_dma2 semaphore(%arg8 : memref<!tpu.dma_semaphore, #tpu.memory_space<semaphore_mem>>) src(%arg7 : memref<256x256xf32, #tpu.memory_space<vmem>>) dst(%dma_wait3A_542 : memref<256x256xf32, #tpu.memory_space<hbm>>)
    %dma_wait3A_543 = arith.constant 1 : i32
    %dma_wait3A_544 = arith.constant 256 : i32
    %dma_wait3A_545 = arith.constant 0 : i32
    %dma_wait3A_546 = tpu.memref_slice %arg4[%dma_wait3A_543, %add3A_305, %dma_wait3A_544, %dma_wait3A_545] : memref<8x64x512x256xf32, #tpu.memory_space<hbm>> -> memref<1x1x256x256xf32, #tpu.memory_space<hbm>>
    %dma_wait3A_547 = tpu.memref_squeeze %dma_wait3A_546 : memref<1x1x256x256xf32, #tpu.memory_space<hbm>> -> memref<256x256xf32, #tpu.memory_space<hbm>>
    %dma_wait3A_548 = arith.constant 256 : i32
    %dma_wait3A_549 = arith.constant 0 : i32
    %dma_wait3A_550 = tpu.memref_slice %arg4[%dma_wait3A_543, %add3A_305, %dma_wait3A_548, %dma_wait3A_549] : memref<8x64x512x256xf32, #tpu.memory_space<hbm>> -> memref<1x1x256x256xf32, #tpu.memory_space<hbm>>
    %dma_wait3A_551 = tpu.memref_squeeze %dma_wait3A_550 : memref<1x1x256x256xf32, #tpu.memory_space<hbm>> -> memref<256x256xf32, #tpu.memory_space<hbm>>
    tpu.wait_dma2 semaphore(%arg8 : memref<!tpu.dma_semaphore, #tpu.memory_space<semaphore_mem>>) src(%arg7 : memref<256x256xf32, #tpu.memory_space<vmem>>) dst(%dma_wait3A_551 : memref<256x256xf32, #tpu.memory_space<hbm>>)
    %dma_wait3A_552 = arith.constant 2 : i32
    %dma_wait3A_553 = arith.constant 256 : i32
    %dma_wait3A_554 = arith.constant 0 : i32
    %dma_wait3A_555 = tpu.memref_slice %arg4[%dma_wait3A_552, %add3A_305, %dma_wait3A_553, %dma_wait3A_554] : memref<8x64x512x256xf32, #tpu.memory_space<hbm>> -> memref<1x1x256x256xf32, #tpu.memory_space<hbm>>
    %dma_wait3A_556 = tpu.memref_squeeze %dma_wait3A_555 : memref<1x1x256x256xf32, #tpu.memory_space<hbm>> -> memref<256x256xf32, #tpu.memory_space<hbm>>
    %dma_wait3A_557 = arith.constant 256 : i32
    %dma_wait3A_558 = arith.constant 0 : i32
    %dma_wait3A_559 = tpu.memref_slice %arg4[%dma_wait3A_552, %add3A_305, %dma_wait3A_557, %dma_wait3A_558] : memref<8x64x512x256xf32, #tpu.memory_space<hbm>> -> memref<1x1x256x256xf32, #tpu.memory_space<hbm>>
    %dma_wait3A_560 = tpu.memref_squeeze %dma_wait3A_559 : memref<1x1x256x256xf32, #tpu.memory_space<hbm>> -> memref<256x256xf32, #tpu.memory_space<hbm>>
    tpu.wait_dma2 semaphore(%arg8 : memref<!tpu.dma_semaphore, #tpu.memory_space<semaphore_mem>>) src(%arg7 : memref<256x256xf32, #tpu.memory_space<vmem>>) dst(%dma_wait3A_560 : memref<256x256xf32, #tpu.memory_space<hbm>>)
    %dma_wait3A_561 = arith.constant 3 : i32
    %dma_wait3A_562 = arith.constant 256 : i32
    %dma_wait3A_563 = arith.constant 0 : i32
    %dma_wait3A_564 = tpu.memref_slice %arg4[%dma_wait3A_561, %add3A_305, %dma_wait3A_562, %dma_wait3A_563] : memref<8x64x512x256xf32, #tpu.memory_space<hbm>> -> memref<1x1x256x256xf32, #tpu.memory_space<hbm>>
    %dma_wait3A_565 = tpu.memref_squeeze %dma_wait3A_564 : memref<1x1x256x256xf32, #tpu.memory_space<hbm>> -> memref<256x256xf32, #tpu.memory_space<hbm>>
    %dma_wait3A_566 = arith.constant 256 : i32
    %dma_wait3A_567 = arith.constant 0 : i32
    %dma_wait3A_568 = tpu.memref_slice %arg4[%dma_wait3A_561, %add3A_305, %dma_wait3A_566, %dma_wait3A_567] : memref<8x64x512x256xf32, #tpu.memory_space<hbm>> -> memref<1x1x256x256xf32, #tpu.memory_space<hbm>>
    %dma_wait3A_569 = tpu.memref_squeeze %dma_wait3A_568 : memref<1x1x256x256xf32, #tpu.memory_space<hbm>> -> memref<256x256xf32, #tpu.memory_space<hbm>>
    tpu.wait_dma2 semaphore(%arg8 : memref<!tpu.dma_semaphore, #tpu.memory_space<semaphore_mem>>) src(%arg7 : memref<256x256xf32, #tpu.memory_space<vmem>>) dst(%dma_wait3A_569 : memref<256x256xf32, #tpu.memory_space<hbm>>)
    %dma_wait3A_570 = arith.constant 4 : i32
    %dma_wait3A_571 = arith.constant 256 : i32
    %dma_wait3A_572 = arith.constant 0 : i32
    %dma_wait3A_573 = tpu.memref_slice %arg4[%dma_wait3A_570, %add3A_305, %dma_wait3A_571, %dma_wait3A_572] : memref<8x64x512x256xf32, #tpu.memory_space<hbm>> -> memref<1x1x256x256xf32, #tpu.memory_space<hbm>>
    %dma_wait3A_574 = tpu.memref_squeeze %dma_wait3A_573 : memref<1x1x256x256xf32, #tpu.memory_space<hbm>> -> memref<256x256xf32, #tpu.memory_space<hbm>>
    %dma_wait3A_575 = arith.constant 256 : i32
    %dma_wait3A_576 = arith.constant 0 : i32
    %dma_wait3A_577 = tpu.memref_slice %arg4[%dma_wait3A_570, %add3A_305, %dma_wait3A_575, %dma_wait3A_576] : memref<8x64x512x256xf32, #tpu.memory_space<hbm>> -> memref<1x1x256x256xf32, #tpu.memory_space<hbm>>
    %dma_wait3A_578 = tpu.memref_squeeze %dma_wait3A_577 : memref<1x1x256x256xf32, #tpu.memory_space<hbm>> -> memref<256x256xf32, #tpu.memory_space<hbm>>
    tpu.wait_dma2 semaphore(%arg8 : memref<!tpu.dma_semaphore, #tpu.memory_space<semaphore_mem>>) src(%arg7 : memref<256x256xf32, #tpu.memory_space<vmem>>) dst(%dma_wait3A_578 : memref<256x256xf32, #tpu.memory_space<hbm>>)
    %dma_wait3A_579 = arith.constant 5 : i32
    %dma_wait3A_580 = arith.constant 256 : i32
    %dma_wait3A_581 = arith.constant 0 : i32
    %dma_wait3A_582 = tpu.memref_slice %arg4[%dma_wait3A_579, %add3A_305, %dma_wait3A_580, %dma_wait3A_581] : memref<8x64x512x256xf32, #tpu.memory_space<hbm>> -> memref<1x1x256x256xf32, #tpu.memory_space<hbm>>
    %dma_wait3A_583 = tpu.memref_squeeze %dma_wait3A_582 : memref<1x1x256x256xf32, #tpu.memory_space<hbm>> -> memref<256x256xf32, #tpu.memory_space<hbm>>
    %dma_wait3A_584 = arith.constant 256 : i32
    %dma_wait3A_585 = arith.constant 0 : i32
    %dma_wait3A_586 = tpu.memref_slice %arg4[%dma_wait3A_579, %add3A_305, %dma_wait3A_584, %dma_wait3A_585] : memref<8x64x512x256xf32, #tpu.memory_space<hbm>> -> memref<1x1x256x256xf32, #tpu.memory_space<hbm>>
    %dma_wait3A_587 = tpu.memref_squeeze %dma_wait3A_586 : memref<1x1x256x256xf32, #tpu.memory_space<hbm>> -> memref<256x256xf32, #tpu.memory_space<hbm>>
    tpu.wait_dma2 semaphore(%arg8 : memref<!tpu.dma_semaphore, #tpu.memory_space<semaphore_mem>>) src(%arg7 : memref<256x256xf32, #tpu.memory_space<vmem>>) dst(%dma_wait3A_587 : memref<256x256xf32, #tpu.memory_space<hbm>>)
    %dma_wait3A_588 = arith.constant 6 : i32
    %dma_wait3A_589 = arith.constant 256 : i32
    %dma_wait3A_590 = arith.constant 0 : i32
    %dma_wait3A_591 = tpu.memref_slice %arg4[%dma_wait3A_588, %add3A_305, %dma_wait3A_589, %dma_wait3A_590] : memref<8x64x512x256xf32, #tpu.memory_space<hbm>> -> memref<1x1x256x256xf32, #tpu.memory_space<hbm>>
    %dma_wait3A_592 = tpu.memref_squeeze %dma_wait3A_591 : memref<1x1x256x256xf32, #tpu.memory_space<hbm>> -> memref<256x256xf32, #tpu.memory_space<hbm>>
    %dma_wait3A_593 = arith.constant 256 : i32
    %dma_wait3A_594 = arith.constant 0 : i32
    %dma_wait3A_595 = tpu.memref_slice %arg4[%dma_wait3A_588, %add3A_305, %dma_wait3A_593, %dma_wait3A_594] : memref<8x64x512x256xf32, #tpu.memory_space<hbm>> -> memref<1x1x256x256xf32, #tpu.memory_space<hbm>>
    %dma_wait3A_596 = tpu.memref_squeeze %dma_wait3A_595 : memref<1x1x256x256xf32, #tpu.memory_space<hbm>> -> memref<256x256xf32, #tpu.memory_space<hbm>>
    tpu.wait_dma2 semaphore(%arg8 : memref<!tpu.dma_semaphore, #tpu.memory_space<semaphore_mem>>) src(%arg7 : memref<256x256xf32, #tpu.memory_space<vmem>>) dst(%dma_wait3A_596 : memref<256x256xf32, #tpu.memory_space<hbm>>)
    %dma_wait3A_597 = arith.constant 7 : i32
    %dma_wait3A_598 = arith.constant 256 : i32
    %dma_wait3A_599 = arith.constant 0 : i32
    %dma_wait3A_600 = tpu.memref_slice %arg4[%dma_wait3A_597, %add3A_305, %dma_wait3A_598, %dma_wait3A_599] : memref<8x64x512x256xf32, #tpu.memory_space<hbm>> -> memref<1x1x256x256xf32, #tpu.memory_space<hbm>>
    %dma_wait3A_601 = tpu.memref_squeeze %dma_wait3A_600 : memref<1x1x256x256xf32, #tpu.memory_space<hbm>> -> memref<256x256xf32, #tpu.memory_space<hbm>>
    %dma_wait3A_602 = arith.constant 256 : i32
    %dma_wait3A_603 = arith.constant 0 : i32
    %dma_wait3A_604 = tpu.memref_slice %arg4[%dma_wait3A_597, %add3A_305, %dma_wait3A_602, %dma_wait3A_603] : memref<8x64x512x256xf32, #tpu.memory_space<hbm>> -> memref<1x1x256x256xf32, #tpu.memory_space<hbm>>
    %dma_wait3A_605 = tpu.memref_squeeze %dma_wait3A_604 : memref<1x1x256x256xf32, #tpu.memory_space<hbm>> -> memref<256x256xf32, #tpu.memory_space<hbm>>
    tpu.wait_dma2 semaphore(%arg8 : memref<!tpu.dma_semaphore, #tpu.memory_space<semaphore_mem>>) src(%arg7 : memref<256x256xf32, #tpu.memory_space<vmem>>) dst(%dma_wait3A_605 : memref<256x256xf32, #tpu.memory_space<hbm>>)
    return
  }
}

</mosaic_0001>

<sc_bundles>
// kernel: kernel.4.cloned.1.call-start
scs
__scs_entry_jumppad:
0x0: {  	(pc) =	sbr.rel $0x88, $3  }
0x1: {  	(tag) =	ssettag $0x0;
	lr =	simm.s32 $0x1  }
0x2: {  	[smem:$0x3F9F] =	sst lr;
	_ =	strace $0xD0000000  }
0x3: {  	_ = 	snop  }
0x4: {  	_ = 	snop  }
0x5: {  	_ = 	snop  }
0x6: {  	_ = 	snop  }
0x7: {  	_ = 	snop  }
__scs_overlays_trampoline_lowered:
0x8: {  	[smem:$0x3FAE] =	sst s0  }
0x9: {  	[smem:$0x3FAF] =	sst s1  }
0xa: {  	[smem:$0x3FB0] =	sst s2  }
0xb: {  	[smem:$0x3FB1] =	sst s3  }
0xc: {  	[smem:$0x3FB2] =	sst s4  }
0xd: {  	[smem:$0x3FB3] =	sst s5  }
0xe: {  	[smem:$0x3FB4] =	sst s6  }
0xf: {  	[smem:$0x3FB5] =	sst s7  }
0x10: {  	[smem:$0x3FB6] =	sst s8  }
0x11: {  	[smem:$0x3FB7] =	sst s9;
	s0 =	simm.s32 @!p0 $0x0  }
0x12: {  	s1 =	sld [smem:$0x3F9D];
	s0 =	simm.s32 @p0 $0x1  }
0x13: {  	[smem:$0x3FB8] =	sst s0;
	s0 =	simm.s32 @!p1 $0x0  }
0x14: {  	s2 =	sld [smem:$0x3F9C];
	s0 =	simm.s32 @p1 $0x1  }
0x15: {  	[smem:$0x3FB9] =	sst s0;
	s0 =	simm.s32 @!p2 $0x0  }
0x16: {  	s3 =	sld [smem:$0x3FDB];
	s0 =	simm.s32 @p2 $0x1  }
0x17: {  	s4 =	simm.s32 $0x1BF5;
	[smem:$0x3FBB] =	sst s0  }
0x18: {  	s0 =	sld [smem:$0x3F9E];
	_ =	swait.ge [sflag:s4], $0x0  }
0x19: {  	s7 =	sld [smem:$0x3F9F]  }
0x1a: {  	s8 =	sadd.s32 $0xFFFFE003, lr  }
0x1b: {  	s9 =	sadd.s32 $0xFFFFFEF7, lr;
	s5 =	simm.s32 $0xFFFFFFFF;
	p2 =	slt.u32 s8, $0xFFFFF086  }
0x1c: {  	p1 =	slt.u32 s9, $0xF7A;
	s5 =	simm.s32 @!p2 $0x0  }
0x1d: {  	s5 =	simm.s32 @p1 $0x1;
	p0 =	seq.s32 s7, s2  }
0x1e: {  	s7 =	smul.u32 @!p0 $0xF7A, s2;
	p2 =	seq.s32 @!p0 s5, $0x0  }
0x1f: {  	s9 =	smul.u32 $0xF7A, s1;
	s8 =	simm.s32 @!p0 $0x1BF5;
	p2 =	por !p2, p0  }
0x20: {  	[sflag:s8] =	ssyncset.s32 @!p0 $0xFFFFF086;
	s6 =	sadd.s32 @!p0 s3, s7;
	s7 =	simm.s32 @!p0 $0x108  }
0x21: {  	s3 =	sadd.s32 s3, s9;
	s6 =	sadd.s32 @!p0 $0x88, s6;
	s7 =	simm.s32 @p2 $0x1082  }
0x22: {  	[simem:s7], [sflag:s8] =	dma.local @!p0 [hbm:s6], $0xF7A  }
0x23: {  	s9 =	sor.u32 $0xD0000000, s2;
	s6 =	simm.s32 $0x108;
	_ =	swait.ge @!p0 [sflag:s8], $0x0  }
0x24: {  	s3 =	sadd.s32 $0x88, s3;
	s6 =	simm.s32 @!p1 $0x1082;
	[sflag:s4] =	ssyncset.s32 $0xFFFFF086  }
0x25: {  	[simem:s6], [sflag:s4] =	dma.local [hbm:s3], $0xF7A  }
0x26: {  	[smem:$0x3F9F] =	sst s1;
	(tag) =	ssettag s2;
	_ =	strace s9  }
0x27: {  	s1 =	sld [smem:$0x3FAF]  }
0x28: {  	s2 =	sld [smem:$0x3FB0]  }
0x29: {  	s4 =	sld [smem:$0x3FB2]  }
0x2a: {  	p0 =	seq.s32 s5, $0x0;
	s5 =	sld [smem:$0x3FB3]  }
0x2b: {  	s6 =	sld [smem:$0x3FB4]  }
0x2c: {  	s7 =	sld [smem:$0x3FB5]  }
0x2d: {  	s3 =	simm.s32 $0x108;
	s8 =	sld [smem:$0x3FB6]  }
0x2e: {  	s3 =	simm.s32 @!p0 $0x1082;
	s9 =	sld [smem:$0x3FB7]  }
0x2f: {  	lr =	sadd.s32 s0, s3;
	s0 =	sld [smem:$0x3FAE]  }
0x30: {  	s3 =	sld [smem:$0x3FB1]  }
0x31: {  	[smem:$0x3FBA] =	sst s10  }
0x32: {  	s10 =	sld [smem:$0x3FB8];
	_ =	sdelay $0x3  }
0x33: {  	p0 =	seq.s32 s10, $0x1;
	s10 =	sld [smem:$0x3FBA];
	_ =	sdelay $0x3  }
0x34: {  	[smem:$0x3FBA] =	sst s10  }
0x35: {  	s10 =	sld [smem:$0x3FB9];
	_ =	sdelay $0x3  }
0x36: {  	p1 =	seq.s32 s10, $0x1;
	s10 =	sld [smem:$0x3FBA];
	_ =	sdelay $0x3  }
0x37: {  	[smem:$0x3FBA] =	sst s10  }
0x38: {  	s10 =	sld [smem:$0x3FBB]  }
0x39: {  	_ = 	snop;
	(pc) =	sbr.ind lr, $3  }
0x3a: {  	_ = 	snop  }
0x3b: {  	_ = 	snop  }
0x3c: {  	p2 =	seq.s32 s10, $0x1;
	s10 =	sld [smem:$0x3FBA]  }
0x3d: {  	_ =	shalt  }
0x3e: {  	_ =	shalt  }
0x3f: {  	_ =	shalt  }
0x40: {  	_ =	shalt  }
0x41: {  	_ =	shalt  }
0x42: {  	_ =	shalt  }
0x43: {  	_ =	shalt  }
0x44: {  	_ =	shalt  }
0x45: {  	_ =	shalt  }
0x46: {  	_ =	shalt  }
0x47: {  	_ =	shalt  }
0x48: {  	_ =	shalt  }
0x49: {  	_ =	shalt  }
0x4a: {  	_ =	shalt  }
0x4b: {  	_ =	shalt  }
0x4c: {  	_ =	shalt  }
0x4d: {  	_ =	shalt  }
0x4e: {  	_ =	shalt  }
0x4f: {  	_ =	shalt  }
0x50: {  	_ =	shalt  }
0x51: {  	_ =	shalt  }
0x52: {  	_ =	shalt  }
0x53: {  	_ =	shalt  }
0x54: {  	_ =	shalt  }
0x55: {  	_ =	shalt  }
0x56: {  	_ =	shalt  }
0x57: {  	_ =	shalt  }
0x58: {  	_ =	shalt  }
0x59: {  	_ =	shalt  }
0x5a: {  	_ =	shalt  }
0x5b: {  	_ =	shalt  }
0x5c: {  	_ =	shalt  }
0x5d: {  	_ =	shalt  }
0x5e: {  	_ =	shalt  }
0x5f: {  	_ =	shalt  }
0x60: {  	_ =	shalt  }
0x61: {  	_ =	shalt  }
0x62: {  	_ =	shalt  }
0x63: {  	_ =	shalt  }
0x64: {  	_ =	shalt  }
0x65: {  	_ =	shalt  }
0x66: {  	_ =	shalt  }
0x67: {  	_ =	shalt  }
0x68: {  	_ =	shalt  }
0x69: {  	_ =	shalt  }
0x6a: {  	_ =	shalt  }
0x6b: {  	_ =	shalt  }
0x6c: {  	_ =	shalt  }
0x6d: {  	_ =	shalt  }
0x6e: {  	_ =	shalt  }
0x6f: {  	_ =	shalt  }
0x70: {  	_ =	shalt  }
0x71: {  	_ =	shalt  }
0x72: {  	_ =	shalt  }
0x73: {  	_ =	shalt  }
0x74: {  	_ =	shalt  }
0x75: {  	_ =	shalt  }
0x76: {  	_ =	shalt  }
0x77: {  	_ =	shalt  }
0x78: {  	_ =	shalt  }
0x79: {  	_ =	shalt  }
0x7a: {  	_ =	shalt  }
0x7b: {  	_ =	shalt  }
0x7c: {  	_ =	shalt  }
0x7d: {  	_ =	shalt  }
0x7e: {  	_ =	shalt  }
0x7f: {  	_ =	shalt  }
0x80: {  	_ =	shalt  }
0x81: {  	_ =	shalt  }
0x82: {  	_ =	shalt  }
0x83: {  	_ =	shalt  }
0x84: {  	_ =	shalt  }
0x85: {  	_ =	shalt  }
0x86: {  	_ =	shalt  }
0x87: {  	_ =	shalt  }
.Lfunc_end0:
.L_simem_size_0:
called_computation_lowered:
.L_overlay_start_0:
0x88: {  	s2 =	sld [smem:$0x3FD9]  }
0x89: {  	s3 =	sld [smem:$0x3FFE];
	_ =	sdelay $0x1  }
0x8a: {  	s1 =	srdreg.scid  }
0x8b: {  	s0 =	sand.u32 $0x1, s1  }
0x8c: {  	s17 =	sshll.u32 s0, $0xA;
	s2 =	sadd.s32 s3, s2  }
0x8d: {  	s2 =	sadd.s32 s2, s17  }
0x8e: {  	[smem:$0x3FC6] =	sst s2  }
0x8f: {  	_ = 	snop  }
0x90: {  	s2 =	sld [smem:$0x3FD0];
	(tm) =	ssettm $0x1  }
0x91: {  	s18 =	sld [smem:$0x3FFB];
	_ =	sdelay $0x3  }
0x92: {  	_ =	strace s18  }
0x93: {  	s3 =	sld [smem:$0x3FFC];
	_ =	sdelay $0x3  }
0x94: {  	_ =	strace s3  }
0x95: {  	s3 =	sld [smem:$0x3FFD];
	_ =	sdelay $0x3  }
0x96: {  	_ =	strace s3  }
0x97: {  	_ =	strace $0x8FFFFFFF  }
0x98: {  	s19 =	sld [smem:$0x3FDB];
	_ =	sdelay $0x1  }
0x99: {  	s4 =	simm.s32 $_scs_section_size  }
0x9a: {  	s5 =	simm.s32 $_size__tile_overlayer_lowered;
	s6 =	simm.s32 $_tile_overlayer_lowered  }
0x9b: {  	s22 =	simm.s32 $0x1BFF;
	s21 =	sshll.u32 s6, $0x1;
	s3 =	sadd.s32 s4, s19  }
0x9c: {  	s7 =	simm.s32 $0x0;
	s20 =	sshll.u32 s5, $0x1;
	s5 =	sadd.s32 s21, s3  }
0x9d: {  	[timem:s7], [sflag:s22] =	dma.local [hbm:s5], s20  }
0x9e: {  	_ =	swait.ge [sflag:s22], s20  }
0x9f: {  	s4 =	ssub.s32 $0x0, s20;
	[sflag:s22] =	ssyncset.done $0x0  }
0xa0: {  	[sflag:s22] =	ssyncadd.s32 s4;
	_ =	sdelay $0x1  }
0xa1: {  	s23 =	simm.s32 $0x1B8B  }
0xa2: {  	_ =	swait.ge [sflag:s23], $0x1  }
0xa3: {  	[sflag:s23] =	ssyncset.done $0x0  }
0xa4: {  	s25 =	simm.s32 $0x1B8E;
	s24 =	sld [smem:$0x3FFE];
	[sflag:s23] =	ssyncadd.s32 $0xFFFFFFFF  }
0xa5: {  	s26 =	simm.s32 $execute0_lowered;
	[smem:$0x3FD2] =	sst s25  }
0xa6: {  	s5 =	sshll.u32 s26, $0x1;
	_ =	strace $0x80000046;
	[dreg:$0x1] =	wrdreg $0xFFFFFFFF  }
0xa7: {  	s28 =	simm.s32 $_size_execute0_lowered;
	s3 =	sadd.s32 s3, s5;
	[dreg:$0x0] =	wrdreg $0x0  }
0xa8: {  	s5 =	sshll.u32 s28, $0x1;
	[dreg:$0x2] =	wrdreg s3  }
0xa9: {  	[dreg:$0x3] =	wrdreg s5  }
0xaa: {  	[dreg:$0x4] =	wrdreg $0xC0  }
0xab: {  	_ =	task [dreg:s7], $0x5FFFF  }
0xac: {  	[dreg:$0x1] =	wrdreg $0xFFFFFFFF  }
0xad: {  	[dreg:$0x0] =	wrdreg $0x60  }
0xae: {  	[dreg:$0x2] =	wrdreg s2  }
0xaf: {  	[dreg:$0x3] =	wrdreg s24  }
0xb0: {  	[dreg:$0x4] =	wrdreg $0x9  }
0xb1: {  	_ =	task.clear_ibuf [dreg:s7], $0x5FFFF;
	_ =	strace $0x90000046  }
0xb2: {  	s29 =	simm.s32 $0x9;
	_ =	strace $0x80000048  }
0xb3: {  	_ =	swait.ge [sflag:s29], $0x1  }
0xb4: {  	[sflag:s29] =	ssyncadd.s32 $0xFFFFFFFF  }
0xb5: {  	_ =	strace $0x90000048  }
0xb6: {  	_ =	sfence  }
0xb7: {  	s30 =	sld [smem:$0x0];
	_ =	sdelay $0x2  }
0xb8: {  	s31 =	sshll.u32 s1, $0xD;
	s1 =	sshrl.u32 s1, $0x2  }
0xb9: {  	s3 =	sand.u32 $0x4000, s31;
	s1 =	sadd.s32 s1, s30  }
0xba: {  	s0 =	sor.u32 s3, s0;
	s1 =	sshll.u32 s1, $0x11  }
0xbb: {  	s0 =	sor.u32 s1, s0  }
0xbc: {  	s0 =	sadd.s32 $0x8F2B, s0  }
0xbd: {  	[sflag:s0] =	ssyncadd.remote.s32 $0x1  }
0xbe: {  	_ =	sfence.sel $0xFFFF  }
0xbf: {  	[dreg:$0x0] =	wrdreg $0xFFFFFFFF;
	(pc) =	sbr.abs _section_cstart, $3  }
0xc0: {  	[dreg:$0x1] =	wrdreg $0xFFFFFFFF  }
0xc1: {  	_ =	task.clear_ibuf [dreg:s7], $0x2FFFF;
	_ =	strace $0x9FFFFFFF  }
0xc2: {  	(tm) =	ssettm $0x7FFFFFFF  }
0xc3: {  	_ =	shalt  }
tec
execute0_lowered:
.L_overlay_start_1:
0x0: {  	(tag) =	ssettag $0x1  }
0x1: {  	v0 =	vlaneseq.u32  }
0x2: {  	v32 =	vmul.u32 $0x80, v0;
	_ =	sdelay $0x1  }
0x3: {  	v33 =	vor.u32 $0x800, v32;
	v34 =	vor.u32 $0x1000, v32;
	v35 =	vor.u32 $0x1800, v32  }
0x4: {  	v36 =	vor.u32 $0x2000, v32;
	v37 =	vor.u32 $0x2800, v32;
	v38 =	vor.u32 $0x3000, v32  }
0x5: {  	v39 =	vor.u32 $0x3800, v32;
	v40 =	vor.u32 $0x4000, v32;
	v41 =	vor.u32 $0x4800, v32  }
0x6: {  	v42 =	vor.u32 $0x5000, v32;
	v43 =	vor.u32 $0x5800, v32;
	v44 =	vor.u32 $0x6000, v32  }
0x7: {  	s1 =	srdreg.scid;
	v45 =	vor.u32 $0x6800, v32;
	v46 =	vor.u32 $0x7000, v32;
	v47 =	vor.u32 $0x7800, v32  }
0x8: {  	s0 =	stileid.u32;
	s5 =	sand.u32 $0x1, s1;
	v48 =	vor.u32 $0x8000, v32;
	v49 =	vor.u32 $0x8800, v32;
	v50 =	vor.u32 $0x9000, v32  }
0x9: {  	s28 =	sshll.u32 s0, $0x2;
	s2 =	sshll.u32 s5, $0x1;
	v51 =	vor.u32 $0x9800, v32;
	v52 =	vor.u32 $0xA000, v32;
	v53 =	vor.u32 $0xA800, v32  }
0xa: {  	s6 =	sor.u32 s2, s28;
	v54 =	vor.u32 $0xB000, v32;
	v55 =	vor.u32 $0xB800, v32;
	v56 =	vor.u32 $0xC000, v32  }
0xb: {  	v57 =	vor.u32 $0xC800, v32;
	v58 =	vor.u32 $0xD000, v32;
	v1 =	vmov s6  }
0xc: {  	v59 =	vor.u32 $0xD800, v32;
	v60 =	vor.u32 $0xE000, v32;
	s7 =	sor.u32 $0x1, s6;
	v31 =	vbroadcast v1, $0x0  }
0xd: {  	v61 =	vor.u32 $0xE800, v32;
	v62 =	vor.u32 $0xF000, v32;
	v29 =	vmov s7  }
0xe: {  	v63 =	vbroadcast v29, $0x0;
	v0 =	vor.u32 v32, v31;
	v1 =	vor.u32 v33, v31  }
0xf: {  	v2 =	vor.u32 v34, v31;
	v3 =	vor.u32 v35, v31;
	v4 =	vor.u32 v36, v31  }
0x10: {  	v5 =	vor.u32 v37, v31;
	v6 =	vor.u32 v38, v31;
	v7 =	vor.u32 v39, v31  }
0x11: {  	v8 =	vor.u32 v40, v31;
	v9 =	vor.u32 v41, v31;
	v10 =	vor.u32 v42, v31  }
0x12: {  	v11 =	vor.u32 v43, v31;
	v12 =	vor.u32 v44, v31;
	v13 =	vor.u32 v45, v31  }
0x13: {  	v14 =	vor.u32 v46, v31;
	v15 =	vor.u32 v47, v31;
	v16 =	vor.u32 v48, v31  }
0x14: {  	v17 =	vor.u32 v49, v31;
	v18 =	vor.u32 v50, v31;
	v19 =	vor.u32 v51, v31  }
0x15: {  	v20 =	vor.u32 v52, v31;
	v21 =	vor.u32 v53, v31;
	v22 =	vor.u32 v54, v31  }
0x16: {  	v23 =	vor.u32 v55, v31;
	v24 =	vor.u32 v56, v31;
	v25 =	vor.u32 v57, v31  }
0x17: {  	s8 =	rddreg [dreg:$0x1];
	s3 =	simm.s32 $0x0;
	v26 =	vor.u32 v58, v31;
	v27 =	vor.u32 v59, v31;
	v28 =	vor.u32 v60, v31  }
0x18: {  	s13 =	simm.s32 $0x400;
	s14 =	simm.s32 $0x18000;
	s1 =	rddreg [dreg:$0x0];
	v29 =	vor.u32 v61, v31;
	v30 =	vor.u32 v62, v31;
	[tilespmem:$0x1FFF0] =	vst v16;
	v16 =	vor.u32 $0xF800, v32  }
0x19: {  	s15 =	simm.s32 $0x18100;
	[smem:$0x7FF] =	sst s3;
	s4 =	sadd.s32 $0xC00, s8;
	v32 =	vor.u32 v32, v63;
	v33 =	vor.u32 v33, v63;
	v34 =	vor.u32 v34, v63  }
0x1a: {  	s9 =	sadd.s32 $0x2C00, s8;
	s10 =	sshrl.u32 s0, $0x1;
	s8 =	sadd.s32 $0x3400, s8;
	v35 =	vor.u32 v35, v63;
	v36 =	vor.u32 v36, v63;
	v37 =	vor.u32 v37, v63  }
0x1b: {  	s5 =	ssub.s32 $0x2, s5;
	s12 =	sshll.u32 s10, $0xB;
	s10 =	sshll.u32 s10, $0xC;
	v38 =	vor.u32 v38, v63;
	v39 =	vor.u32 v39, v63;
	v40 =	vor.u32 v40, v63  }
0x1c: {  	s2 =	rddreg [dreg:$0x2];
	s11 =	sshrl.u32 s5, $0x1;
	s6 =	sshll.u32 s6, $0x7;
	v41 =	vor.u32 v41, v63;
	v42 =	vor.u32 v42, v63;
	v43 =	vor.u32 v43, v63  }
0x1d: {  	s11 =	ssub.s32 s5, s11;
	s6 =	sand.u32 $0x300, s6;
	s7 =	sshll.u32 s7, $0x7;
	v44 =	vor.u32 v44, v63;
	v45 =	vor.u32 v45, v63;
	v46 =	vor.u32 v46, v63  }
0x1e: {  	s29 =	sor.u32 s12, s6;
	s6 =	sor.u32 s10, s6;
	s7 =	sand.u32 $0x380, s7;
	v47 =	vor.u32 v47, v63;
	v48 =	vor.u32 v48, v63;
	v49 =	vor.u32 v49, v63  }
0x1f: {  	s5 =	sshrl.u32 s29, $0x3;
	s6 =	sshrl.u32 s6, $0x3;
	s12 =	sor.u32 s12, s7;
	v50 =	vor.u32 v50, v63;
	v51 =	vor.u32 v51, v63;
	v52 =	vor.u32 v52, v63  }
0x20: {  	s7 =	sor.u32 s10, s7;
	s10 =	simm.s32 $0x1;
	s5 =	sadd.s32 s9, s5;
	v53 =	vor.u32 v53, v63;
	v54 =	vor.u32 v54, v63;
	v55 =	vor.u32 v55, v63  }
0x21: {  	s6 =	sadd.s32 s8, s6;
	s30 =	sshrl.u32 s12, $0x3;
	s31 =	sshrl.u32 s7, $0x3;
	v56 =	vor.u32 v56, v63;
	v57 =	vor.u32 v57, v63;
	v58 =	vor.u32 v58, v63  }
0x22: {  	v59 =	vor.u32 v59, v63;
	v60 =	vor.u32 v60, v63;
	s12 =	simm.s32 $0x80;
	v61 =	vor.u32 v61, v63;
	_ =	strace $0x80000047;
	s7 =	sadd.s32 s9, s30  }
0x23: {  	v62 =	vor.u32 v62, v63;
	v31 =	vor.u32 v16, v31;
	s8 =	sadd.s32 s8, s31;
	s9 =	smax.u32 s11, $0x1;
	s11 =	simm.s32 $0x8000;
	v63 =	vor.u32 v16, v63  }
.LBB2_1:
0x24: {  	[tilespmem:s3], [sflag:$0x1] =	stream.linear.gather [hbm4b:s1+s3], $0x8000, $0x38;
	[tilespmem:$0x18300] =	vst v63  }
0x25: {  	_ =	swait.ge [sflag:s10], $0x8000  }
0x26: {  	[sflag:s10] =	ssyncset.done $0x0  }
0x27: {  	[sflag:s10] =	ssyncadd.s32 $0xFFFF8000  }
0x28: {  	[tilespmem:s11], [sflag:$0x1] =	stream.linear.gather [hbm4b:s4+s3], $0x10000, $0x38;
	[tilespmem:$0x18300] =	vst v63  }
0x29: {  	_ =	swait.ge [sflag:s10], $0x10000  }
0x2a: {  	[sflag:s10] =	ssyncset.done $0x0  }
0x2b: {  	[sflag:s10] =	ssyncadd.s32 $0xFFFF0000  }
0x2c: {  	v16 =	vld.idx.msk [tilespmem:v0+s3+$0x0], $0xffff;
	_ =	sdelay $0x4  }
0x2d: {  	[tilespmem:$0x18000] =	vst v16  }
0x2e: {  	v16 =	vld.idx.msk [tilespmem:v1+s3+$0x0], $0xffff;
	_ =	sdelay $0x4  }
0x2f: {  	[tilespmem:$0x18010] =	vst v16  }
0x30: {  	v16 =	vld.idx.msk [tilespmem:v2+s3+$0x0], $0xffff;
	_ =	sdelay $0x4  }
0x31: {  	[tilespmem:$0x18020] =	vst v16  }
0x32: {  	v16 =	vld.idx.msk [tilespmem:v3+s3+$0x0], $0xffff;
	_ =	sdelay $0x4  }
0x33: {  	[tilespmem:$0x18030] =	vst v16  }
0x34: {  	v16 =	vld.idx.msk [tilespmem:v4+s3+$0x0], $0xffff;
	_ =	sdelay $0x4  }
0x35: {  	[tilespmem:$0x18040] =	vst v16  }
0x36: {  	v16 =	vld.idx.msk [tilespmem:v5+s3+$0x0], $0xffff;
	_ =	sdelay $0x4  }
0x37: {  	[tilespmem:$0x18050] =	vst v16  }
0x38: {  	v16 =	vld.idx.msk [tilespmem:v6+s3+$0x0], $0xffff;
	_ =	sdelay $0x4  }
0x39: {  	[tilespmem:$0x18060] =	vst v16  }
0x3a: {  	v16 =	vld.idx.msk [tilespmem:v7+s3+$0x0], $0xffff;
	_ =	sdelay $0x4  }
0x3b: {  	[tilespmem:$0x18070] =	vst v16  }
0x3c: {  	v16 =	vld.idx.msk [tilespmem:v8+s3+$0x0], $0xffff;
	_ =	sdelay $0x4  }
0x3d: {  	[tilespmem:$0x18080] =	vst v16  }
0x3e: {  	v16 =	vld.idx.msk [tilespmem:v9+s3+$0x0], $0xffff;
	_ =	sdelay $0x4  }
0x3f: {  	[tilespmem:$0x18090] =	vst v16  }
0x40: {  	v16 =	vld.idx.msk [tilespmem:v10+s3+$0x0], $0xffff;
	_ =	sdelay $0x4  }
0x41: {  	[tilespmem:$0x180A0] =	vst v16  }
0x42: {  	v16 =	vld.idx.msk [tilespmem:v11+s3+$0x0], $0xffff;
	_ =	sdelay $0x4  }
0x43: {  	[tilespmem:$0x180B0] =	vst v16  }
0x44: {  	v16 =	vld.idx.msk [tilespmem:v12+s3+$0x0], $0xffff;
	_ =	sdelay $0x4  }
0x45: {  	[tilespmem:$0x180C0] =	vst v16  }
0x46: {  	v16 =	vld.idx.msk [tilespmem:v13+s3+$0x0], $0xffff;
	_ =	sdelay $0x4  }
0x47: {  	[tilespmem:$0x180D0] =	vst v16  }
0x48: {  	v16 =	vld.idx.msk [tilespmem:v14+s3+$0x0], $0xffff;
	_ =	sdelay $0x4  }
0x49: {  	[tilespmem:$0x180E0] =	vst v16  }
0x4a: {  	v16 =	vld.idx.msk [tilespmem:v15+s3+$0x0], $0xffff;
	_ =	sdelay $0x4  }
0x4b: {  	[tilespmem:$0x180F0] =	vst v16  }
0x4c: {  	[hbm4b:s5+s12] =	stream.strided.scatter [tilespmem:s14], [sflag:$0x1], $0x100, s13, s12, $0x38;
	[tilespmem:$0x18300] =	vst v63  }
0x4d: {  	_ =	swait.ge [sflag:s10], $0x100  }
0x4e: {  	[sflag:s10] =	ssyncset.done $0x0  }
0x4f: {  	[sflag:s10] =	ssyncadd.s32 $0xFFFFFF00  }
0x50: {  	v16 =	vld.idx.msk [tilespmem:v0+s11+$0x0], $0xffff;
	_ =	sdelay $0x4  }
0x51: {  	[tilespmem:$0x18100] =	vst v16  }
0x52: {  	v16 =	vld.idx.msk [tilespmem:v1+s11+$0x0], $0xffff;
	_ =	sdelay $0x4  }
0x53: {  	[tilespmem:$0x18110] =	vst v16  }
0x54: {  	v16 =	vld.idx.msk [tilespmem:v2+s11+$0x0], $0xffff;
	_ =	sdelay $0x4  }
0x55: {  	[tilespmem:$0x18120] =	vst v16  }
0x56: {  	v16 =	vld.idx.msk [tilespmem:v3+s11+$0x0], $0xffff;
	_ =	sdelay $0x4  }
0x57: {  	[tilespmem:$0x18130] =	vst v16  }
0x58: {  	v16 =	vld.idx.msk [tilespmem:v4+s11+$0x0], $0xffff;
	_ =	sdelay $0x4  }
0x59: {  	[tilespmem:$0x18140] =	vst v16  }
0x5a: {  	v16 =	vld.idx.msk [tilespmem:v5+s11+$0x0], $0xffff;
	_ =	sdelay $0x4  }
0x5b: {  	[tilespmem:$0x18150] =	vst v16  }
0x5c: {  	v16 =	vld.idx.msk [tilespmem:v6+s11+$0x0], $0xffff;
	_ =	sdelay $0x4  }
0x5d: {  	[tilespmem:$0x18160] =	vst v16  }
0x5e: {  	v16 =	vld.idx.msk [tilespmem:v7+s11+$0x0], $0xffff;
	_ =	sdelay $0x4  }
0x5f: {  	[tilespmem:$0x18170] =	vst v16  }
0x60: {  	v16 =	vld.idx.msk [tilespmem:v8+s11+$0x0], $0xffff;
	_ =	sdelay $0x4  }
0x61: {  	[tilespmem:$0x18180] =	vst v16  }
0x62: {  	v16 =	vld.idx.msk [tilespmem:v9+s11+$0x0], $0xffff;
	_ =	sdelay $0x4  }
0x63: {  	[tilespmem:$0x18190] =	vst v16  }
0x64: {  	v16 =	vld.idx.msk [tilespmem:v10+s11+$0x0], $0xffff;
	_ =	sdelay $0x4  }
0x65: {  	[tilespmem:$0x181A0] =	vst v16  }
0x66: {  	v16 =	vld.idx.msk [tilespmem:v11+s11+$0x0], $0xffff;
	_ =	sdelay $0x4  }
0x67: {  	[tilespmem:$0x181B0] =	vst v16  }
0x68: {  	v16 =	vld.idx.msk [tilespmem:v12+s11+$0x0], $0xffff;
	_ =	sdelay $0x4  }
0x69: {  	[tilespmem:$0x181C0] =	vst v16  }
0x6a: {  	v16 =	vld.idx.msk [tilespmem:v13+s11+$0x0], $0xffff;
	_ =	sdelay $0x4  }
0x6b: {  	[tilespmem:$0x181D0] =	vst v16  }
0x6c: {  	v16 =	vld.idx.msk [tilespmem:v14+s11+$0x0], $0xffff;
	_ =	sdelay $0x4  }
0x6d: {  	[tilespmem:$0x181E0] =	vst v16  }
0x6e: {  	v16 =	vld.idx.msk [tilespmem:v15+s11+$0x0], $0xffff;
	_ =	sdelay $0x4  }
0x6f: {  	[tilespmem:$0x181F0] =	vst v16;
	v16 =	vld [tilespmem:$0x1FFF0];
	_ =	sdelay $0x7  }
0x70: {  	v16 =	vld.idx.msk [tilespmem:v16+s11+$0x0], $0xffff;
	_ =	sdelay $0x4  }
0x71: {  	[tilespmem:$0x18200] =	vst v16  }
0x72: {  	v16 =	vld.idx.msk [tilespmem:v17+s11+$0x0], $0xffff;
	_ =	sdelay $0x4  }
0x73: {  	[tilespmem:$0x18210] =	vst v16  }
0x74: {  	v16 =	vld.idx.msk [tilespmem:v18+s11+$0x0], $0xffff;
	_ =	sdelay $0x4  }
0x75: {  	[tilespmem:$0x18220] =	vst v16  }
0x76: {  	v16 =	vld.idx.msk [tilespmem:v19+s11+$0x0], $0xffff;
	_ =	sdelay $0x4  }
0x77: {  	[tilespmem:$0x18230] =	vst v16  }
0x78: {  	v16 =	vld.idx.msk [tilespmem:v20+s11+$0x0], $0xffff;
	_ =	sdelay $0x4  }
0x79: {  	[tilespmem:$0x18240] =	vst v16  }
0x7a: {  	v16 =	vld.idx.msk [tilespmem:v21+s11+$0x0], $0xffff;
	_ =	sdelay $0x4  }
0x7b: {  	[tilespmem:$0x18250] =	vst v16  }
0x7c: {  	v16 =	vld.idx.msk [tilespmem:v22+s11+$0x0], $0xffff;
	_ =	sdelay $0x4  }
0x7d: {  	[tilespmem:$0x18260] =	vst v16  }
0x7e: {  	v16 =	vld.idx.msk [tilespmem:v23+s11+$0x0], $0xffff;
	_ =	sdelay $0x4  }
0x7f: {  	[tilespmem:$0x18270] =	vst v16  }
0x80: {  	v16 =	vld.idx.msk [tilespmem:v24+s11+$0x0], $0xffff;
	_ =	sdelay $0x4  }
0x81: {  	[tilespmem:$0x18280] =	vst v16  }
0x82: {  	v16 =	vld.idx.msk [tilespmem:v25+s11+$0x0], $0xffff;
	_ =	sdelay $0x4  }
0x83: {  	[tilespmem:$0x18290] =	vst v16  }
0x84: {  	v16 =	vld.idx.msk [tilespmem:v26+s11+$0x0], $0xffff;
	_ =	sdelay $0x4  }
0x85: {  	[tilespmem:$0x182A0] =	vst v16  }
0x86: {  	v16 =	vld.idx.msk [tilespmem:v27+s11+$0x0], $0xffff;
	_ =	sdelay $0x4  }
0x87: {  	[tilespmem:$0x182B0] =	vst v16  }
0x88: {  	v16 =	vld.idx.msk [tilespmem:v28+s11+$0x0], $0xffff;
	_ =	sdelay $0x4  }
0x89: {  	[tilespmem:$0x182C0] =	vst v16  }
0x8a: {  	v16 =	vld.idx.msk [tilespmem:v29+s11+$0x0], $0xffff;
	_ =	sdelay $0x4  }
0x8b: {  	[tilespmem:$0x182D0] =	vst v16  }
0x8c: {  	v16 =	vld.idx.msk [tilespmem:v30+s11+$0x0], $0xffff;
	_ =	sdelay $0x4  }
0x8d: {  	[tilespmem:$0x182E0] =	vst v16  }
0x8e: {  	v16 =	vld.idx.msk [tilespmem:v31+s11+$0x0], $0xffff;
	_ =	sdelay $0x4  }
0x8f: {  	[tilespmem:$0x182F0] =	vst v16  }
0x90: {  	[hbm4b:s6+s12] =	stream.strided.scatter [tilespmem:s15], [sflag:$0x1], $0x200, s13, s12, $0x38;
	[tilespmem:$0x18300] =	vst v63  }
0x91: {  	_ =	swait.ge [sflag:s10], $0x200  }
0x92: {  	[sflag:s10] =	ssyncset.done $0x0  }
0x93: {  	[sflag:s10] =	ssyncadd.s32 $0xFFFFFE00  }
0x94: {  	v16 =	vld.idx.msk [tilespmem:v32+s3+$0x0], $0xffff;
	_ =	sdelay $0x4  }
0x95: {  	[tilespmem:$0x18000] =	vst v16  }
0x96: {  	v16 =	vld.idx.msk [tilespmem:v33+s3+$0x0], $0xffff;
	_ =	sdelay $0x4  }
0x97: {  	[tilespmem:$0x18010] =	vst v16  }
0x98: {  	v16 =	vld.idx.msk [tilespmem:v34+s3+$0x0], $0xffff;
	_ =	sdelay $0x4  }
0x99: {  	[tilespmem:$0x18020] =	vst v16  }
0x9a: {  	v16 =	vld.idx.msk [tilespmem:v35+s3+$0x0], $0xffff;
	_ =	sdelay $0x4  }
0x9b: {  	[tilespmem:$0x18030] =	vst v16  }
0x9c: {  	v16 =	vld.idx.msk [tilespmem:v36+s3+$0x0], $0xffff;
	_ =	sdelay $0x4  }
0x9d: {  	[tilespmem:$0x18040] =	vst v16  }
0x9e: {  	v16 =	vld.idx.msk [tilespmem:v37+s3+$0x0], $0xffff;
	_ =	sdelay $0x4  }
0x9f: {  	[tilespmem:$0x18050] =	vst v16  }
0xa0: {  	v16 =	vld.idx.msk [tilespmem:v38+s3+$0x0], $0xffff;
	_ =	sdelay $0x4  }
0xa1: {  	[tilespmem:$0x18060] =	vst v16  }
0xa2: {  	v16 =	vld.idx.msk [tilespmem:v39+s3+$0x0], $0xffff;
	_ =	sdelay $0x4  }
0xa3: {  	[tilespmem:$0x18070] =	vst v16  }
0xa4: {  	v16 =	vld.idx.msk [tilespmem:v40+s3+$0x0], $0xffff;
	_ =	sdelay $0x4  }
0xa5: {  	[tilespmem:$0x18080] =	vst v16  }
0xa6: {  	v16 =	vld.idx.msk [tilespmem:v41+s3+$0x0], $0xffff;
	_ =	sdelay $0x4  }
0xa7: {  	[tilespmem:$0x18090] =	vst v16  }
0xa8: {  	v16 =	vld.idx.msk [tilespmem:v42+s3+$0x0], $0xffff;
	_ =	sdelay $0x4  }
0xa9: {  	[tilespmem:$0x180A0] =	vst v16  }
0xaa: {  	v16 =	vld.idx.msk [tilespmem:v43+s3+$0x0], $0xffff;
	_ =	sdelay $0x4  }
0xab: {  	[tilespmem:$0x180B0] =	vst v16  }
0xac: {  	v16 =	vld.idx.msk [tilespmem:v44+s3+$0x0], $0xffff;
	_ =	sdelay $0x4  }
0xad: {  	[tilespmem:$0x180C0] =	vst v16  }
0xae: {  	v16 =	vld.idx.msk [tilespmem:v45+s3+$0x0], $0xffff;
	_ =	sdelay $0x4  }
0xaf: {  	[tilespmem:$0x180D0] =	vst v16  }
0xb0: {  	v16 =	vld.idx.msk [tilespmem:v46+s3+$0x0], $0xffff;
	_ =	sdelay $0x4  }
0xb1: {  	[tilespmem:$0x180E0] =	vst v16  }
0xb2: {  	v16 =	vld.idx.msk [tilespmem:v47+s3+$0x0], $0xffff;
	_ =	sdelay $0x4  }
0xb3: {  	[tilespmem:$0x180F0] =	vst v16  }
0xb4: {  	[hbm4b:s7+s12] =	stream.strided.scatter [tilespmem:s14], [sflag:$0x1], $0x100, s13, s12, $0x38;
	[tilespmem:$0x18300] =	vst v63  }
0xb5: {  	_ =	swait.ge [sflag:s10], $0x100  }
0xb6: {  	[sflag:s10] =	ssyncset.done $0x0  }
0xb7: {  	[sflag:s10] =	ssyncadd.s32 $0xFFFFFF00  }
0xb8: {  	v16 =	vld.idx.msk [tilespmem:v32+s11+$0x0], $0xffff;
	_ =	sdelay $0x4  }
0xb9: {  	[tilespmem:$0x18100] =	vst v16  }
0xba: {  	v16 =	vld.idx.msk [tilespmem:v33+s11+$0x0], $0xffff;
	_ =	sdelay $0x4  }
0xbb: {  	[tilespmem:$0x18110] =	vst v16  }
0xbc: {  	v16 =	vld.idx.msk [tilespmem:v34+s11+$0x0], $0xffff;
	_ =	sdelay $0x4  }
0xbd: {  	[tilespmem:$0x18120] =	vst v16  }
0xbe: {  	v16 =	vld.idx.msk [tilespmem:v35+s11+$0x0], $0xffff;
	_ =	sdelay $0x4  }
0xbf: {  	[tilespmem:$0x18130] =	vst v16  }
0xc0: {  	v16 =	vld.idx.msk [tilespmem:v36+s11+$0x0], $0xffff;
	_ =	sdelay $0x4  }
0xc1: {  	[tilespmem:$0x18140] =	vst v16  }
0xc2: {  	v16 =	vld.idx.msk [tilespmem:v37+s11+$0x0], $0xffff;
	_ =	sdelay $0x4  }
0xc3: {  	[tilespmem:$0x18150] =	vst v16  }
0xc4: {  	v16 =	vld.idx.msk [tilespmem:v38+s11+$0x0], $0xffff;
	_ =	sdelay $0x4  }
0xc5: {  	[tilespmem:$0x18160] =	vst v16  }
0xc6: {  	v16 =	vld.idx.msk [tilespmem:v39+s11+$0x0], $0xffff;
	_ =	sdelay $0x4  }
0xc7: {  	[tilespmem:$0x18170] =	vst v16  }
0xc8: {  	v16 =	vld.idx.msk [tilespmem:v40+s11+$0x0], $0xffff;
	_ =	sdelay $0x4  }
0xc9: {  	[tilespmem:$0x18180] =	vst v16  }
0xca: {  	v16 =	vld.idx.msk [tilespmem:v41+s11+$0x0], $0xffff;
	_ =	sdelay $0x4  }
0xcb: {  	[tilespmem:$0x18190] =	vst v16  }
0xcc: {  	v16 =	vld.idx.msk [tilespmem:v42+s11+$0x0], $0xffff;
	_ =	sdelay $0x4  }
0xcd: {  	[tilespmem:$0x181A0] =	vst v16  }
0xce: {  	v16 =	vld.idx.msk [tilespmem:v43+s11+$0x0], $0xffff;
	_ =	sdelay $0x4  }
0xcf: {  	[tilespmem:$0x181B0] =	vst v16  }
0xd0: {  	v16 =	vld.idx.msk [tilespmem:v44+s11+$0x0], $0xffff;
	_ =	sdelay $0x4  }
0xd1: {  	[tilespmem:$0x181C0] =	vst v16  }
0xd2: {  	v16 =	vld.idx.msk [tilespmem:v45+s11+$0x0], $0xffff;
	_ =	sdelay $0x4  }
0xd3: {  	[tilespmem:$0x181D0] =	vst v16  }
0xd4: {  	v16 =	vld.idx.msk [tilespmem:v46+s11+$0x0], $0xffff;
	_ =	sdelay $0x4  }
0xd5: {  	[tilespmem:$0x181E0] =	vst v16  }
0xd6: {  	v16 =	vld.idx.msk [tilespmem:v47+s11+$0x0], $0xffff;
	_ =	sdelay $0x4  }
0xd7: {  	[tilespmem:$0x181F0] =	vst v16  }
0xd8: {  	v16 =	vld.idx.msk [tilespmem:v48+s11+$0x0], $0xffff;
	_ =	sdelay $0x4  }
0xd9: {  	[tilespmem:$0x18200] =	vst v16  }
0xda: {  	v16 =	vld.idx.msk [tilespmem:v49+s11+$0x0], $0xffff;
	_ =	sdelay $0x4  }
0xdb: {  	[tilespmem:$0x18210] =	vst v16  }
0xdc: {  	v16 =	vld.idx.msk [tilespmem:v50+s11+$0x0], $0xffff;
	_ =	sdelay $0x4  }
0xdd: {  	[tilespmem:$0x18220] =	vst v16  }
0xde: {  	v16 =	vld.idx.msk [tilespmem:v51+s11+$0x0], $0xffff;
	_ =	sdelay $0x4  }
0xdf: {  	[tilespmem:$0x18230] =	vst v16  }
0xe0: {  	v16 =	vld.idx.msk [tilespmem:v52+s11+$0x0], $0xffff;
	_ =	sdelay $0x4  }
0xe1: {  	[tilespmem:$0x18240] =	vst v16  }
0xe2: {  	v16 =	vld.idx.msk [tilespmem:v53+s11+$0x0], $0xffff;
	_ =	sdelay $0x4  }
0xe3: {  	[tilespmem:$0x18250] =	vst v16  }
0xe4: {  	v16 =	vld.idx.msk [tilespmem:v54+s11+$0x0], $0xffff;
	_ =	sdelay $0x4  }
0xe5: {  	[tilespmem:$0x18260] =	vst v16  }
0xe6: {  	v16 =	vld.idx.msk [tilespmem:v55+s11+$0x0], $0xffff;
	_ =	sdelay $0x4  }
0xe7: {  	[tilespmem:$0x18270] =	vst v16  }
0xe8: {  	v16 =	vld.idx.msk [tilespmem:v56+s11+$0x0], $0xffff;
	_ =	sdelay $0x4  }
0xe9: {  	[tilespmem:$0x18280] =	vst v16  }
0xea: {  	v16 =	vld.idx.msk [tilespmem:v57+s11+$0x0], $0xffff;
	_ =	sdelay $0x4  }
0xeb: {  	[tilespmem:$0x18290] =	vst v16  }
0xec: {  	v16 =	vld.idx.msk [tilespmem:v58+s11+$0x0], $0xffff;
	_ =	sdelay $0x4  }
0xed: {  	[tilespmem:$0x182A0] =	vst v16  }
0xee: {  	v16 =	vld.idx.msk [tilespmem:v59+s11+$0x0], $0xffff;
	_ =	sdelay $0x4  }
0xef: {  	[tilespmem:$0x182B0] =	vst v16  }
0xf0: {  	v16 =	vld.idx.msk [tilespmem:v60+s11+$0x0], $0xffff;
	_ =	sdelay $0x4  }
0xf1: {  	[tilespmem:$0x182C0] =	vst v16  }
0xf2: {  	v16 =	vld.idx.msk [tilespmem:v61+s11+$0x0], $0xffff;
	_ =	sdelay $0x4  }
0xf3: {  	[tilespmem:$0x182D0] =	vst v16  }
0xf4: {  	v16 =	vld.idx.msk [tilespmem:v62+s11+$0x0], $0xffff;
	_ =	sdelay $0x4  }
0xf5: {  	[tilespmem:$0x182E0] =	vst v16  }
0xf6: {  	v16 =	vld.idx.msk [tilespmem:v63+s11+$0x0], $0xffff;
	_ =	sdelay $0x3  }
0xf7: {  	p0 =	sne.s32 s9, $0x1  }
.Ltmp0:
0xf8: {  	[tilespmem:$0x182F0] =	vst v16;
	(pc) =	sbr.rel @p0 .LBB2_1-.Ltmp0, $4  }
0xf9: {  	[hbm4b:s8+s12] =	stream.strided.scatter [tilespmem:s15], [sflag:$0x1], $0x200, s13, s12, $0x38;
	[tilespmem:$0x18300] =	vst v63  }
0xfa: {  	_ =	swait.ge [sflag:s10], $0x200  }
0xfb: {  	[sflag:s10] =	ssyncset.done $0x0  }
0xfc: {  	s9 =	sadd.s32 $0xFFFFFFFF, s9;
	[sflag:s10] =	ssyncadd.s32 $0xFFFFFE00  }
0xfd: {  	_ =	sfence.sel $0x180000  }
0xfe: {  	[bflag:$0x0] =	sbarrier.arrive $0xFFFF  }
0xff: {  	p0 =	sne.s32 s0, $0x0;
	_ =	strace $0x90000047  }
0x100: {  	s0 =	sadd.s32 @!p0 $0x100000, s2;
	[bflag:$0x2] =	sbarrier.arrive $0xFFFF  }
0x101: {  	[sflag:s0] =	ssyncadd.tile.s32 @!p0 $0x1;
	_ =	shalt  }
.Lfunc_end2:
_tile_overlayer_lowered:
.L_overlay_start_2:
0x102: {  	(tag) =	ssettag $0x2  }
0x103: {  	s0 =	rddreg [dreg:$0x0];
	s2 =	stileid.u32  }
0x104: {  	s1 =	rddreg [dreg:$0x1];
	p0 =	sne.s32 s2, $0x0  }
0x105: {  	s3 =	rddreg [dreg:$0x2];
	[bflag:$0x3] =	sbarrier.arrive $0xFFFF;
	s2 =	simm.s32 @!p0 $0x1C01  }
0x106: {  	[timem:s3], [sflag:s2] =	dma.local @!p0 [hbm:s0], s1  }
0x107: {  	s0 =	simm.s32 @!p0 $0x1  }
0x108: {  	_ =	swait.ge @!p0 [sflag:s0], s1  }
0x109: {  	s1 =	ssub.s32 @!p0 $0x0, s1;
	[sflag:s0] =	ssyncset.done @!p0 $0x0  }
0x10a: {  	[sflag:s0] =	ssyncadd.s32 @!p0 s1  }
0x10b: {  	[bflag:$0x3] =	sbarrier.arrive $0xFFFF  }
0x10c: {  	_ =	shalt  }

// kernel: kernel.7.cloned.1.call-start
scs
__scs_entry_jumppad:
0x0: {  	(pc) =	sbr.rel $0x88, $3  }
0x1: {  	(tag) =	ssettag $0x0;
	lr =	simm.s32 $0x1  }
0x2: {  	[smem:$0x3F9F] =	sst lr;
	_ =	strace $0xD0000000  }
0x3: {  	_ = 	snop  }
0x4: {  	_ = 	snop  }
0x5: {  	_ = 	snop  }
0x6: {  	_ = 	snop  }
0x7: {  	_ = 	snop  }
__scs_overlays_trampoline_lowered:
0x8: {  	[smem:$0x3FAE] =	sst s0  }
0x9: {  	[smem:$0x3FAF] =	sst s1  }
0xa: {  	[smem:$0x3FB0] =	sst s2  }
0xb: {  	[smem:$0x3FB1] =	sst s3  }
0xc: {  	[smem:$0x3FB2] =	sst s4  }
0xd: {  	[smem:$0x3FB3] =	sst s5  }
0xe: {  	[smem:$0x3FB4] =	sst s6  }
0xf: {  	[smem:$0x3FB5] =	sst s7  }
0x10: {  	[smem:$0x3FB6] =	sst s8  }
0x11: {  	[smem:$0x3FB7] =	sst s9;
	s0 =	simm.s32 @!p0 $0x0  }
0x12: {  	s1 =	sld [smem:$0x3F9D];
	s0 =	simm.s32 @p0 $0x1  }
0x13: {  	[smem:$0x3FB8] =	sst s0;
	s0 =	simm.s32 @!p1 $0x0  }
0x14: {  	s2 =	sld [smem:$0x3F9C];
	s0 =	simm.s32 @p1 $0x1  }
0x15: {  	[smem:$0x3FB9] =	sst s0;
	s0 =	simm.s32 @!p2 $0x0  }
0x16: {  	s3 =	sld [smem:$0x3FDB];
	s0 =	simm.s32 @p2 $0x1  }
0x17: {  	s4 =	simm.s32 $0x1BF5;
	[smem:$0x3FBB] =	sst s0  }
0x18: {  	s0 =	sld [smem:$0x3F9E];
	_ =	swait.ge [sflag:s4], $0x0  }
0x19: {  	s7 =	sld [smem:$0x3F9F]  }
0x1a: {  	s8 =	sadd.s32 $0xFFFFE003, lr  }
0x1b: {  	s9 =	sadd.s32 $0xFFFFFEF7, lr;
	s5 =	simm.s32 $0xFFFFFFFF;
	p2 =	slt.u32 s8, $0xFFFFF086  }
0x1c: {  	p1 =	slt.u32 s9, $0xF7A;
	s5 =	simm.s32 @!p2 $0x0  }
0x1d: {  	s5 =	simm.s32 @p1 $0x1;
	p0 =	seq.s32 s7, s2  }
0x1e: {  	s7 =	smul.u32 @!p0 $0xF7A, s2;
	p2 =	seq.s32 @!p0 s5, $0x0  }
0x1f: {  	s9 =	smul.u32 $0xF7A, s1;
	s8 =	simm.s32 @!p0 $0x1BF5;
	p2 =	por !p2, p0  }
0x20: {  	[sflag:s8] =	ssyncset.s32 @!p0 $0xFFFFF086;
	s6 =	sadd.s32 @!p0 s3, s7;
	s7 =	simm.s32 @!p0 $0x108  }
0x21: {  	s3 =	sadd.s32 s3, s9;
	s6 =	sadd.s32 @!p0 $0x88, s6;
	s7 =	simm.s32 @p2 $0x1082  }
0x22: {  	[simem:s7], [sflag:s8] =	dma.local @!p0 [hbm:s6], $0xF7A  }
0x23: {  	s9 =	sor.u32 $0xD0000000, s2;
	s6 =	simm.s32 $0x108;
	_ =	swait.ge @!p0 [sflag:s8], $0x0  }
0x24: {  	s3 =	sadd.s32 $0x88, s3;
	s6 =	simm.s32 @!p1 $0x1082;
	[sflag:s4] =	ssyncset.s32 $0xFFFFF086  }
0x25: {  	[simem:s6], [sflag:s4] =	dma.local [hbm:s3], $0xF7A  }
0x26: {  	[smem:$0x3F9F] =	sst s1;
	(tag) =	ssettag s2;
	_ =	strace s9  }
0x27: {  	s1 =	sld [smem:$0x3FAF]  }
0x28: {  	s2 =	sld [smem:$0x3FB0]  }
0x29: {  	s4 =	sld [smem:$0x3FB2]  }
0x2a: {  	p0 =	seq.s32 s5, $0x0;
	s5 =	sld [smem:$0x3FB3]  }
0x2b: {  	s6 =	sld [smem:$0x3FB4]  }
0x2c: {  	s7 =	sld [smem:$0x3FB5]  }
0x2d: {  	s3 =	simm.s32 $0x108;
	s8 =	sld [smem:$0x3FB6]  }
0x2e: {  	s3 =	simm.s32 @!p0 $0x1082;
	s9 =	sld [smem:$0x3FB7]  }
0x2f: {  	lr =	sadd.s32 s0, s3;
	s0 =	sld [smem:$0x3FAE]  }
0x30: {  	s3 =	sld [smem:$0x3FB1]  }
0x31: {  	[smem:$0x3FBA] =	sst s10  }
0x32: {  	s10 =	sld [smem:$0x3FB8];
	_ =	sdelay $0x3  }
0x33: {  	p0 =	seq.s32 s10, $0x1;
	s10 =	sld [smem:$0x3FBA];
	_ =	sdelay $0x3  }
0x34: {  	[smem:$0x3FBA] =	sst s10  }
0x35: {  	s10 =	sld [smem:$0x3FB9];
	_ =	sdelay $0x3  }
0x36: {  	p1 =	seq.s32 s10, $0x1;
	s10 =	sld [smem:$0x3FBA];
	_ =	sdelay $0x3  }
0x37: {  	[smem:$0x3FBA] =	sst s10  }
0x38: {  	s10 =	sld [smem:$0x3FBB]  }
0x39: {  	_ = 	snop;
	(pc) =	sbr.ind lr, $3  }
0x3a: {  	_ = 	snop  }
0x3b: {  	_ = 	snop  }
0x3c: {  	p2 =	seq.s32 s10, $0x1;
	s10 =	sld [smem:$0x3FBA]  }
0x3d: {  	_ =	shalt  }
0x3e: {  	_ =	shalt  }
0x3f: {  	_ =	shalt  }
0x40: {  	_ =	shalt  }
0x41: {  	_ =	shalt  }
0x42: {  	_ =	shalt  }
0x43: {  	_ =	shalt  }
0x44: {  	_ =	shalt  }
0x45: {  	_ =	shalt  }
0x46: {  	_ =	shalt  }
0x47: {  	_ =	shalt  }
0x48: {  	_ =	shalt  }
0x49: {  	_ =	shalt  }
0x4a: {  	_ =	shalt  }
0x4b: {  	_ =	shalt  }
0x4c: {  	_ =	shalt  }
0x4d: {  	_ =	shalt  }
0x4e: {  	_ =	shalt  }
0x4f: {  	_ =	shalt  }
0x50: {  	_ =	shalt  }
0x51: {  	_ =	shalt  }
0x52: {  	_ =	shalt  }
0x53: {  	_ =	shalt  }
0x54: {  	_ =	shalt  }
0x55: {  	_ =	shalt  }
0x56: {  	_ =	shalt  }
0x57: {  	_ =	shalt  }
0x58: {  	_ =	shalt  }
0x59: {  	_ =	shalt  }
0x5a: {  	_ =	shalt  }
0x5b: {  	_ =	shalt  }
0x5c: {  	_ =	shalt  }
0x5d: {  	_ =	shalt  }
0x5e: {  	_ =	shalt  }
0x5f: {  	_ =	shalt  }
0x60: {  	_ =	shalt  }
0x61: {  	_ =	shalt  }
0x62: {  	_ =	shalt  }
0x63: {  	_ =	shalt  }
0x64: {  	_ =	shalt  }
0x65: {  	_ =	shalt  }
0x66: {  	_ =	shalt  }
0x67: {  	_ =	shalt  }
0x68: {  	_ =	shalt  }
0x69: {  	_ =	shalt  }
0x6a: {  	_ =	shalt  }
0x6b: {  	_ =	shalt  }
0x6c: {  	_ =	shalt  }
0x6d: {  	_ =	shalt  }
0x6e: {  	_ =	shalt  }
0x6f: {  	_ =	shalt  }
0x70: {  	_ =	shalt  }
0x71: {  	_ =	shalt  }
0x72: {  	_ =	shalt  }
0x73: {  	_ =	shalt  }
0x74: {  	_ =	shalt  }
0x75: {  	_ =	shalt  }
0x76: {  	_ =	shalt  }
0x77: {  	_ =	shalt  }
0x78: {  	_ =	shalt  }
0x79: {  	_ =	shalt  }
0x7a: {  	_ =	shalt  }
0x7b: {  	_ =	shalt  }
0x7c: {  	_ =	shalt  }
0x7d: {  	_ =	shalt  }
0x7e: {  	_ =	shalt  }
0x7f: {  	_ =	shalt  }
0x80: {  	_ =	shalt  }
0x81: {  	_ =	shalt  }
0x82: {  	_ =	shalt  }
0x83: {  	_ =	shalt  }
0x84: {  	_ =	shalt  }
0x85: {  	_ =	shalt  }
0x86: {  	_ =	shalt  }
0x87: {  	_ =	shalt  }
.Lfunc_end0:
.L_simem_size_0:
called_computation.1_lowered:
.L_overlay_start_0:
0x88: {  	s2 =	sld [smem:$0x3FD9]  }
0x89: {  	s3 =	sld [smem:$0x3FFE];
	_ =	sdelay $0x1  }
0x8a: {  	s1 =	srdreg.scid  }
0x8b: {  	s0 =	sand.u32 $0x1, s1  }
0x8c: {  	s17 =	sshll.u32 s0, $0xA;
	s2 =	sadd.s32 s3, s2  }
0x8d: {  	s2 =	sadd.s32 s2, s17  }
0x8e: {  	[smem:$0x3FC6] =	sst s2  }
0x8f: {  	_ = 	snop  }
0x90: {  	s2 =	sld [smem:$0x3FD0];
	(tm) =	ssettm $0x1  }
0x91: {  	s18 =	sld [smem:$0x3FFB];
	_ =	sdelay $0x3  }
0x92: {  	_ =	strace s18  }
0x93: {  	s3 =	sld [smem:$0x3FFC];
	_ =	sdelay $0x3  }
0x94: {  	_ =	strace s3  }
0x95: {  	s3 =	sld [smem:$0x3FFD];
	_ =	sdelay $0x3  }
0x96: {  	_ =	strace s3  }
0x97: {  	_ =	strace $0x8FFFFFFF  }
0x98: {  	s19 =	sld [smem:$0x3FDB];
	_ =	sdelay $0x1  }
0x99: {  	s4 =	simm.s32 $_scs_section_size  }
0x9a: {  	s5 =	simm.s32 $_size__tile_overlayer_lowered;
	s6 =	simm.s32 $_tile_overlayer_lowered  }
0x9b: {  	s22 =	simm.s32 $0x1BFF;
	s21 =	sshll.u32 s6, $0x1;
	s3 =	sadd.s32 s4, s19  }
0x9c: {  	s7 =	simm.s32 $0x0;
	s20 =	sshll.u32 s5, $0x1;
	s5 =	sadd.s32 s21, s3  }
0x9d: {  	[timem:s7], [sflag:s22] =	dma.local [hbm:s5], s20  }
0x9e: {  	_ =	swait.ge [sflag:s22], s20  }
0x9f: {  	s4 =	ssub.s32 $0x0, s20;
	[sflag:s22] =	ssyncset.done $0x0  }
0xa0: {  	[sflag:s22] =	ssyncadd.s32 s4;
	_ =	sdelay $0x1  }
0xa1: {  	s23 =	simm.s32 $0x1B8B  }
0xa2: {  	_ =	swait.ge [sflag:s23], $0x1  }
0xa3: {  	[sflag:s23] =	ssyncset.done $0x0  }
0xa4: {  	s25 =	simm.s32 $0x1B8E;
	s24 =	sld [smem:$0x3FFE];
	[sflag:s23] =	ssyncadd.s32 $0xFFFFFFFF  }
0xa5: {  	s26 =	simm.s32 $execute0_lowered;
	[smem:$0x3FD2] =	sst s25  }
0xa6: {  	s5 =	sshll.u32 s26, $0x1;
	_ =	strace $0x80000049;
	[dreg:$0x1] =	wrdreg $0xFFFFFFFF  }
0xa7: {  	s28 =	simm.s32 $_size_execute0_lowered;
	s3 =	sadd.s32 s3, s5;
	[dreg:$0x0] =	wrdreg $0x0  }
0xa8: {  	s5 =	sshll.u32 s28, $0x1;
	[dreg:$0x2] =	wrdreg s3  }
0xa9: {  	[dreg:$0x3] =	wrdreg s5  }
0xaa: {  	[dreg:$0x4] =	wrdreg $0xC0  }
0xab: {  	_ =	task [dreg:s7], $0x5FFFF  }
0xac: {  	[dreg:$0x1] =	wrdreg $0xFFFFFFFF  }
0xad: {  	[dreg:$0x0] =	wrdreg $0x60  }
0xae: {  	[dreg:$0x2] =	wrdreg s24  }
0xaf: {  	[dreg:$0x3] =	wrdreg s2  }
0xb0: {  	[dreg:$0x4] =	wrdreg $0x9  }
0xb1: {  	_ =	task.clear_ibuf [dreg:s7], $0x5FFFF;
	_ =	strace $0x90000049  }
0xb2: {  	s29 =	simm.s32 $0x9;
	_ =	strace $0x8000004B  }
0xb3: {  	_ =	swait.ge [sflag:s29], $0x1  }
0xb4: {  	[sflag:s29] =	ssyncadd.s32 $0xFFFFFFFF  }
0xb5: {  	_ =	strace $0x9000004B  }
0xb6: {  	_ =	sfence  }
0xb7: {  	s30 =	sld [smem:$0x0];
	_ =	sdelay $0x2  }
0xb8: {  	s31 =	sshll.u32 s1, $0xD;
	s1 =	sshrl.u32 s1, $0x2  }
0xb9: {  	s3 =	sand.u32 $0x4000, s31;
	s1 =	sadd.s32 s1, s30  }
0xba: {  	s0 =	sor.u32 s3, s0;
	s1 =	sshll.u32 s1, $0x11  }
0xbb: {  	s0 =	sor.u32 s1, s0  }
0xbc: {  	s0 =	sadd.s32 $0x8F2B, s0  }
0xbd: {  	[sflag:s0] =	ssyncadd.remote.s32 $0x1  }
0xbe: {  	_ =	sfence.sel $0xFFFF  }
0xbf: {  	[dreg:$0x0] =	wrdreg $0xFFFFFFFF;
	(pc) =	sbr.abs _section_cstart, $3  }
0xc0: {  	[dreg:$0x1] =	wrdreg $0xFFFFFFFF  }
0xc1: {  	_ =	task.clear_ibuf [dreg:s7], $0x2FFFF;
	_ =	strace $0x9FFFFFFF  }
0xc2: {  	(tm) =	ssettm $0x7FFFFFFF  }
0xc3: {  	_ =	shalt  }
tec
execute0_lowered:
.L_overlay_start_1:
0x0: {  	(tag) =	ssettag $0x1  }
0x1: {  	s1 =	srdreg.scid  }
0x2: {  	s2 =	rddreg [dreg:$0x0];
	s6 =	stileid.u32;
	s3 =	sand.u32 $0x1, s1  }
0x3: {  	s0 =	rddreg [dreg:$0x1];
	s4 =	sshll.u32 s6, $0x2;
	s5 =	sshll.u32 s3, $0x1  }
0x4: {  	s1 =	simm.s32 $0x0;
	s26 =	sadd.s32 $0x2C00, s2;
	s4 =	sor.u32 s5, s4  }
0x5: {  	s6 =	sshrl.u32 s6, $0x1;
	s2 =	sadd.s32 $0x3400, s2;
	s7 =	sshll.u32 s4, $0x7  }
0x6: {  	s9 =	sshll.u32 s6, $0xB;
	s6 =	sshll.u32 s6, $0xC;
	s7 =	sand.u32 $0x300, s7  }
0x7: {  	s3 =	ssub.s32 $0x2, s3;
	s8 =	sor.u32 s9, s7;
	s7 =	sor.u32 s6, s7  }
0x8: {  	[smem:$0x7FF] =	sst s1;
	s10 =	sshrl.u32 s3, $0x1;
	s16 =	sshrl.u32 s7, $0x3  }
0x9: {  	s11 =	sshrl.u32 s8, $0x3;
	s8 =	ssub.s32 s3, s10;
	s3 =	sadd.s32 s2, s16  }
0xa: {  	s15 =	sadd.s32 s26, s11;
	[dreg:$0x4] =	wrdreg s3;
	s3 =	sshll.u32 s4, $0xE  }
0xb: {  	s7 =	sadd.s32 $0x100000, s0;
	[dreg:$0x3] =	wrdreg s15;
	s17 =	sadd.s32 s0, s3  }
0xc: {  	s10 =	sadd.s32 $0x200000, s0;
	s18 =	sadd.s32 s3, s7;
	[dreg:$0x5] =	wrdreg s17  }
0xd: {  	s11 =	sadd.s32 $0x300000, s0;
	s19 =	sadd.s32 s3, s10;
	[dreg:$0x6] =	wrdreg s18  }
0xe: {  	s4 =	sor.u32 $0x1, s4;
	s12 =	sadd.s32 s3, s11;
	[dreg:$0x7] =	wrdreg s19  }
0xf: {  	s8 =	smax.u32 s8, $0x1;
	s13 =	sshll.u32 s4, $0x7;
	[dreg:$0x8] =	wrdreg s12  }
0x10: {  	s12 =	sadd.s32 $0x400000, s0;
	s13 =	sand.u32 $0x380, s13;
	s18 =	sadd.s32 $0x602000, s0  }
0x11: {  	s14 =	sadd.s32 s3, s12;
	s9 =	sor.u32 s9, s13;
	s6 =	sor.u32 s6, s13  }
0x12: {  	s13 =	sadd.s32 $0x700000, s0;
	[dreg:$0x9] =	wrdreg s14;
	s14 =	sadd.s32 $0x500000, s0  }
0x13: {  	s9 =	sshrl.u32 s9, $0x3;
	s20 =	sshrl.u32 s6, $0x3;
	s21 =	sadd.s32 s3, s13  }
0x14: {  	s6 =	sadd.s32 $0x302000, s0;
	s15 =	sadd.s32 s3, s14;
	s5 =	sadd.s32 s26, s9  }
0x15: {  	[dreg:$0xd] =	wrdreg s21;
	s2 =	sadd.s32 s2, s20;
	s9 =	sshll.u32 s4, $0xE  }
0x16: {  	s4 =	sadd.s32 $0x102000, s0;
	s25 =	sadd.s32 s3, s6;
	[dreg:$0xa] =	wrdreg s15  }
0x17: {  	s26 =	sadd.s32 s3, s18;
	s20 =	sadd.s32 $0x702000, s0;
	[dreg:$0xc] =	wrdreg s5  }
0x18: {  	s15 =	sadd.s32 $0x600000, s0;
	[dreg:$0xe] =	wrdreg s2;
	s2 =	sadd.s32 $0x2000, s0  }
0x19: {  	s23 =	sadd.s32 s3, s4;
	s5 =	sadd.s32 $0x202000, s0;
	[dreg:$0x12] =	wrdreg s25  }
0x1a: {  	[dreg:$0x15] =	wrdreg s26;
	s21 =	sadd.s32 s3, s20;
	s25 =	sadd.s32 s9, s11  }
0x1b: {  	s26 =	sadd.s32 s9, s12;
	s28 =	sadd.s32 s9, s14;
	s30 =	sadd.s32 s9, s13  }
0x1c: {  	s11 =	simm.s32 $0x2;
	s12 =	simm.s32 $0x100;
	s13 =	simm.s32 $0x300  }
0x1d: {  	s14 =	simm.s32 $0x1;
	s16 =	sadd.s32 s3, s15;
	s22 =	sadd.s32 s3, s2  }
0x1e: {  	[dreg:$0x10] =	wrdreg s23;
	s24 =	sadd.s32 s3, s5;
	s23 =	sadd.s32 s9, s7  }
0x1f: {  	s29 =	sadd.s32 s9, s15;
	s31 =	sadd.s32 s9, s2;
	[dreg:$0xb] =	wrdreg s16  }
0x20: {  	s2 =	sadd.s32 s9, s5;
	s7 =	sadd.s32 s9, s20;
	[dreg:$0xf] =	wrdreg s22  }
0x21: {  	s15 =	simm.s32 $0x0;
	[dreg:$0x11] =	wrdreg s24;
	s16 =	sadd.s32 $0x402000, s0  }
0x22: {  	s22 =	sadd.s32 s0, s9;
	s24 =	sadd.s32 s9, s10;
	s17 =	sadd.s32 s3, s16  }
0x23: {  	s10 =	simm.s32 $0x400;
	[dreg:$0x13] =	wrdreg s17;
	s17 =	sadd.s32 $0x502000, s0  }
0x24: {  	s0 =	sadd.s32 s9, s4;
	s4 =	sadd.s32 s9, s16;
	s19 =	sadd.s32 s3, s17  }
0x25: {  	s3 =	sadd.s32 s9, s6;
	s5 =	sadd.s32 s9, s17;
	[dreg:$0x14] =	wrdreg s19  }
0x26: {  	s6 =	sadd.s32 s9, s18;
	s9 =	simm.s32 $0x80;
	_ =	strace $0x8000004A  }
.LBB2_1:
0x27: {  	s16 =	rddreg [dreg:$0x3]  }
0x28: {  	[tilespmem:s1], [sflag:$0x2] =	stream.strided.gather [hbm4b:s16+s9], $0x100, s10, s9, $0x38;
	[tilespmem:$0x10300] =	vst v63  }
0x29: {  	_ =	swait.ge [sflag:s11], $0x100  }
0x2a: {  	[sflag:s11] =	ssyncset.done $0x0  }
0x2b: {  	v0 =	vmov s1;
	s18 =	rddreg [dreg:$0x4];
	[sflag:s11] =	ssyncadd.s32 $0xFFFFFF00  }
0x2c: {  	[tilespmem:s12], [sflag:$0x2] =	stream.strided.gather [hbm4b:s18+s9], $0x200, s10, s9, $0x38;
	[tilespmem:$0x10300] =	vst v63  }
0x2d: {  	_ =	swait.ge [sflag:s11], $0x200  }
0x2e: {  	[sflag:s11] =	ssyncset.done $0x0  }
0x2f: {  	[sflag:s11] =	ssyncadd.s32 $0xFFFFFE00  }
0x30: {  	v0 =	vld.idx.msk [tilespmem:v0+s12+$0x0], $0xffff  }
0x31: {  	v1 =	vld [tilespmem:$0x0];
	_ =	sdelay $0x4  }
0x32: {  	s19 =	sand.u32 $0xF800, s1;
	s17 =	sand.u32 $0x380, s1;
	v1 =	vadd.f32 v1, v0  }
0x33: {  	s16 =	sor.u32 s17, s19  }
0x34: {  	[tilespmem:s16+$0x300] =	vst v1  }
0x35: {  	v1 =	vld [tilespmem:$0x10];
	_ =	sdelay $0x4  }
0x36: {  	v1 =	vadd.f32 v1, v0;
	_ =	sdelay $0x1  }
0x37: {  	[tilespmem:s16+$0x310] =	vst v1  }
0x38: {  	v1 =	vld [tilespmem:$0x20];
	_ =	sdelay $0x4  }
0x39: {  	v1 =	vadd.f32 v1, v0;
	_ =	sdelay $0x1  }
0x3a: {  	[tilespmem:s16+$0x320] =	vst v1  }
0x3b: {  	v1 =	vld [tilespmem:$0x30];
	_ =	sdelay $0x4  }
0x3c: {  	v1 =	vadd.f32 v1, v0;
	_ =	sdelay $0x1  }
0x3d: {  	[tilespmem:s16+$0x330] =	vst v1  }
0x3e: {  	v1 =	vld [tilespmem:$0x40];
	_ =	sdelay $0x4  }
0x3f: {  	v1 =	vadd.f32 v1, v0;
	_ =	sdelay $0x1  }
0x40: {  	[tilespmem:s16+$0x340] =	vst v1  }
0x41: {  	v1 =	vld [tilespmem:$0x50];
	_ =	sdelay $0x4  }
0x42: {  	v1 =	vadd.f32 v1, v0;
	_ =	sdelay $0x1  }
0x43: {  	[tilespmem:s16+$0x350] =	vst v1  }
0x44: {  	v1 =	vld [tilespmem:$0x60];
	_ =	sdelay $0x4  }
0x45: {  	v1 =	vadd.f32 v1, v0;
	_ =	sdelay $0x1  }
0x46: {  	[tilespmem:s16+$0x360] =	vst v1  }
0x47: {  	v1 =	vld [tilespmem:$0x70];
	_ =	sdelay $0x4  }
0x48: {  	v1 =	vadd.f32 v1, v0;
	_ =	sdelay $0x1  }
0x49: {  	[tilespmem:s16+$0x370] =	vst v1  }
0x4a: {  	v1 =	vld [tilespmem:$0x80];
	_ =	sdelay $0x4  }
0x4b: {  	v1 =	vadd.f32 v1, v0;
	_ =	sdelay $0x1  }
0x4c: {  	[tilespmem:s16+$0x700] =	vst v1  }
0x4d: {  	v1 =	vld [tilespmem:$0x90];
	_ =	sdelay $0x4  }
0x4e: {  	v1 =	vadd.f32 v1, v0;
	_ =	sdelay $0x1  }
0x4f: {  	[tilespmem:s16+$0x710] =	vst v1  }
0x50: {  	v1 =	vld [tilespmem:$0xA0];
	_ =	sdelay $0x4  }
0x51: {  	v1 =	vadd.f32 v1, v0;
	_ =	sdelay $0x1  }
0x52: {  	[tilespmem:s16+$0x720] =	vst v1  }
0x53: {  	v1 =	vld [tilespmem:$0xB0];
	_ =	sdelay $0x4  }
0x54: {  	v1 =	vadd.f32 v1, v0;
	_ =	sdelay $0x1  }
0x55: {  	[tilespmem:s16+$0x730] =	vst v1  }
0x56: {  	v1 =	vld [tilespmem:$0xC0];
	_ =	sdelay $0x4  }
0x57: {  	v1 =	vadd.f32 v1, v0;
	_ =	sdelay $0x1  }
0x58: {  	[tilespmem:s16+$0x740] =	vst v1  }
0x59: {  	v1 =	vld [tilespmem:$0xD0];
	_ =	sdelay $0x4  }
0x5a: {  	v1 =	vadd.f32 v1, v0;
	_ =	sdelay $0x1  }
0x5b: {  	[tilespmem:s16+$0x750] =	vst v1  }
0x5c: {  	v1 =	vld [tilespmem:$0xE0];
	_ =	sdelay $0x4  }
0x5d: {  	v1 =	vadd.f32 v1, v0;
	_ =	sdelay $0x1  }
0x5e: {  	[tilespmem:s16+$0x760] =	vst v1  }
0x5f: {  	v2 =	vld [tilespmem:$0xF0];
	_ =	sdelay $0x1  }
0x60: {  	s20 =	simm.s32 $0x1  }
0x61: {  	s19 =	simm.s32 $0x2;
	s17 =	simm.s32 $0x0;
	s18 =	simm.s32 $0x0;
	v1 =	vmov s20  }
.LBB2_2:
0x62: {  	p0 =	sne.s32 s19, $0xFF  }
0x63: {  	v0 =	vadd.f32 v2, v0;
	_ =	sdelay $0x1  }
0x64: {  	[tilespmem:s16+$0x770] =	vst v0  }
0x65: {  	v0 =	vld.idx.msk [tilespmem:v1+s12+$0x0], $0xffff  }
0x66: {  	v1 =	vld [tilespmem:$0x0];
	_ =	sdelay $0x3  }
0x67: {  	s17 =	sadd.s32 $0x80, s17;
	s18 =	sadd.s32 $0x100, s18  }
0x68: {  	s20 =	sand.u32 $0x380, s17;
	s16 =	sand.u32 $0xF800, s18;
	v1 =	vadd.f32 v1, v0  }
0x69: {  	s16 =	sor.u32 s20, s16  }
0x6a: {  	[tilespmem:s16+$0x300] =	vst v1  }
0x6b: {  	v1 =	vld [tilespmem:$0x10];
	_ =	sdelay $0x4  }
0x6c: {  	v1 =	vadd.f32 v1, v0;
	_ =	sdelay $0x1  }
0x6d: {  	[tilespmem:s16+$0x310] =	vst v1  }
0x6e: {  	v1 =	vld [tilespmem:$0x20];
	_ =	sdelay $0x4  }
0x6f: {  	v1 =	vadd.f32 v1, v0;
	_ =	sdelay $0x1  }
0x70: {  	[tilespmem:s16+$0x320] =	vst v1  }
0x71: {  	v1 =	vld [tilespmem:$0x30];
	_ =	sdelay $0x4  }
0x72: {  	v1 =	vadd.f32 v1, v0;
	_ =	sdelay $0x1  }
0x73: {  	[tilespmem:s16+$0x330] =	vst v1  }
0x74: {  	v1 =	vld [tilespmem:$0x40];
	_ =	sdelay $0x4  }
0x75: {  	v1 =	vadd.f32 v1, v0;
	_ =	sdelay $0x1  }
0x76: {  	[tilespmem:s16+$0x340] =	vst v1  }
0x77: {  	v1 =	vld [tilespmem:$0x50];
	_ =	sdelay $0x4  }
0x78: {  	v1 =	vadd.f32 v1, v0;
	_ =	sdelay $0x1  }
0x79: {  	[tilespmem:s16+$0x350] =	vst v1  }
0x7a: {  	v1 =	vld [tilespmem:$0x60];
	_ =	sdelay $0x4  }
0x7b: {  	v1 =	vadd.f32 v1, v0;
	_ =	sdelay $0x1  }
0x7c: {  	[tilespmem:s16+$0x360] =	vst v1  }
0x7d: {  	v1 =	vld [tilespmem:$0x70];
	_ =	sdelay $0x4  }
0x7e: {  	v1 =	vadd.f32 v1, v0;
	_ =	sdelay $0x1  }
0x7f: {  	[tilespmem:s16+$0x370] =	vst v1  }
0x80: {  	v1 =	vld [tilespmem:$0x80];
	_ =	sdelay $0x4  }
0x81: {  	v1 =	vadd.f32 v1, v0;
	_ =	sdelay $0x1  }
0x82: {  	[tilespmem:s16+$0x700] =	vst v1  }
0x83: {  	v1 =	vld [tilespmem:$0x90];
	_ =	sdelay $0x4  }
0x84: {  	v1 =	vadd.f32 v1, v0;
	_ =	sdelay $0x1  }
0x85: {  	[tilespmem:s16+$0x710] =	vst v1  }
0x86: {  	v1 =	vld [tilespmem:$0xA0];
	_ =	sdelay $0x4  }
0x87: {  	v1 =	vadd.f32 v1, v0;
	_ =	sdelay $0x1  }
0x88: {  	[tilespmem:s16+$0x720] =	vst v1  }
0x89: {  	v1 =	vld [tilespmem:$0xB0];
	_ =	sdelay $0x4  }
0x8a: {  	v1 =	vadd.f32 v1, v0;
	_ =	sdelay $0x1  }
0x8b: {  	[tilespmem:s16+$0x730] =	vst v1  }
0x8c: {  	v1 =	vld [tilespmem:$0xC0];
	_ =	sdelay $0x4  }
0x8d: {  	v1 =	vadd.f32 v1, v0;
	_ =	sdelay $0x1  }
0x8e: {  	[tilespmem:s16+$0x740] =	vst v1  }
0x8f: {  	v1 =	vld [tilespmem:$0xD0];
	_ =	sdelay $0x4  }
0x90: {  	v1 =	vadd.f32 v1, v0;
	_ =	sdelay $0x1  }
0x91: {  	[tilespmem:s16+$0x750] =	vst v1  }
0x92: {  	v1 =	vld [tilespmem:$0xE0];
	_ =	sdelay $0x4  }
0x93: {  	v1 =	vadd.f32 v1, v0;
	_ =	sdelay $0x1  }
.Ltmp0:
0x94: {  	[tilespmem:s16+$0x760] =	vst v1;
	(pc) =	sbr.rel @p0 .LBB2_2-.Ltmp0, $2  }
0x95: {  	v2 =	vld [tilespmem:$0xF0];
	_ =	sdelay $0x2  }
0x96: {  	v1 =	vmov s19;
	s19 =	sadd.s32 $0x1, s19  }
0x97: {  	_ = 	snop  }
0x98: {  	v0 =	vadd.f32 v2, v0;
	_ =	sdelay $0x1  }
0x99: {  	[tilespmem:s16+$0x770] =	vst v0  }
0x9a: {  	v0 =	vld.idx.msk [tilespmem:v1+s12+$0x0], $0xffff  }
0x9b: {  	v1 =	vld [tilespmem:$0x0];
	_ =	sdelay $0x3  }
0x9c: {  	s20 =	sadd.s32 $0x80, s17;
	s18 =	sadd.s32 $0x100, s18  }
0x9d: {  	s17 =	sand.u32 $0xF800, s18;
	s16 =	sand.u32 $0x380, s20;
	v1 =	vadd.f32 v1, v0  }
0x9e: {  	s16 =	sor.u32 s16, s17  }
0x9f: {  	[tilespmem:s16+$0x300] =	vst v1  }
0xa0: {  	v1 =	vld [tilespmem:$0x10];
	_ =	sdelay $0x4  }
0xa1: {  	v1 =	vadd.f32 v1, v0;
	_ =	sdelay $0x1  }
0xa2: {  	[tilespmem:s16+$0x310] =	vst v1  }
0xa3: {  	v1 =	vld [tilespmem:$0x20];
	_ =	sdelay $0x4  }
0xa4: {  	v1 =	vadd.f32 v1, v0;
	_ =	sdelay $0x1  }
0xa5: {  	[tilespmem:s16+$0x320] =	vst v1  }
0xa6: {  	v1 =	vld [tilespmem:$0x30];
	_ =	sdelay $0x4  }
0xa7: {  	v1 =	vadd.f32 v1, v0;
	_ =	sdelay $0x1  }
0xa8: {  	[tilespmem:s16+$0x330] =	vst v1  }
0xa9: {  	v1 =	vld [tilespmem:$0x40];
	_ =	sdelay $0x4  }
0xaa: {  	v1 =	vadd.f32 v1, v0;
	_ =	sdelay $0x1  }
0xab: {  	[tilespmem:s16+$0x340] =	vst v1  }
0xac: {  	v1 =	vld [tilespmem:$0x50];
	_ =	sdelay $0x4  }
0xad: {  	v1 =	vadd.f32 v1, v0;
	_ =	sdelay $0x1  }
0xae: {  	[tilespmem:s16+$0x350] =	vst v1  }
0xaf: {  	v1 =	vld [tilespmem:$0x60];
	_ =	sdelay $0x4  }
0xb0: {  	v1 =	vadd.f32 v1, v0;
	_ =	sdelay $0x1  }
0xb1: {  	[tilespmem:s16+$0x360] =	vst v1  }
0xb2: {  	v1 =	vld [tilespmem:$0x70];
	_ =	sdelay $0x4  }
0xb3: {  	v1 =	vadd.f32 v1, v0;
	_ =	sdelay $0x1  }
0xb4: {  	[tilespmem:s16+$0x370] =	vst v1  }
0xb5: {  	v1 =	vld [tilespmem:$0x80];
	_ =	sdelay $0x4  }
0xb6: {  	v1 =	vadd.f32 v1, v0;
	_ =	sdelay $0x1  }
0xb7: {  	[tilespmem:s16+$0x700] =	vst v1  }
0xb8: {  	v1 =	vld [tilespmem:$0x90];
	_ =	sdelay $0x4  }
0xb9: {  	v1 =	vadd.f32 v1, v0;
	_ =	sdelay $0x1  }
0xba: {  	[tilespmem:s16+$0x710] =	vst v1  }
0xbb: {  	v1 =	vld [tilespmem:$0xA0];
	_ =	sdelay $0x4  }
0xbc: {  	v1 =	vadd.f32 v1, v0;
	_ =	sdelay $0x1  }
0xbd: {  	[tilespmem:s16+$0x720] =	vst v1  }
0xbe: {  	v1 =	vld [tilespmem:$0xB0];
	_ =	sdelay $0x4  }
0xbf: {  	v1 =	vadd.f32 v1, v0;
	_ =	sdelay $0x1  }
0xc0: {  	[tilespmem:s16+$0x730] =	vst v1  }
0xc1: {  	v1 =	vld [tilespmem:$0xC0];
	_ =	sdelay $0x4  }
0xc2: {  	v1 =	vadd.f32 v1, v0;
	_ =	sdelay $0x1  }
0xc3: {  	[tilespmem:s16+$0x740] =	vst v1  }
0xc4: {  	v1 =	vld [tilespmem:$0xD0];
	_ =	sdelay $0x4  }
0xc5: {  	v1 =	vadd.f32 v1, v0;
	_ =	sdelay $0x1  }
0xc6: {  	[tilespmem:s16+$0x750] =	vst v1  }
0xc7: {  	v1 =	vld [tilespmem:$0xE0];
	_ =	sdelay $0x4  }
0xc8: {  	v1 =	vadd.f32 v1, v0;
	_ =	sdelay $0x1  }
0xc9: {  	[tilespmem:s16+$0x760] =	vst v1  }
0xca: {  	v1 =	vld [tilespmem:$0xF0];
	_ =	sdelay $0x4  }
0xcb: {  	v0 =	vadd.f32 v1, v0;
	_ =	sdelay $0x1  }
0xcc: {  	s19 =	rddreg [dreg:$0x5];
	[tilespmem:s16+$0x770] =	vst v0;
	s16 =	simm.s32 $0x0  }
0xcd: {  	[hbm4b:s19+s16] =	stream.linear.scatter [tilespmem:s13], [sflag:$0x1], $0x10000, $0x38;
	[tilespmem:$0x10300] =	vst v63  }
0xce: {  	s20 =	rddreg [dreg:$0x6]  }
0xcf: {  	[hbm4b:s20+s16] =	stream.linear.scatter [tilespmem:s13], [sflag:$0x1], $0x10000, $0x38;
	[tilespmem:$0x10300] =	vst v63  }
0xd0: {  	s18 =	rddreg [dreg:$0x7]  }
0xd1: {  	[hbm4b:s18+s16] =	stream.linear.scatter [tilespmem:s13], [sflag:$0x1], $0x10000, $0x38;
	[tilespmem:$0x10300] =	vst v63  }
0xd2: {  	s19 =	rddreg [dreg:$0x8]  }
0xd3: {  	[hbm4b:s19+s16] =	stream.linear.scatter [tilespmem:s13], [sflag:$0x1], $0x10000, $0x38;
	[tilespmem:$0x10300] =	vst v63  }
0xd4: {  	s20 =	rddreg [dreg:$0x9]  }
0xd5: {  	[hbm4b:s20+s16] =	stream.linear.scatter [tilespmem:s13], [sflag:$0x1], $0x10000, $0x38;
	[tilespmem:$0x10300] =	vst v63  }
0xd6: {  	s18 =	rddreg [dreg:$0xa]  }
0xd7: {  	[hbm4b:s18+s16] =	stream.linear.scatter [tilespmem:s13], [sflag:$0x1], $0x10000, $0x38;
	[tilespmem:$0x10300] =	vst v63  }
0xd8: {  	s19 =	rddreg [dreg:$0xb]  }
0xd9: {  	[hbm4b:s19+s16] =	stream.linear.scatter [tilespmem:s13], [sflag:$0x1], $0x10000, $0x38;
	[tilespmem:$0x10300] =	vst v63  }
0xda: {  	s20 =	rddreg [dreg:$0xd]  }
0xdb: {  	[hbm4b:s20+s16] =	stream.linear.scatter [tilespmem:s13], [sflag:$0x1], $0x10000, $0x38;
	[tilespmem:$0x10300] =	vst v63  }
0xdc: {  	_ =	swait.ge [sflag:s14], $0x10000  }
0xdd: {  	[sflag:s14] =	ssyncset.done $0x0  }
0xde: {  	[sflag:s14] =	ssyncadd.s32 $0xFFFF0000  }
0xdf: {  	_ =	swait.ge [sflag:s14], $0x10000  }
0xe0: {  	[sflag:s14] =	ssyncset.done $0x0  }
0xe1: {  	[sflag:s14] =	ssyncadd.s32 $0xFFFF0000  }
0xe2: {  	_ =	swait.ge [sflag:s14], $0x10000  }
0xe3: {  	[sflag:s14] =	ssyncset.done $0x0  }
0xe4: {  	[sflag:s14] =	ssyncadd.s32 $0xFFFF0000  }
0xe5: {  	_ =	swait.ge [sflag:s14], $0x10000  }
0xe6: {  	[sflag:s14] =	ssyncset.done $0x0  }
0xe7: {  	[sflag:s14] =	ssyncadd.s32 $0xFFFF0000  }
0xe8: {  	_ =	swait.ge [sflag:s14], $0x10000  }
0xe9: {  	[sflag:s14] =	ssyncset.done $0x0  }
0xea: {  	[sflag:s14] =	ssyncadd.s32 $0xFFFF0000  }
0xeb: {  	_ =	swait.ge [sflag:s14], $0x10000  }
0xec: {  	v0 =	vmov s16;
	[sflag:s14] =	ssyncset.done $0x0  }
0xed: {  	v0 =	vadd.s32 $0x100, v0;
	[sflag:s14] =	ssyncadd.s32 $0xFFFF0000  }
0xee: {  	v0 =	vbroadcast v0, $0x0;
	_ =	swait.ge [sflag:s14], $0x10000  }
0xef: {  	[sflag:s14] =	ssyncset.done $0x0  }
0xf0: {  	[sflag:s14] =	ssyncadd.s32 $0xFFFF0000  }
0xf1: {  	_ =	swait.ge [sflag:s14], $0x10000  }
0xf2: {  	[sflag:s14] =	ssyncset.done $0x0  }
0xf3: {  	[sflag:s14] =	ssyncadd.s32 $0xFFFF0000  }
0xf4: {  	v0 =	vld.idx.msk [tilespmem:v0+s12+$0x0], $0xffff  }
0xf5: {  	v1 =	vld [tilespmem:$0x0];
	_ =	sdelay $0x4  }
0xf6: {  	s18 =	sand.u32 $0xF800, s16;
	s19 =	sand.u32 $0x380, s16;
	v1 =	vadd.f32 v1, v0  }
0xf7: {  	s17 =	sor.u32 s19, s18  }
0xf8: {  	[tilespmem:s17+$0x300] =	vst v1  }
0xf9: {  	v1 =	vld [tilespmem:$0x10];
	_ =	sdelay $0x4  }
0xfa: {  	v1 =	vadd.f32 v1, v0;
	_ =	sdelay $0x1  }
0xfb: {  	[tilespmem:s17+$0x310] =	vst v1  }
0xfc: {  	v1 =	vld [tilespmem:$0x20];
	_ =	sdelay $0x4  }
0xfd: {  	v1 =	vadd.f32 v1, v0;
	_ =	sdelay $0x1  }
0xfe: {  	[tilespmem:s17+$0x320] =	vst v1  }
0xff: {  	v1 =	vld [tilespmem:$0x30];
	_ =	sdelay $0x4  }
0x100: {  	v1 =	vadd.f32 v1, v0;
	_ =	sdelay $0x1  }
0x101: {  	[tilespmem:s17+$0x330] =	vst v1  }
0x102: {  	v1 =	vld [tilespmem:$0x40];
	_ =	sdelay $0x4  }
0x103: {  	v1 =	vadd.f32 v1, v0;
	_ =	sdelay $0x1  }
0x104: {  	[tilespmem:s17+$0x340] =	vst v1  }
0x105: {  	v1 =	vld [tilespmem:$0x50];
	_ =	sdelay $0x4  }
0x106: {  	v1 =	vadd.f32 v1, v0;
	_ =	sdelay $0x1  }
0x107: {  	[tilespmem:s17+$0x350] =	vst v1  }
0x108: {  	v1 =	vld [tilespmem:$0x60];
	_ =	sdelay $0x4  }
0x109: {  	v1 =	vadd.f32 v1, v0;
	_ =	sdelay $0x1  }
0x10a: {  	[tilespmem:s17+$0x360] =	vst v1  }
0x10b: {  	v1 =	vld [tilespmem:$0x70];
	_ =	sdelay $0x4  }
0x10c: {  	v1 =	vadd.f32 v1, v0;
	_ =	sdelay $0x1  }
0x10d: {  	[tilespmem:s17+$0x370] =	vst v1  }
0x10e: {  	v1 =	vld [tilespmem:$0x80];
	_ =	sdelay $0x4  }
0x10f: {  	v1 =	vadd.f32 v1, v0;
	_ =	sdelay $0x1  }
0x110: {  	[tilespmem:s17+$0x700] =	vst v1  }
0x111: {  	v1 =	vld [tilespmem:$0x90];
	_ =	sdelay $0x4  }
0x112: {  	v1 =	vadd.f32 v1, v0;
	_ =	sdelay $0x1  }
0x113: {  	[tilespmem:s17+$0x710] =	vst v1  }
0x114: {  	v1 =	vld [tilespmem:$0xA0];
	_ =	sdelay $0x4  }
0x115: {  	v1 =	vadd.f32 v1, v0;
	_ =	sdelay $0x1  }
0x116: {  	[tilespmem:s17+$0x720] =	vst v1  }
0x117: {  	v1 =	vld [tilespmem:$0xB0];
	_ =	sdelay $0x4  }
0x118: {  	v1 =	vadd.f32 v1, v0;
	_ =	sdelay $0x1  }
0x119: {  	[tilespmem:s17+$0x730] =	vst v1  }
0x11a: {  	v1 =	vld [tilespmem:$0xC0];
	_ =	sdelay $0x4  }
0x11b: {  	v1 =	vadd.f32 v1, v0;
	_ =	sdelay $0x1  }
0x11c: {  	[tilespmem:s17+$0x740] =	vst v1  }
0x11d: {  	v1 =	vld [tilespmem:$0xD0];
	_ =	sdelay $0x4  }
0x11e: {  	v1 =	vadd.f32 v1, v0;
	_ =	sdelay $0x1  }
0x11f: {  	[tilespmem:s17+$0x750] =	vst v1  }
0x120: {  	v1 =	vld [tilespmem:$0xE0];
	_ =	sdelay $0x4  }
0x121: {  	v1 =	vadd.f32 v1, v0;
	_ =	sdelay $0x1  }
0x122: {  	s20 =	simm.s32 $0x1;
	[tilespmem:s17+$0x760] =	vst v1  }
0x123: {  	s19 =	simm.s32 $0x2;
	s18 =	simm.s32 $0x0;
	v2 =	vmov s20;
	v1 =	vld [tilespmem:$0xF0]  }
.LBB2_4:
0x124: {  	p0 =	sne.s32 s19, $0xFF;
	v2 =	vadd.s32 $0x100, v2  }
0x125: {  	v2 =	vbroadcast v2, $0x0;
	_ =	sdelay $0x2  }
0x126: {  	v0 =	vadd.f32 v1, v0;
	_ =	sdelay $0x1  }
0x127: {  	[tilespmem:s17+$0x770] =	vst v0  }
0x128: {  	v0 =	vld.idx.msk [tilespmem:v2+s12+$0x0], $0xffff  }
0x129: {  	v1 =	vld [tilespmem:$0x0];
	_ =	sdelay $0x3  }
0x12a: {  	s16 =	sadd.s32 $0x80, s16;
	s18 =	sadd.s32 $0x100, s18  }
0x12b: {  	s20 =	sand.u32 $0x380, s16;
	s17 =	sand.u32 $0xF800, s18;
	v1 =	vadd.f32 v1, v0  }
0x12c: {  	s17 =	sor.u32 s20, s17  }
0x12d: {  	[tilespmem:s17+$0x300] =	vst v1  }
0x12e: {  	v1 =	vld [tilespmem:$0x10];
	_ =	sdelay $0x4  }
0x12f: {  	v1 =	vadd.f32 v1, v0;
	_ =	sdelay $0x1  }
0x130: {  	[tilespmem:s17+$0x310] =	vst v1  }
0x131: {  	v1 =	vld [tilespmem:$0x20];
	_ =	sdelay $0x4  }
0x132: {  	v1 =	vadd.f32 v1, v0;
	_ =	sdelay $0x1  }
0x133: {  	[tilespmem:s17+$0x320] =	vst v1  }
0x134: {  	v1 =	vld [tilespmem:$0x30];
	_ =	sdelay $0x4  }
0x135: {  	v1 =	vadd.f32 v1, v0;
	_ =	sdelay $0x1  }
0x136: {  	[tilespmem:s17+$0x330] =	vst v1  }
0x137: {  	v1 =	vld [tilespmem:$0x40];
	_ =	sdelay $0x4  }
0x138: {  	v1 =	vadd.f32 v1, v0;
	_ =	sdelay $0x1  }
0x139: {  	[tilespmem:s17+$0x340] =	vst v1  }
0x13a: {  	v1 =	vld [tilespmem:$0x50];
	_ =	sdelay $0x4  }
0x13b: {  	v1 =	vadd.f32 v1, v0;
	_ =	sdelay $0x1  }
0x13c: {  	[tilespmem:s17+$0x350] =	vst v1  }
0x13d: {  	v1 =	vld [tilespmem:$0x60];
	_ =	sdelay $0x4  }
0x13e: {  	v1 =	vadd.f32 v1, v0;
	_ =	sdelay $0x1  }
0x13f: {  	[tilespmem:s17+$0x360] =	vst v1  }
0x140: {  	v1 =	vld [tilespmem:$0x70];
	_ =	sdelay $0x4  }
0x141: {  	v1 =	vadd.f32 v1, v0;
	_ =	sdelay $0x1  }
0x142: {  	[tilespmem:s17+$0x370] =	vst v1  }
0x143: {  	v1 =	vld [tilespmem:$0x80];
	_ =	sdelay $0x4  }
0x144: {  	v1 =	vadd.f32 v1, v0;
	_ =	sdelay $0x1  }
0x145: {  	[tilespmem:s17+$0x700] =	vst v1  }
0x146: {  	v1 =	vld [tilespmem:$0x90];
	_ =	sdelay $0x4  }
0x147: {  	v1 =	vadd.f32 v1, v0;
	_ =	sdelay $0x1  }
0x148: {  	[tilespmem:s17+$0x710] =	vst v1  }
0x149: {  	v1 =	vld [tilespmem:$0xA0];
	_ =	sdelay $0x4  }
0x14a: {  	v1 =	vadd.f32 v1, v0;
	_ =	sdelay $0x1  }
0x14b: {  	[tilespmem:s17+$0x720] =	vst v1  }
0x14c: {  	v1 =	vld [tilespmem:$0xB0];
	_ =	sdelay $0x4  }
0x14d: {  	v1 =	vadd.f32 v1, v0;
	_ =	sdelay $0x1  }
0x14e: {  	[tilespmem:s17+$0x730] =	vst v1  }
0x14f: {  	v1 =	vld [tilespmem:$0xC0];
	_ =	sdelay $0x4  }
0x150: {  	v1 =	vadd.f32 v1, v0;
	_ =	sdelay $0x1  }
0x151: {  	[tilespmem:s17+$0x740] =	vst v1  }
0x152: {  	v1 =	vld [tilespmem:$0xD0];
	_ =	sdelay $0x4  }
0x153: {  	v1 =	vadd.f32 v1, v0;
	_ =	sdelay $0x1  }
0x154: {  	[tilespmem:s17+$0x750] =	vst v1  }
0x155: {  	v1 =	vld [tilespmem:$0xE0];
	_ =	sdelay $0x3  }
.Ltmp1:
0x156: {  	(pc) =	sbr.rel @p0 .LBB2_4-.Ltmp1, $3  }
0x157: {  	v1 =	vadd.f32 v1, v0;
	_ =	sdelay $0x1  }
0x158: {  	[tilespmem:s17+$0x760] =	vst v1  }
0x159: {  	v2 =	vmov s19;
	s19 =	sadd.s32 $0x1, s19;
	v1 =	vld [tilespmem:$0xF0]  }
0x15a: {  	v2 =	vadd.s32 $0x100, v2  }
0x15b: {  	v2 =	vbroadcast v2, $0x0;
	_ =	sdelay $0x2  }
0x15c: {  	v0 =	vadd.f32 v1, v0;
	_ =	sdelay $0x1  }
0x15d: {  	[tilespmem:s17+$0x770] =	vst v0  }
0x15e: {  	v0 =	vld.idx.msk [tilespmem:v2+s12+$0x0], $0xffff  }
0x15f: {  	v1 =	vld [tilespmem:$0x0];
	_ =	sdelay $0x3  }
0x160: {  	s16 =	sadd.s32 $0x80, s16;
	s20 =	sadd.s32 $0x100, s18  }
0x161: {  	s16 =	sand.u32 $0x380, s16;
	s17 =	sand.u32 $0xF800, s20;
	v1 =	vadd.f32 v1, v0  }
0x162: {  	s16 =	sor.u32 s16, s17  }
0x163: {  	[tilespmem:s16+$0x300] =	vst v1  }
0x164: {  	v1 =	vld [tilespmem:$0x10];
	_ =	sdelay $0x4  }
0x165: {  	v1 =	vadd.f32 v1, v0;
	_ =	sdelay $0x1  }
0x166: {  	[tilespmem:s16+$0x310] =	vst v1  }
0x167: {  	v1 =	vld [tilespmem:$0x20];
	_ =	sdelay $0x4  }
0x168: {  	v1 =	vadd.f32 v1, v0;
	_ =	sdelay $0x1  }
0x169: {  	[tilespmem:s16+$0x320] =	vst v1  }
0x16a: {  	v1 =	vld [tilespmem:$0x30];
	_ =	sdelay $0x4  }
0x16b: {  	v1 =	vadd.f32 v1, v0;
	_ =	sdelay $0x1  }
0x16c: {  	[tilespmem:s16+$0x330] =	vst v1  }
0x16d: {  	v1 =	vld [tilespmem:$0x40];
	_ =	sdelay $0x4  }
0x16e: {  	v1 =	vadd.f32 v1, v0;
	_ =	sdelay $0x1  }
0x16f: {  	[tilespmem:s16+$0x340] =	vst v1  }
0x170: {  	v1 =	vld [tilespmem:$0x50];
	_ =	sdelay $0x4  }
0x171: {  	v1 =	vadd.f32 v1, v0;
	_ =	sdelay $0x1  }
0x172: {  	[tilespmem:s16+$0x350] =	vst v1  }
0x173: {  	v1 =	vld [tilespmem:$0x60];
	_ =	sdelay $0x4  }
0x174: {  	v1 =	vadd.f32 v1, v0;
	_ =	sdelay $0x1  }
0x175: {  	[tilespmem:s16+$0x360] =	vst v1  }
0x176: {  	v1 =	vld [tilespmem:$0x70];
	_ =	sdelay $0x4  }
0x177: {  	v1 =	vadd.f32 v1, v0;
	_ =	sdelay $0x1  }
0x178: {  	[tilespmem:s16+$0x370] =	vst v1  }
0x179: {  	v1 =	vld [tilespmem:$0x80];
	_ =	sdelay $0x4  }
0x17a: {  	v1 =	vadd.f32 v1, v0;
	_ =	sdelay $0x1  }
0x17b: {  	[tilespmem:s16+$0x700] =	vst v1  }
0x17c: {  	v1 =	vld [tilespmem:$0x90];
	_ =	sdelay $0x4  }
0x17d: {  	v1 =	vadd.f32 v1, v0;
	_ =	sdelay $0x1  }
0x17e: {  	[tilespmem:s16+$0x710] =	vst v1  }
0x17f: {  	v1 =	vld [tilespmem:$0xA0];
	_ =	sdelay $0x4  }
0x180: {  	v1 =	vadd.f32 v1, v0;
	_ =	sdelay $0x1  }
0x181: {  	[tilespmem:s16+$0x720] =	vst v1  }
0x182: {  	v1 =	vld [tilespmem:$0xB0];
	_ =	sdelay $0x4  }
0x183: {  	v1 =	vadd.f32 v1, v0;
	_ =	sdelay $0x1  }
0x184: {  	[tilespmem:s16+$0x730] =	vst v1  }
0x185: {  	v1 =	vld [tilespmem:$0xC0];
	_ =	sdelay $0x4  }
0x186: {  	v1 =	vadd.f32 v1, v0;
	_ =	sdelay $0x1  }
0x187: {  	[tilespmem:s16+$0x740] =	vst v1  }
0x188: {  	v1 =	vld [tilespmem:$0xD0];
	_ =	sdelay $0x4  }
0x189: {  	v1 =	vadd.f32 v1, v0;
	_ =	sdelay $0x1  }
0x18a: {  	[tilespmem:s16+$0x750] =	vst v1  }
0x18b: {  	v1 =	vld [tilespmem:$0xE0];
	_ =	sdelay $0x4  }
0x18c: {  	v1 =	vadd.f32 v1, v0;
	_ =	sdelay $0x1  }
0x18d: {  	[tilespmem:s16+$0x760] =	vst v1  }
0x18e: {  	v1 =	vld [tilespmem:$0xF0];
	_ =	sdelay $0x4  }
0x18f: {  	v0 =	vadd.f32 v1, v0;
	_ =	sdelay $0x1  }
0x190: {  	s18 =	rddreg [dreg:$0xf];
	[tilespmem:s16+$0x770] =	vst v0;
	s16 =	simm.s32 $0x0  }
0x191: {  	[hbm4b:s18+s16] =	stream.linear.scatter [tilespmem:s13], [sflag:$0x1], $0x10000, $0x38;
	[tilespmem:$0x10300] =	vst v63  }
0x192: {  	s19 =	rddreg [dreg:$0x10]  }
0x193: {  	[hbm4b:s19+s16] =	stream.linear.scatter [tilespmem:s13], [sflag:$0x1], $0x10000, $0x38;
	[tilespmem:$0x10300] =	vst v63  }
0x194: {  	s20 =	rddreg [dreg:$0x11]  }
0x195: {  	[hbm4b:s20+s16] =	stream.linear.scatter [tilespmem:s13], [sflag:$0x1], $0x10000, $0x38;
	[tilespmem:$0x10300] =	vst v63  }
0x196: {  	s18 =	rddreg [dreg:$0x12]  }
0x197: {  	[hbm4b:s18+s16] =	stream.linear.scatter [tilespmem:s13], [sflag:$0x1], $0x10000, $0x38;
	[tilespmem:$0x10300] =	vst v63  }
0x198: {  	s19 =	rddreg [dreg:$0x13]  }
0x199: {  	[hbm4b:s19+s16] =	stream.linear.scatter [tilespmem:s13], [sflag:$0x1], $0x10000, $0x38;
	[tilespmem:$0x10300] =	vst v63  }
0x19a: {  	s20 =	rddreg [dreg:$0x14]  }
0x19b: {  	[hbm4b:s20+s16] =	stream.linear.scatter [tilespmem:s13], [sflag:$0x1], $0x10000, $0x38;
	[tilespmem:$0x10300] =	vst v63  }
0x19c: {  	s18 =	rddreg [dreg:$0x15]  }
0x19d: {  	[hbm4b:s18+s16] =	stream.linear.scatter [tilespmem:s13], [sflag:$0x1], $0x10000, $0x38;
	[tilespmem:$0x10300] =	vst v63  }
0x19e: {  	_ = 	snop  }
0x19f: {  	[hbm4b:s21+s16] =	stream.linear.scatter [tilespmem:s13], [sflag:$0x1], $0x10000, $0x38;
	[tilespmem:$0x10300] =	vst v63  }
0x1a0: {  	_ =	swait.ge [sflag:s14], $0x10000  }
0x1a1: {  	[sflag:s14] =	ssyncset.done $0x0  }
0x1a2: {  	[sflag:s14] =	ssyncadd.s32 $0xFFFF0000  }
0x1a3: {  	_ =	swait.ge [sflag:s14], $0x10000  }
0x1a4: {  	[sflag:s14] =	ssyncset.done $0x0  }
0x1a5: {  	[sflag:s14] =	ssyncadd.s32 $0xFFFF0000  }
0x1a6: {  	_ =	swait.ge [sflag:s14], $0x10000  }
0x1a7: {  	[sflag:s14] =	ssyncset.done $0x0  }
0x1a8: {  	[sflag:s14] =	ssyncadd.s32 $0xFFFF0000  }
0x1a9: {  	_ =	swait.ge [sflag:s14], $0x10000  }
0x1aa: {  	[sflag:s14] =	ssyncset.done $0x0  }
0x1ab: {  	[sflag:s14] =	ssyncadd.s32 $0xFFFF0000  }
0x1ac: {  	_ =	swait.ge [sflag:s14], $0x10000  }
0x1ad: {  	[sflag:s14] =	ssyncset.done $0x0  }
0x1ae: {  	[sflag:s14] =	ssyncadd.s32 $0xFFFF0000  }
0x1af: {  	_ =	swait.ge [sflag:s14], $0x10000  }
0x1b0: {  	[sflag:s14] =	ssyncset.done $0x0  }
0x1b1: {  	[sflag:s14] =	ssyncadd.s32 $0xFFFF0000  }
0x1b2: {  	_ =	swait.ge [sflag:s14], $0x10000  }
0x1b3: {  	[sflag:s14] =	ssyncset.done $0x0  }
0x1b4: {  	[sflag:s14] =	ssyncadd.s32 $0xFFFF0000  }
0x1b5: {  	_ =	swait.ge [sflag:s14], $0x10000  }
0x1b6: {  	[sflag:s14] =	ssyncset.done $0x0  }
0x1b7: {  	s19 =	rddreg [dreg:$0xc];
	[sflag:s14] =	ssyncadd.s32 $0xFFFF0000  }
0x1b8: {  	[tilespmem:s16], [sflag:$0x2] =	stream.strided.gather [hbm4b:s19+s9], $0x100, s10, s9, $0x38;
	[tilespmem:$0x10300] =	vst v63  }
0x1b9: {  	_ =	swait.ge [sflag:s11], $0x100  }
0x1ba: {  	[sflag:s11] =	ssyncset.done $0x0  }
0x1bb: {  	v0 =	vmov s16;
	s20 =	rddreg [dreg:$0xe];
	[sflag:s11] =	ssyncadd.s32 $0xFFFFFF00  }
0x1bc: {  	[tilespmem:s12], [sflag:$0x2] =	stream.strided.gather [hbm4b:s20+s9], $0x200, s10, s9, $0x38;
	[tilespmem:$0x10300] =	vst v63  }
0x1bd: {  	_ =	swait.ge [sflag:s11], $0x200  }
0x1be: {  	[sflag:s11] =	ssyncset.done $0x0  }
0x1bf: {  	[sflag:s11] =	ssyncadd.s32 $0xFFFFFE00  }
0x1c0: {  	v0 =	vld.idx.msk [tilespmem:v0+s12+$0x0], $0xffff  }
0x1c1: {  	v1 =	vld [tilespmem:$0x0];
	_ =	sdelay $0x4  }
0x1c2: {  	s18 =	sand.u32 $0xF800, s16;
	s19 =	sand.u32 $0x380, s16;
	v1 =	vadd.f32 v1, v0  }
0x1c3: {  	s17 =	sor.u32 s19, s18  }
0x1c4: {  	[tilespmem:s17+$0x300] =	vst v1  }
0x1c5: {  	v1 =	vld [tilespmem:$0x10];
	_ =	sdelay $0x4  }
0x1c6: {  	v1 =	vadd.f32 v1, v0;
	_ =	sdelay $0x1  }
0x1c7: {  	[tilespmem:s17+$0x310] =	vst v1  }
0x1c8: {  	v1 =	vld [tilespmem:$0x20];
	_ =	sdelay $0x4  }
0x1c9: {  	v1 =	vadd.f32 v1, v0;
	_ =	sdelay $0x1  }
0x1ca: {  	[tilespmem:s17+$0x320] =	vst v1  }
0x1cb: {  	v1 =	vld [tilespmem:$0x30];
	_ =	sdelay $0x4  }
0x1cc: {  	v1 =	vadd.f32 v1, v0;
	_ =	sdelay $0x1  }
0x1cd: {  	[tilespmem:s17+$0x330] =	vst v1  }
0x1ce: {  	v1 =	vld [tilespmem:$0x40];
	_ =	sdelay $0x4  }
0x1cf: {  	v1 =	vadd.f32 v1, v0;
	_ =	sdelay $0x1  }
0x1d0: {  	[tilespmem:s17+$0x340] =	vst v1  }
0x1d1: {  	v1 =	vld [tilespmem:$0x50];
	_ =	sdelay $0x4  }
0x1d2: {  	v1 =	vadd.f32 v1, v0;
	_ =	sdelay $0x1  }
0x1d3: {  	[tilespmem:s17+$0x350] =	vst v1  }
0x1d4: {  	v1 =	vld [tilespmem:$0x60];
	_ =	sdelay $0x4  }
0x1d5: {  	v1 =	vadd.f32 v1, v0;
	_ =	sdelay $0x1  }
0x1d6: {  	[tilespmem:s17+$0x360] =	vst v1  }
0x1d7: {  	v1 =	vld [tilespmem:$0x70];
	_ =	sdelay $0x4  }
0x1d8: {  	v1 =	vadd.f32 v1, v0;
	_ =	sdelay $0x1  }
0x1d9: {  	[tilespmem:s17+$0x370] =	vst v1  }
0x1da: {  	v1 =	vld [tilespmem:$0x80];
	_ =	sdelay $0x4  }
0x1db: {  	v1 =	vadd.f32 v1, v0;
	_ =	sdelay $0x1  }
0x1dc: {  	[tilespmem:s17+$0x700] =	vst v1  }
0x1dd: {  	v1 =	vld [tilespmem:$0x90];
	_ =	sdelay $0x4  }
0x1de: {  	v1 =	vadd.f32 v1, v0;
	_ =	sdelay $0x1  }
0x1df: {  	[tilespmem:s17+$0x710] =	vst v1  }
0x1e0: {  	v1 =	vld [tilespmem:$0xA0];
	_ =	sdelay $0x4  }
0x1e1: {  	v1 =	vadd.f32 v1, v0;
	_ =	sdelay $0x1  }
0x1e2: {  	[tilespmem:s17+$0x720] =	vst v1  }
0x1e3: {  	v1 =	vld [tilespmem:$0xB0];
	_ =	sdelay $0x4  }
0x1e4: {  	v1 =	vadd.f32 v1, v0;
	_ =	sdelay $0x1  }
0x1e5: {  	[tilespmem:s17+$0x730] =	vst v1  }
0x1e6: {  	v1 =	vld [tilespmem:$0xC0];
	_ =	sdelay $0x4  }
0x1e7: {  	v1 =	vadd.f32 v1, v0;
	_ =	sdelay $0x1  }
0x1e8: {  	[tilespmem:s17+$0x740] =	vst v1  }
0x1e9: {  	v1 =	vld [tilespmem:$0xD0];
	_ =	sdelay $0x4  }
0x1ea: {  	v1 =	vadd.f32 v1, v0;
	_ =	sdelay $0x1  }
0x1eb: {  	[tilespmem:s17+$0x750] =	vst v1  }
0x1ec: {  	v1 =	vld [tilespmem:$0xE0];
	_ =	sdelay $0x4  }
0x1ed: {  	v1 =	vadd.f32 v1, v0;
	_ =	sdelay $0x1  }
0x1ee: {  	[tilespmem:s17+$0x760] =	vst v1  }
0x1ef: {  	v2 =	vld [tilespmem:$0xF0];
	_ =	sdelay $0x1  }
0x1f0: {  	s20 =	simm.s32 $0x1  }
0x1f1: {  	s19 =	simm.s32 $0x2;
	s18 =	simm.s32 $0x0;
	v1 =	vmov s20  }
.LBB2_6:
0x1f2: {  	p0 =	sne.s32 s19, $0xFF  }
0x1f3: {  	v0 =	vadd.f32 v2, v0;
	_ =	sdelay $0x1  }
0x1f4: {  	[tilespmem:s17+$0x770] =	vst v0  }
0x1f5: {  	v0 =	vld.idx.msk [tilespmem:v1+s12+$0x0], $0xffff  }
0x1f6: {  	v1 =	vld [tilespmem:$0x0];
	_ =	sdelay $0x3  }
0x1f7: {  	s16 =	sadd.s32 $0x80, s16;
	s18 =	sadd.s32 $0x100, s18  }
0x1f8: {  	s20 =	sand.u32 $0x380, s16;
	s17 =	sand.u32 $0xF800, s18;
	v1 =	vadd.f32 v1, v0  }
0x1f9: {  	s17 =	sor.u32 s20, s17  }
0x1fa: {  	[tilespmem:s17+$0x300] =	vst v1  }
0x1fb: {  	v1 =	vld [tilespmem:$0x10];
	_ =	sdelay $0x4  }
0x1fc: {  	v1 =	vadd.f32 v1, v0;
	_ =	sdelay $0x1  }
0x1fd: {  	[tilespmem:s17+$0x310] =	vst v1  }
0x1fe: {  	v1 =	vld [tilespmem:$0x20];
	_ =	sdelay $0x4  }
0x1ff: {  	v1 =	vadd.f32 v1, v0;
	_ =	sdelay $0x1  }
0x200: {  	[tilespmem:s17+$0x320] =	vst v1  }
0x201: {  	v1 =	vld [tilespmem:$0x30];
	_ =	sdelay $0x4  }
0x202: {  	v1 =	vadd.f32 v1, v0;
	_ =	sdelay $0x1  }
0x203: {  	[tilespmem:s17+$0x330] =	vst v1  }
0x204: {  	v1 =	vld [tilespmem:$0x40];
	_ =	sdelay $0x4  }
0x205: {  	v1 =	vadd.f32 v1, v0;
	_ =	sdelay $0x1  }
0x206: {  	[tilespmem:s17+$0x340] =	vst v1  }
0x207: {  	v1 =	vld [tilespmem:$0x50];
	_ =	sdelay $0x4  }
0x208: {  	v1 =	vadd.f32 v1, v0;
	_ =	sdelay $0x1  }
0x209: {  	[tilespmem:s17+$0x350] =	vst v1  }
0x20a: {  	v1 =	vld [tilespmem:$0x60];
	_ =	sdelay $0x4  }
0x20b: {  	v1 =	vadd.f32 v1, v0;
	_ =	sdelay $0x1  }
0x20c: {  	[tilespmem:s17+$0x360] =	vst v1  }
0x20d: {  	v1 =	vld [tilespmem:$0x70];
	_ =	sdelay $0x4  }
0x20e: {  	v1 =	vadd.f32 v1, v0;
	_ =	sdelay $0x1  }
0x20f: {  	[tilespmem:s17+$0x370] =	vst v1  }
0x210: {  	v1 =	vld [tilespmem:$0x80];
	_ =	sdelay $0x4  }
0x211: {  	v1 =	vadd.f32 v1, v0;
	_ =	sdelay $0x1  }
0x212: {  	[tilespmem:s17+$0x700] =	vst v1  }
0x213: {  	v1 =	vld [tilespmem:$0x90];
	_ =	sdelay $0x4  }
0x214: {  	v1 =	vadd.f32 v1, v0;
	_ =	sdelay $0x1  }
0x215: {  	[tilespmem:s17+$0x710] =	vst v1  }
0x216: {  	v1 =	vld [tilespmem:$0xA0];
	_ =	sdelay $0x4  }
0x217: {  	v1 =	vadd.f32 v1, v0;
	_ =	sdelay $0x1  }
0x218: {  	[tilespmem:s17+$0x720] =	vst v1  }
0x219: {  	v1 =	vld [tilespmem:$0xB0];
	_ =	sdelay $0x4  }
0x21a: {  	v1 =	vadd.f32 v1, v0;
	_ =	sdelay $0x1  }
0x21b: {  	[tilespmem:s17+$0x730] =	vst v1  }
0x21c: {  	v1 =	vld [tilespmem:$0xC0];
	_ =	sdelay $0x4  }
0x21d: {  	v1 =	vadd.f32 v1, v0;
	_ =	sdelay $0x1  }
0x21e: {  	[tilespmem:s17+$0x740] =	vst v1  }
0x21f: {  	v1 =	vld [tilespmem:$0xD0];
	_ =	sdelay $0x4  }
0x220: {  	v1 =	vadd.f32 v1, v0;
	_ =	sdelay $0x1  }
0x221: {  	[tilespmem:s17+$0x750] =	vst v1  }
0x222: {  	v1 =	vld [tilespmem:$0xE0];
	_ =	sdelay $0x4  }
0x223: {  	v1 =	vadd.f32 v1, v0;
	_ =	sdelay $0x1  }
.Ltmp2:
0x224: {  	[tilespmem:s17+$0x760] =	vst v1;
	(pc) =	sbr.rel @p0 .LBB2_6-.Ltmp2, $2  }
0x225: {  	v2 =	vld [tilespmem:$0xF0];
	_ =	sdelay $0x2  }
0x226: {  	v1 =	vmov s19;
	s19 =	sadd.s32 $0x1, s19  }
0x227: {  	_ = 	snop  }
0x228: {  	v0 =	vadd.f32 v2, v0;
	_ =	sdelay $0x1  }
0x229: {  	[tilespmem:s17+$0x770] =	vst v0  }
0x22a: {  	v0 =	vld.idx.msk [tilespmem:v1+s12+$0x0], $0xffff  }
0x22b: {  	v1 =	vld [tilespmem:$0x0];
	_ =	sdelay $0x3  }
0x22c: {  	s16 =	sadd.s32 $0x80, s16;
	s20 =	sadd.s32 $0x100, s18  }
0x22d: {  	s16 =	sand.u32 $0x380, s16;
	s17 =	sand.u32 $0xF800, s20;
	v1 =	vadd.f32 v1, v0  }
0x22e: {  	s16 =	sor.u32 s16, s17  }
0x22f: {  	[tilespmem:s16+$0x300] =	vst v1  }
0x230: {  	v1 =	vld [tilespmem:$0x10];
	_ =	sdelay $0x4  }
0x231: {  	v1 =	vadd.f32 v1, v0;
	_ =	sdelay $0x1  }
0x232: {  	[tilespmem:s16+$0x310] =	vst v1  }
0x233: {  	v1 =	vld [tilespmem:$0x20];
	_ =	sdelay $0x4  }
0x234: {  	v1 =	vadd.f32 v1, v0;
	_ =	sdelay $0x1  }
0x235: {  	[tilespmem:s16+$0x320] =	vst v1  }
0x236: {  	v1 =	vld [tilespmem:$0x30];
	_ =	sdelay $0x4  }
0x237: {  	v1 =	vadd.f32 v1, v0;
	_ =	sdelay $0x1  }
0x238: {  	[tilespmem:s16+$0x330] =	vst v1  }
0x239: {  	v1 =	vld [tilespmem:$0x40];
	_ =	sdelay $0x4  }
0x23a: {  	v1 =	vadd.f32 v1, v0;
	_ =	sdelay $0x1  }
0x23b: {  	[tilespmem:s16+$0x340] =	vst v1  }
0x23c: {  	v1 =	vld [tilespmem:$0x50];
	_ =	sdelay $0x4  }
0x23d: {  	v1 =	vadd.f32 v1, v0;
	_ =	sdelay $0x1  }
0x23e: {  	[tilespmem:s16+$0x350] =	vst v1  }
0x23f: {  	v1 =	vld [tilespmem:$0x60];
	_ =	sdelay $0x4  }
0x240: {  	v1 =	vadd.f32 v1, v0;
	_ =	sdelay $0x1  }
0x241: {  	[tilespmem:s16+$0x360] =	vst v1  }
0x242: {  	v1 =	vld [tilespmem:$0x70];
	_ =	sdelay $0x4  }
0x243: {  	v1 =	vadd.f32 v1, v0;
	_ =	sdelay $0x1  }
0x244: {  	[tilespmem:s16+$0x370] =	vst v1  }
0x245: {  	v1 =	vld [tilespmem:$0x80];
	_ =	sdelay $0x4  }
0x246: {  	v1 =	vadd.f32 v1, v0;
	_ =	sdelay $0x1  }
0x247: {  	[tilespmem:s16+$0x700] =	vst v1  }
0x248: {  	v1 =	vld [tilespmem:$0x90];
	_ =	sdelay $0x4  }
0x249: {  	v1 =	vadd.f32 v1, v0;
	_ =	sdelay $0x1  }
0x24a: {  	[tilespmem:s16+$0x710] =	vst v1  }
0x24b: {  	v1 =	vld [tilespmem:$0xA0];
	_ =	sdelay $0x4  }
0x24c: {  	v1 =	vadd.f32 v1, v0;
	_ =	sdelay $0x1  }
0x24d: {  	[tilespmem:s16+$0x720] =	vst v1  }
0x24e: {  	v1 =	vld [tilespmem:$0xB0];
	_ =	sdelay $0x4  }
0x24f: {  	v1 =	vadd.f32 v1, v0;
	_ =	sdelay $0x1  }
0x250: {  	[tilespmem:s16+$0x730] =	vst v1  }
0x251: {  	v1 =	vld [tilespmem:$0xC0];
	_ =	sdelay $0x4  }
0x252: {  	v1 =	vadd.f32 v1, v0;
	_ =	sdelay $0x1  }
0x253: {  	[tilespmem:s16+$0x740] =	vst v1  }
0x254: {  	v1 =	vld [tilespmem:$0xD0];
	_ =	sdelay $0x4  }
0x255: {  	v1 =	vadd.f32 v1, v0;
	_ =	sdelay $0x1  }
0x256: {  	[tilespmem:s16+$0x750] =	vst v1  }
0x257: {  	v1 =	vld [tilespmem:$0xE0];
	_ =	sdelay $0x4  }
0x258: {  	v1 =	vadd.f32 v1, v0;
	_ =	sdelay $0x1  }
0x259: {  	[tilespmem:s16+$0x760] =	vst v1  }
0x25a: {  	v1 =	vld [tilespmem:$0xF0];
	_ =	sdelay $0x4  }
0x25b: {  	v0 =	vadd.f32 v1, v0;
	_ =	sdelay $0x1  }
0x25c: {  	[tilespmem:s16+$0x770] =	vst v0;
	s16 =	simm.s32 $0x0  }
0x25d: {  	[hbm4b:s22+s16] =	stream.linear.scatter [tilespmem:s13], [sflag:$0x1], $0x10000, $0x38;
	[tilespmem:$0x10300] =	vst v63  }
0x25e: {  	_ = 	snop  }
0x25f: {  	[hbm4b:s23+s16] =	stream.linear.scatter [tilespmem:s13], [sflag:$0x1], $0x10000, $0x38;
	[tilespmem:$0x10300] =	vst v63  }
0x260: {  	_ = 	snop  }
0x261: {  	[hbm4b:s24+s16] =	stream.linear.scatter [tilespmem:s13], [sflag:$0x1], $0x10000, $0x38;
	[tilespmem:$0x10300] =	vst v63  }
0x262: {  	_ = 	snop  }
0x263: {  	[hbm4b:s25+s16] =	stream.linear.scatter [tilespmem:s13], [sflag:$0x1], $0x10000, $0x38;
	[tilespmem:$0x10300] =	vst v63  }
0x264: {  	_ = 	snop  }
0x265: {  	[hbm4b:s26+s16] =	stream.linear.scatter [tilespmem:s13], [sflag:$0x1], $0x10000, $0x38;
	[tilespmem:$0x10300] =	vst v63  }
0x266: {  	_ = 	snop  }
0x267: {  	[hbm4b:s28+s16] =	stream.linear.scatter [tilespmem:s13], [sflag:$0x1], $0x10000, $0x38;
	[tilespmem:$0x10300] =	vst v63  }
0x268: {  	_ = 	snop  }
0x269: {  	[hbm4b:s29+s16] =	stream.linear.scatter [tilespmem:s13], [sflag:$0x1], $0x10000, $0x38;
	[tilespmem:$0x10300] =	vst v63  }
0x26a: {  	_ = 	snop  }
0x26b: {  	[hbm4b:s30+s16] =	stream.linear.scatter [tilespmem:s13], [sflag:$0x1], $0x10000, $0x38;
	[tilespmem:$0x10300] =	vst v63  }
0x26c: {  	_ =	swait.ge [sflag:s14], $0x10000  }
0x26d: {  	[sflag:s14] =	ssyncset.done $0x0  }
0x26e: {  	[sflag:s14] =	ssyncadd.s32 $0xFFFF0000  }
0x26f: {  	_ =	swait.ge [sflag:s14], $0x10000  }
0x270: {  	[sflag:s14] =	ssyncset.done $0x0  }
0x271: {  	[sflag:s14] =	ssyncadd.s32 $0xFFFF0000  }
0x272: {  	_ =	swait.ge [sflag:s14], $0x10000  }
0x273: {  	[sflag:s14] =	ssyncset.done $0x0  }
0x274: {  	[sflag:s14] =	ssyncadd.s32 $0xFFFF0000  }
0x275: {  	_ =	swait.ge [sflag:s14], $0x10000  }
0x276: {  	[sflag:s14] =	ssyncset.done $0x0  }
0x277: {  	[sflag:s14] =	ssyncadd.s32 $0xFFFF0000  }
0x278: {  	_ =	swait.ge [sflag:s14], $0x10000  }
0x279: {  	[sflag:s14] =	ssyncset.done $0x0  }
0x27a: {  	[sflag:s14] =	ssyncadd.s32 $0xFFFF0000  }
0x27b: {  	_ =	swait.ge [sflag:s14], $0x10000  }
0x27c: {  	v0 =	vmov s16;
	[sflag:s14] =	ssyncset.done $0x0  }
0x27d: {  	v0 =	vadd.s32 $0x100, v0;
	[sflag:s14] =	ssyncadd.s32 $0xFFFF0000  }
0x27e: {  	v0 =	vbroadcast v0, $0x0;
	_ =	swait.ge [sflag:s14], $0x10000  }
0x27f: {  	[sflag:s14] =	ssyncset.done $0x0  }
0x280: {  	[sflag:s14] =	ssyncadd.s32 $0xFFFF0000  }
0x281: {  	_ =	swait.ge [sflag:s14], $0x10000  }
0x282: {  	[sflag:s14] =	ssyncset.done $0x0  }
0x283: {  	[sflag:s14] =	ssyncadd.s32 $0xFFFF0000  }
0x284: {  	v0 =	vld.idx.msk [tilespmem:v0+s12+$0x0], $0xffff  }
0x285: {  	v1 =	vld [tilespmem:$0x0];
	_ =	sdelay $0x4  }
0x286: {  	s18 =	sand.u32 $0xF800, s16;
	s19 =	sand.u32 $0x380, s16;
	v1 =	vadd.f32 v1, v0  }
0x287: {  	s17 =	sor.u32 s19, s18  }
0x288: {  	[tilespmem:s17+$0x300] =	vst v1  }
0x289: {  	v1 =	vld [tilespmem:$0x10];
	_ =	sdelay $0x4  }
0x28a: {  	v1 =	vadd.f32 v1, v0;
	_ =	sdelay $0x1  }
0x28b: {  	[tilespmem:s17+$0x310] =	vst v1  }
0x28c: {  	v1 =	vld [tilespmem:$0x20];
	_ =	sdelay $0x4  }
0x28d: {  	v1 =	vadd.f32 v1, v0;
	_ =	sdelay $0x1  }
0x28e: {  	[tilespmem:s17+$0x320] =	vst v1  }
0x28f: {  	v1 =	vld [tilespmem:$0x30];
	_ =	sdelay $0x4  }
0x290: {  	v1 =	vadd.f32 v1, v0;
	_ =	sdelay $0x1  }
0x291: {  	[tilespmem:s17+$0x330] =	vst v1  }
0x292: {  	v1 =	vld [tilespmem:$0x40];
	_ =	sdelay $0x4  }
0x293: {  	v1 =	vadd.f32 v1, v0;
	_ =	sdelay $0x1  }
0x294: {  	[tilespmem:s17+$0x340] =	vst v1  }
0x295: {  	v1 =	vld [tilespmem:$0x50];
	_ =	sdelay $0x4  }
0x296: {  	v1 =	vadd.f32 v1, v0;
	_ =	sdelay $0x1  }
0x297: {  	[tilespmem:s17+$0x350] =	vst v1  }
0x298: {  	v1 =	vld [tilespmem:$0x60];
	_ =	sdelay $0x4  }
0x299: {  	v1 =	vadd.f32 v1, v0;
	_ =	sdelay $0x1  }
0x29a: {  	[tilespmem:s17+$0x360] =	vst v1  }
0x29b: {  	v1 =	vld [tilespmem:$0x70];
	_ =	sdelay $0x4  }
0x29c: {  	v1 =	vadd.f32 v1, v0;
	_ =	sdelay $0x1  }
0x29d: {  	[tilespmem:s17+$0x370] =	vst v1  }
0x29e: {  	v1 =	vld [tilespmem:$0x80];
	_ =	sdelay $0x4  }
0x29f: {  	v1 =	vadd.f32 v1, v0;
	_ =	sdelay $0x1  }
0x2a0: {  	[tilespmem:s17+$0x700] =	vst v1  }
0x2a1: {  	v1 =	vld [tilespmem:$0x90];
	_ =	sdelay $0x4  }
0x2a2: {  	v1 =	vadd.f32 v1, v0;
	_ =	sdelay $0x1  }
0x2a3: {  	[tilespmem:s17+$0x710] =	vst v1  }
0x2a4: {  	v1 =	vld [tilespmem:$0xA0];
	_ =	sdelay $0x4  }
0x2a5: {  	v1 =	vadd.f32 v1, v0;
	_ =	sdelay $0x1  }
0x2a6: {  	[tilespmem:s17+$0x720] =	vst v1  }
0x2a7: {  	v1 =	vld [tilespmem:$0xB0];
	_ =	sdelay $0x4  }
0x2a8: {  	v1 =	vadd.f32 v1, v0;
	_ =	sdelay $0x1  }
0x2a9: {  	[tilespmem:s17+$0x730] =	vst v1  }
0x2aa: {  	v1 =	vld [tilespmem:$0xC0];
	_ =	sdelay $0x4  }
0x2ab: {  	v1 =	vadd.f32 v1, v0;
	_ =	sdelay $0x1  }
0x2ac: {  	[tilespmem:s17+$0x740] =	vst v1  }
0x2ad: {  	v1 =	vld [tilespmem:$0xD0];
	_ =	sdelay $0x4  }
0x2ae: {  	v1 =	vadd.f32 v1, v0;
	_ =	sdelay $0x1  }
0x2af: {  	[tilespmem:s17+$0x750] =	vst v1  }
0x2b0: {  	v1 =	vld [tilespmem:$0xE0];
	_ =	sdelay $0x4  }
0x2b1: {  	v1 =	vadd.f32 v1, v0;
	_ =	sdelay $0x1  }
0x2b2: {  	s20 =	simm.s32 $0x1;
	[tilespmem:s17+$0x760] =	vst v1  }
0x2b3: {  	v2 =	vmov s20;
	s19 =	simm.s32 $0x2;
	s18 =	simm.s32 $0x0;
	v1 =	vld [tilespmem:$0xF0]  }
.LBB2_8:
0x2b4: {  	p0 =	sne.s32 s19, $0xFF;
	v2 =	vadd.s32 $0x100, v2  }
0x2b5: {  	v2 =	vbroadcast v2, $0x0;
	_ =	sdelay $0x2  }
0x2b6: {  	v0 =	vadd.f32 v1, v0;
	_ =	sdelay $0x1  }
0x2b7: {  	[tilespmem:s17+$0x770] =	vst v0  }
0x2b8: {  	v0 =	vld.idx.msk [tilespmem:v2+s12+$0x0], $0xffff  }
0x2b9: {  	v1 =	vld [tilespmem:$0x0];
	_ =	sdelay $0x3  }
0x2ba: {  	s16 =	sadd.s32 $0x80, s16;
	s18 =	sadd.s32 $0x100, s18  }
0x2bb: {  	s20 =	sand.u32 $0x380, s16;
	s17 =	sand.u32 $0xF800, s18;
	v1 =	vadd.f32 v1, v0  }
0x2bc: {  	s17 =	sor.u32 s20, s17  }
0x2bd: {  	[tilespmem:s17+$0x300] =	vst v1  }
0x2be: {  	v1 =	vld [tilespmem:$0x10];
	_ =	sdelay $0x4  }
0x2bf: {  	v1 =	vadd.f32 v1, v0;
	_ =	sdelay $0x1  }
0x2c0: {  	[tilespmem:s17+$0x310] =	vst v1  }
0x2c1: {  	v1 =	vld [tilespmem:$0x20];
	_ =	sdelay $0x4  }
0x2c2: {  	v1 =	vadd.f32 v1, v0;
	_ =	sdelay $0x1  }
0x2c3: {  	[tilespmem:s17+$0x320] =	vst v1  }
0x2c4: {  	v1 =	vld [tilespmem:$0x30];
	_ =	sdelay $0x4  }
0x2c5: {  	v1 =	vadd.f32 v1, v0;
	_ =	sdelay $0x1  }
0x2c6: {  	[tilespmem:s17+$0x330] =	vst v1  }
0x2c7: {  	v1 =	vld [tilespmem:$0x40];
	_ =	sdelay $0x4  }
0x2c8: {  	v1 =	vadd.f32 v1, v0;
	_ =	sdelay $0x1  }
0x2c9: {  	[tilespmem:s17+$0x340] =	vst v1  }
0x2ca: {  	v1 =	vld [tilespmem:$0x50];
	_ =	sdelay $0x4  }
0x2cb: {  	v1 =	vadd.f32 v1, v0;
	_ =	sdelay $0x1  }
0x2cc: {  	[tilespmem:s17+$0x350] =	vst v1  }
0x2cd: {  	v1 =	vld [tilespmem:$0x60];
	_ =	sdelay $0x4  }
0x2ce: {  	v1 =	vadd.f32 v1, v0;
	_ =	sdelay $0x1  }
0x2cf: {  	[tilespmem:s17+$0x360] =	vst v1  }
0x2d0: {  	v1 =	vld [tilespmem:$0x70];
	_ =	sdelay $0x4  }
0x2d1: {  	v1 =	vadd.f32 v1, v0;
	_ =	sdelay $0x1  }
0x2d2: {  	[tilespmem:s17+$0x370] =	vst v1  }
0x2d3: {  	v1 =	vld [tilespmem:$0x80];
	_ =	sdelay $0x4  }
0x2d4: {  	v1 =	vadd.f32 v1, v0;
	_ =	sdelay $0x1  }
0x2d5: {  	[tilespmem:s17+$0x700] =	vst v1  }
0x2d6: {  	v1 =	vld [tilespmem:$0x90];
	_ =	sdelay $0x4  }
0x2d7: {  	v1 =	vadd.f32 v1, v0;
	_ =	sdelay $0x1  }
0x2d8: {  	[tilespmem:s17+$0x710] =	vst v1  }
0x2d9: {  	v1 =	vld [tilespmem:$0xA0];
	_ =	sdelay $0x4  }
0x2da: {  	v1 =	vadd.f32 v1, v0;
	_ =	sdelay $0x1  }
0x2db: {  	[tilespmem:s17+$0x720] =	vst v1  }
0x2dc: {  	v1 =	vld [tilespmem:$0xB0];
	_ =	sdelay $0x4  }
0x2dd: {  	v1 =	vadd.f32 v1, v0;
	_ =	sdelay $0x1  }
0x2de: {  	[tilespmem:s17+$0x730] =	vst v1  }
0x2df: {  	v1 =	vld [tilespmem:$0xC0];
	_ =	sdelay $0x4  }
0x2e0: {  	v1 =	vadd.f32 v1, v0;
	_ =	sdelay $0x1  }
0x2e1: {  	[tilespmem:s17+$0x740] =	vst v1  }
0x2e2: {  	v1 =	vld [tilespmem:$0xD0];
	_ =	sdelay $0x4  }
0x2e3: {  	v1 =	vadd.f32 v1, v0;
	_ =	sdelay $0x1  }
0x2e4: {  	[tilespmem:s17+$0x750] =	vst v1  }
0x2e5: {  	v1 =	vld [tilespmem:$0xE0];
	_ =	sdelay $0x3  }
.Ltmp3:
0x2e6: {  	(pc) =	sbr.rel @p0 .LBB2_8-.Ltmp3, $3  }
0x2e7: {  	v1 =	vadd.f32 v1, v0;
	_ =	sdelay $0x1  }
0x2e8: {  	[tilespmem:s17+$0x760] =	vst v1  }
0x2e9: {  	v2 =	vmov s19;
	s19 =	sadd.s32 $0x1, s19;
	v1 =	vld [tilespmem:$0xF0]  }
0x2ea: {  	v2 =	vadd.s32 $0x100, v2  }
0x2eb: {  	v2 =	vbroadcast v2, $0x0;
	_ =	sdelay $0x2  }
0x2ec: {  	v0 =	vadd.f32 v1, v0;
	_ =	sdelay $0x1  }
0x2ed: {  	[tilespmem:s17+$0x770] =	vst v0  }
0x2ee: {  	v0 =	vld.idx.msk [tilespmem:v2+s12+$0x0], $0xffff  }
0x2ef: {  	v63 =	vld [tilespmem:$0x0];
	_ =	sdelay $0x3  }
0x2f0: {  	s16 =	sadd.s32 $0x80, s16;
	s20 =	sadd.s32 $0x100, s18  }
0x2f1: {  	s16 =	sand.u32 $0x380, s16;
	s17 =	sand.u32 $0xF800, s20;
	v1 =	vadd.f32 v63, v0  }
0x2f2: {  	s16 =	sor.u32 s16, s17  }
0x2f3: {  	[tilespmem:s16+$0x300] =	vst v1  }
0x2f4: {  	v1 =	vld [tilespmem:$0x10];
	_ =	sdelay $0x4  }
0x2f5: {  	v1 =	vadd.f32 v1, v0;
	_ =	sdelay $0x1  }
0x2f6: {  	[tilespmem:s16+$0x310] =	vst v1  }
0x2f7: {  	v1 =	vld [tilespmem:$0x20];
	_ =	sdelay $0x4  }
0x2f8: {  	v1 =	vadd.f32 v1, v0;
	_ =	sdelay $0x1  }
0x2f9: {  	[tilespmem:s16+$0x320] =	vst v1  }
0x2fa: {  	v1 =	vld [tilespmem:$0x30];
	_ =	sdelay $0x4  }
0x2fb: {  	v1 =	vadd.f32 v1, v0;
	_ =	sdelay $0x1  }
0x2fc: {  	[tilespmem:s16+$0x330] =	vst v1  }
0x2fd: {  	v1 =	vld [tilespmem:$0x40];
	_ =	sdelay $0x4  }
0x2fe: {  	v1 =	vadd.f32 v1, v0;
	_ =	sdelay $0x1  }
0x2ff: {  	[tilespmem:s16+$0x340] =	vst v1  }
0x300: {  	v1 =	vld [tilespmem:$0x50];
	_ =	sdelay $0x4  }
0x301: {  	v1 =	vadd.f32 v1, v0;
	_ =	sdelay $0x1  }
0x302: {  	[tilespmem:s16+$0x350] =	vst v1  }
0x303: {  	v1 =	vld [tilespmem:$0x60];
	_ =	sdelay $0x4  }
0x304: {  	v1 =	vadd.f32 v1, v0;
	_ =	sdelay $0x1  }
0x305: {  	[tilespmem:s16+$0x360] =	vst v1  }
0x306: {  	v1 =	vld [tilespmem:$0x70];
	_ =	sdelay $0x4  }
0x307: {  	v1 =	vadd.f32 v1, v0;
	_ =	sdelay $0x1  }
0x308: {  	[tilespmem:s16+$0x370] =	vst v1  }
0x309: {  	v1 =	vld [tilespmem:$0x80];
	_ =	sdelay $0x4  }
0x30a: {  	v1 =	vadd.f32 v1, v0;
	_ =	sdelay $0x1  }
0x30b: {  	[tilespmem:s16+$0x700] =	vst v1  }
0x30c: {  	v1 =	vld [tilespmem:$0x90];
	_ =	sdelay $0x4  }
0x30d: {  	v1 =	vadd.f32 v1, v0;
	_ =	sdelay $0x1  }
0x30e: {  	[tilespmem:s16+$0x710] =	vst v1  }
0x30f: {  	v1 =	vld [tilespmem:$0xA0];
	_ =	sdelay $0x4  }
0x310: {  	v1 =	vadd.f32 v1, v0;
	_ =	sdelay $0x1  }
0x311: {  	[tilespmem:s16+$0x720] =	vst v1  }
0x312: {  	v1 =	vld [tilespmem:$0xB0];
	_ =	sdelay $0x4  }
0x313: {  	v1 =	vadd.f32 v1, v0;
	_ =	sdelay $0x1  }
0x314: {  	[tilespmem:s16+$0x730] =	vst v1  }
0x315: {  	v1 =	vld [tilespmem:$0xC0];
	_ =	sdelay $0x4  }
0x316: {  	v1 =	vadd.f32 v1, v0;
	_ =	sdelay $0x1  }
0x317: {  	[tilespmem:s16+$0x740] =	vst v1  }
0x318: {  	v1 =	vld [tilespmem:$0xD0];
	_ =	sdelay $0x4  }
0x319: {  	v1 =	vadd.f32 v1, v0;
	_ =	sdelay $0x1  }
0x31a: {  	[tilespmem:s16+$0x750] =	vst v1  }
0x31b: {  	v1 =	vld [tilespmem:$0xE0];
	_ =	sdelay $0x4  }
0x31c: {  	v1 =	vadd.f32 v1, v0;
	_ =	sdelay $0x1  }
0x31d: {  	[tilespmem:s16+$0x760] =	vst v1  }
0x31e: {  	v1 =	vld [tilespmem:$0xF0];
	_ =	sdelay $0x4  }
0x31f: {  	v0 =	vadd.f32 v1, v0;
	_ =	sdelay $0x1  }
0x320: {  	[tilespmem:s16+$0x770] =	vst v0  }
0x321: {  	[hbm4b:s31+s1] =	stream.linear.scatter [tilespmem:s13], [sflag:$0x1], $0x10000, $0x38;
	[tilespmem:$0x10300] =	vst v63  }
0x322: {  	_ = 	snop  }
0x323: {  	[hbm4b:s0+s1] =	stream.linear.scatter [tilespmem:s13], [sflag:$0x1], $0x10000, $0x38;
	[tilespmem:$0x10300] =	vst v63  }
0x324: {  	_ = 	snop  }
0x325: {  	[hbm4b:s2+s1] =	stream.linear.scatter [tilespmem:s13], [sflag:$0x1], $0x10000, $0x38;
	[tilespmem:$0x10300] =	vst v63  }
0x326: {  	_ = 	snop  }
0x327: {  	[hbm4b:s3+s1] =	stream.linear.scatter [tilespmem:s13], [sflag:$0x1], $0x10000, $0x38;
	[tilespmem:$0x10300] =	vst v63  }
0x328: {  	_ = 	snop  }
0x329: {  	[hbm4b:s4+s1] =	stream.linear.scatter [tilespmem:s13], [sflag:$0x1], $0x10000, $0x38;
	[tilespmem:$0x10300] =	vst v63  }
0x32a: {  	_ = 	snop  }
0x32b: {  	[hbm4b:s5+s1] =	stream.linear.scatter [tilespmem:s13], [sflag:$0x1], $0x10000, $0x38;
	[tilespmem:$0x10300] =	vst v63  }
0x32c: {  	_ = 	snop  }
0x32d: {  	[hbm4b:s6+s1] =	stream.linear.scatter [tilespmem:s13], [sflag:$0x1], $0x10000, $0x38;
	[tilespmem:$0x10300] =	vst v63  }
0x32e: {  	_ = 	snop  }
0x32f: {  	[hbm4b:s7+s1] =	stream.linear.scatter [tilespmem:s13], [sflag:$0x1], $0x10000, $0x38;
	[tilespmem:$0x10300] =	vst v63  }
0x330: {  	_ =	swait.ge [sflag:s14], $0x10000  }
0x331: {  	[sflag:s14] =	ssyncset.done $0x0  }
0x332: {  	[sflag:s14] =	ssyncadd.s32 $0xFFFF0000  }
0x333: {  	_ =	swait.ge [sflag:s14], $0x10000  }
0x334: {  	[sflag:s14] =	ssyncset.done $0x0  }
0x335: {  	[sflag:s14] =	ssyncadd.s32 $0xFFFF0000  }
0x336: {  	_ =	swait.ge [sflag:s14], $0x10000  }
0x337: {  	[sflag:s14] =	ssyncset.done $0x0  }
0x338: {  	[sflag:s14] =	ssyncadd.s32 $0xFFFF0000  }
0x339: {  	_ =	swait.ge [sflag:s14], $0x10000  }
0x33a: {  	[sflag:s14] =	ssyncset.done $0x0  }
0x33b: {  	[sflag:s14] =	ssyncadd.s32 $0xFFFF0000  }
0x33c: {  	_ =	swait.ge [sflag:s14], $0x10000  }
0x33d: {  	[sflag:s14] =	ssyncset.done $0x0  }
0x33e: {  	[sflag:s14] =	ssyncadd.s32 $0xFFFF0000  }
0x33f: {  	_ =	swait.ge [sflag:s14], $0x10000  }
0x340: {  	[sflag:s14] =	ssyncset.done $0x0  }
0x341: {  	s15 =	sadd.s32 $0x1, s15;
	[sflag:s14] =	ssyncadd.s32 $0xFFFF0000  }
0x342: {  	p0 =	sne.s32 s15, s8;
	_ =	swait.ge [sflag:s14], $0x10000  }
.Ltmp4:
0x343: {  	[sflag:s14] =	ssyncset.done $0x0;
	(pc) =	sbr.rel @p0 .LBB2_1-.Ltmp4, $4  }
0x344: {  	[sflag:s14] =	ssyncadd.s32 $0xFFFF0000  }
0x345: {  	_ =	swait.ge [sflag:s14], $0x10000  }
0x346: {  	[sflag:s14] =	ssyncset.done $0x0  }
0x347: {  	[sflag:s14] =	ssyncadd.s32 $0xFFFF0000  }
0x348: {  	_ =	sfence.sel $0x180000  }
0x349: {  	[bflag:$0x0] =	sbarrier.arrive $0xFFFF  }
0x34a: {  	_ =	strace $0x9000004A  }
0x34b: {  	s0 =	stileid.u32;
	[bflag:$0x2] =	sbarrier.arrive $0xFFFF  }
0x34c: {  	p0 =	sne.s32 s0, $0x0;
	s0 =	rddreg [dreg:$0x2]  }
0x34d: {  	s0 =	sadd.s32 @!p0 $0x100000, s0  }
0x34e: {  	[sflag:s0] =	ssyncadd.tile.s32 @!p0 $0x1;
	_ =	shalt  }
.Lfunc_end2:
_tile_overlayer_lowered:
.L_overlay_start_2:
0x34f: {  	(tag) =	ssettag $0x2  }
0x350: {  	s0 =	rddreg [dreg:$0x0];
	s2 =	stileid.u32  }
0x351: {  	s1 =	rddreg [dreg:$0x1];
	p0 =	sne.s32 s2, $0x0  }
0x352: {  	s3 =	rddreg [dreg:$0x2];
	[bflag:$0x3] =	sbarrier.arrive $0xFFFF;
	s2 =	simm.s32 @!p0 $0x1C02  }
0x353: {  	[timem:s3], [sflag:s2] =	dma.local @!p0 [hbm:s0], s1  }
0x354: {  	s0 =	simm.s32 @!p0 $0x2  }
0x355: {  	_ =	swait.ge @!p0 [sflag:s0], s1  }
0x356: {  	s1 =	ssub.s32 @!p0 $0x0, s1;
	[sflag:s0] =	ssyncset.done @!p0 $0x0  }
0x357: {  	[sflag:s0] =	ssyncadd.s32 @!p0 s1  }
0x358: {  	[bflag:$0x3] =	sbarrier.arrive $0xFFFF  }
0x359: {  	_ =	shalt  }

</sc_bundles>
